<compile_context>
chip_gen: v7x
topology: tpu7x:2x2x1
jax: 0.10.2.dev20260603
libtpu: 0.0.44.dev20260713+nightly
codegen_flags: <defaults>
</compile_context>

<pallas_src>
import functools

import jax
import jax.numpy as jnp
from jax import lax
from jax.experimental import pallas as pl
from jax.experimental.pallas import tpu as pltpu
from jax.experimental.pallas import tpu_sc as plsc

N = 10000
E = 320000
D = 128
EMB = 128
B = 8192

NC = 2
NS = 16
NW = NC * NS

EPW = E // NW
CHUNK = 80
NCHUNK = EPW // CHUNK
SEG = 25
NSEG = NCHUNK // SEG
RPS = 640

_sc_mesh = plsc.VectorSubcoreMesh(core_axis_name="c", subcore_axis_name="s")


@functools.partial(
    pl.kernel,
    out_type=(
        jax.ShapeDtypeStruct((NC, N, D), jnp.float32),
        jax.ShapeDtypeStruct((NW, N), jnp.float32),
    ),
    mesh=_sc_mesh,
    scratch_types=[
        pltpu.VMEM((SEG, CHUNK), jnp.int32),
        pltpu.VMEM((SEG, CHUNK), jnp.int32),
        pltpu.VMEM((CHUNK, D), jnp.float32),
        pltpu.VMEM((CHUNK, D), jnp.float32),
        pltpu.VMEM((N,), jnp.float32),
        pltpu.VMEM_SHARED((N, D), jnp.float32),
        pltpu.SemaphoreType.DMA,
        pltpu.SemaphoreType.DMA,
        pltpu.SemaphoreType.DMA,
        pltpu.SemaphoreType.DMA,
    ],
    compiler_params=pltpu.CompilerParams(needs_layout_passes=False),
)
def _sc_aggregate(edges_hbm, x_hbm, agg_hbm, degp_hbm,
                  src_v, dst_v, rows0, rows1, deg_v, agg_s,
                  sem0, sem1, ssem0, ssem1):
    cid = lax.axis_index("c")
    sid = lax.axis_index("s")
    wid = cid * NS + sid

    zero16 = jnp.zeros((16,), jnp.float32)

    def _zrow(i, carry):
        r = i // (D // 16)
        c = (i % (D // 16)) * 16
        rows0[r, pl.ds(c, 16)] = zero16
        return carry

    lax.fori_loop(0, CHUNK * (D // 16), _zrow, 0)

    def _zdeg(i, carry):
        deg_v[pl.ds(i * 16, 16)] = zero16
        return carry

    lax.fori_loop(0, N // 16, _zdeg, 0)

    base = sid * RPS

    @pl.when(sid < NS - 1)
    def _():
        for k in range(RPS // CHUNK):
            pltpu.sync_copy(rows0, agg_s.at[pl.ds(base + k * CHUNK, CHUNK)])

    @pl.when(sid == NS - 1)
    def _():
        for k in range((N - (NS - 1) * RPS) // CHUNK):
            pltpu.sync_copy(
                rows0, agg_s.at[pl.ds((NS - 1) * RPS + k * CHUNK, CHUNK)])

    plsc.subcore_barrier()

    ones16 = jnp.ones((16,), jnp.float32)

    def _deg_update(j):
        for k in range(CHUNK // 16):
            idx = dst_v[j, pl.ds(k * 16, 16)]
            plsc.addupdate_scatter(deg_v, [idx], ones16)

    def _gather_start(j, rows, sem):
        pltpu.async_copy(x_hbm.at[src_v.at[j]], rows, sem)

    def _gather_wait(j, rows, sem):
        pltpu.make_async_copy(x_hbm.at[src_v.at[j]], rows, sem).wait()

    def _scat(j, rows):
        pltpu.sync_copy(rows, agg_s.at[dst_v.at[j]], add=True)

    def _body(i, carry):
        j0 = 2 * i
        _gather_start(j0 + 1, rows1, sem1)
        _deg_update(j0)
        _gather_wait(j0, rows0, sem0)
        _scat(j0, rows0)
        _gather_start(j0 + 2, rows0, sem0)
        _deg_update(j0 + 1)
        _gather_wait(j0 + 1, rows1, sem1)
        _scat(j0 + 1, rows1)
        return carry

    for s in range(NSEG):
        pltpu.sync_copy(edges_hbm.at[0, wid, s], src_v)
        pltpu.sync_copy(edges_hbm.at[1, wid, s], dst_v)
        _gather_start(0, rows0, sem0)
        lax.fori_loop(0, (SEG - 1) // 2, _body, 0)
        _deg_update(SEG - 1)
        _gather_wait(SEG - 1, rows0, sem0)
        _scat(SEG - 1, rows0)

    plsc.subcore_barrier()

    @pl.when(sid < NS - 1)
    def _():
        pltpu.sync_copy(agg_s.at[pl.ds(base, RPS)],
                        agg_hbm.at[cid, pl.ds(base, RPS)])

    @pl.when(sid == NS - 1)
    def _():
        last = N - (NS - 1) * RPS
        pltpu.sync_copy(agg_s.at[pl.ds((NS - 1) * RPS, last)],
                        agg_hbm.at[cid, pl.ds((NS - 1) * RPS, last)])

    pltpu.sync_copy(deg_v, degp_hbm.at[wid])


def _deg_sum_body(degp_ref, out_ref):
    ones = jnp.ones((NW, 1), jnp.float32)
    out_ref[...] = lax.dot_general(
        degp_ref[...], ones, (((0,), (0,)), ((), ())),
        preferred_element_type=jnp.float32)


_deg_sum = pl.pallas_call(
    _deg_sum_body,
    out_shape=jax.ShapeDtypeStruct((N, 1), jnp.float32),
)


BLK = 2000


def _dense_body(x_ref, agg_ref, deg_ref, wt_ref, h_ref):
    deg = jnp.clip(deg_ref[...], 1.0, None)
    aggsum = agg_ref[0] + agg_ref[1]
    neigh = aggsum / deg
    h = jnp.dot(x_ref[...], wt_ref[:D, :], preferred_element_type=jnp.float32)
    h = h + jnp.dot(neigh, wt_ref[D:, :], preferred_element_type=jnp.float32)
    h_ref[...] = jnp.maximum(h, 0.0)


_dense = pl.pallas_call(
    _dense_body,
    grid=(N // BLK,),
    in_specs=[
        pl.BlockSpec((BLK, D), lambda i: (i, 0)),
        pl.BlockSpec((NC, BLK, D), lambda i: (0, i, 0)),
        pl.BlockSpec((BLK, 1), lambda i: (i, 0)),
        pl.BlockSpec((2 * D, EMB), lambda i: (0, 0)),
    ],
    out_specs=pl.BlockSpec((BLK, EMB), lambda i: (i, 0)),
    out_shape=jax.ShapeDtypeStruct((N, EMB), jnp.float32),
)


PC = 128
PPW = 2 * B // NW
NPC = PPW // PC


@functools.partial(
    pl.kernel,
    out_type=jax.ShapeDtypeStruct((2 * B, EMB), jnp.float32),
    mesh=_sc_mesh,
    scratch_types=[
        pltpu.VMEM((NPC, PC), jnp.int32),
        pltpu.VMEM((PC, EMB), jnp.float32),
        pltpu.VMEM((PC, EMB), jnp.float32),
        pltpu.SemaphoreType.DMA,
        pltpu.SemaphoreType.DMA,
    ],
)
def _sc_pair_gather(uv_hbm, h_hbm, out_hbm, idx_v, buf0, buf1, sem0, sem1):
    cid = lax.axis_index("c")
    sid = lax.axis_index("s")
    wid = cid * NS + sid

    pltpu.sync_copy(uv_hbm.at[wid], idx_v)

    bufs = (buf0, buf1)
    sems = (sem0, sem1)
    pltpu.async_copy(h_hbm.at[idx_v.at[0]], bufs[0], sems[0])
    for j in range(NPC):
        if j + 1 < NPC:
            pltpu.async_copy(h_hbm.at[idx_v.at[j + 1]],
                             bufs[(j + 1) % 2], sems[(j + 1) % 2])
        pltpu.make_async_copy(h_hbm.at[idx_v.at[j]],
                              bufs[j % 2], sems[j % 2]).wait()
        pltpu.sync_copy(bufs[j % 2],
                        out_hbm.at[pl.ds((wid * NPC + j) * PC, PC)])


CB = 4096


def _cos_body(eu_ref, ev_ref, out_ref):
    eu = eu_ref[...]
    ev = ev_ref[...]
    num = jnp.sum(eu * ev, axis=1, keepdims=True)
    nu = jnp.clip(jnp.sqrt(jnp.sum(eu * eu, axis=1, keepdims=True)), 1e-8, None)
    nv = jnp.clip(jnp.sqrt(jnp.sum(ev * ev, axis=1, keepdims=True)), 1e-8, None)
    out_ref[...] = jnp.transpose(num / (nu * nv))


_cosine = pl.pallas_call(
    _cos_body,
    grid=(B // CB,),
    in_specs=[
        pl.BlockSpec((CB, EMB), lambda i: (i, 0)),
        pl.BlockSpec((CB, EMB), lambda i: (i + B // CB, 0)),
    ],
    out_specs=pl.BlockSpec((1, CB), lambda i: (0, i)),
    out_shape=jax.ShapeDtypeStruct((1, B), jnp.float32),
)


def kernel(u, v, x, edge_index, W):
    edges = edge_index.reshape(2, NW, NSEG, SEG, CHUNK)
    agg, degp = _sc_aggregate(edges, x)
    deg = _deg_sum(degp)
    h = _dense(x, agg, deg, W.T)
    uv = jnp.concatenate([u, v]).reshape(NW, NPC, PC)
    euv = _sc_pair_gather(uv, h)
    scores = _cosine(euv, euv).reshape(B)
    return scores

# --- scband reference (transcript-rebuilt; emitter-appended) ---
"""Pipeline reference for scband-unsupervised-graph-sage-42477226557511 (READ-ONLY COPY).

The authoritative reference and input builder live on the scoring server;
editing this copy changes nothing except your own understanding.
"""

import jax, jax.numpy as jnp
import numpy as np

N = 10000      # num_nodes
E = 320000     # num_edges (avg_degree=32)
D = 128        # feat_dim
EMB = 128      # embed_dim
B = 8192       # number of (u, v) node pairs


def setup_inputs(seed: int = 0) -> dict:
    key = jax.random.key(seed)
    k1, k2, k3, k4, k5 = jax.random.split(key, 5)
    x = jax.random.normal(k1, (N, D), dtype=jnp.float32)
    edge_index = jax.random.randint(k2, (2, E), 0, N, dtype=jnp.int32)
    u = jax.random.randint(k3, (B,), 0, N, dtype=jnp.int32)
    v = jax.random.randint(k4, (B,), 0, N, dtype=jnp.int32)
    # GraphSAGE encoder weight: embed_dim x (2 * feat_dim)  [self || mean-neighbor concat]
    W = jax.random.normal(k5, (EMB, 2 * D), dtype=jnp.float32) * (1.0 / np.sqrt(2 * D))
    return {"u": u, "v": v, "x": x, "edge_index": edge_index, "W": W}


def _encode(x, edge_index, W):
    # Mean aggregator over incoming neighbors (classic GraphSAGE MeanAggregator)
    src = edge_index[0]
    dst = edge_index[1]
    msgs = jnp.take(x, src, axis=0)                                   # gather  [E, D]
    agg = jax.ops.segment_sum(msgs, dst, num_segments=N)              # scatter-add [N, D]
    deg = jax.ops.segment_sum(jnp.ones((E,), jnp.float32), dst, num_segments=N)
    neigh = agg / jnp.clip(deg, 1.0, None)[:, None]                   # mean
    combined = jnp.concatenate([x, neigh], axis=1)                    # [N, 2D]
    h = jax.nn.relu(combined @ W.T)                                   # [N, EMB]
    return h


def reference(u, v, x, edge_index, W):
    h = _encode(x, edge_index, W)
    # enc(u) returns embed_dim x len(u); forward takes .t() then cosine along dim=1
    embed_u = jnp.take(h, u, axis=0)                                  # [B, EMB]
    embed_v = jnp.take(h, v, axis=0)                                  # [B, EMB]
    num = jnp.sum(embed_u * embed_v, axis=1)
    nu = jnp.clip(jnp.linalg.norm(embed_u, axis=1), 1e-8, None)
    nv = jnp.clip(jnp.linalg.norm(embed_v, axis=1), 1e-8, None)
    scores = num / (nu * nv)                                          # [B]
    return scores

if __name__ == "__main__":
    import jax
    _d = setup_inputs()
    print(jax.jit(kernel)(*tuple(_d.values())))

</pallas_src>

<mosaic_0001>
#map = affine_map<(d0, d1) -> (0, 0, 0, 0, 0)>
#map1 = affine_map<(d0, d1) -> (0, 0)>
#map2 = affine_map<(d0, d1) -> (0, 0, 0)>
module attributes {stable_mosaic.version = 14 : i64} {
  func.func @_sc_aggregate(%arg0: i32, %arg1: i32, %arg2: memref<2x32x5x25x80xi32, #tpu.memory_space<hbm>>, %arg3: memref<10000x128xf32, #tpu.memory_space<hbm>>, %arg4: memref<2x10000x128xf32, #tpu.memory_space<hbm>>, %arg5: memref<32x10000xf32, #tpu.memory_space<hbm>>, %arg6: memref<25x80xi32, #tpu.memory_space<vmem>>, %arg7: memref<25x80xi32, #tpu.memory_space<vmem>>, %arg8: memref<80x128xf32, #tpu.memory_space<vmem>>, %arg9: memref<80x128xf32, #tpu.memory_space<vmem>>, %arg10: memref<10000xf32, #tpu.memory_space<vmem>>, %arg11: memref<10000x128xf32, #tpu.memory_space<vmem_shared>>, %arg12: memref<!tpu.dma_semaphore, #tpu.memory_space<semaphore_mem>>, %arg13: memref<!tpu.dma_semaphore, #tpu.memory_space<semaphore_mem>>, %arg14: memref<!tpu.dma_semaphore, #tpu.memory_space<semaphore_mem>>, %arg15: memref<!tpu.dma_semaphore, #tpu.memory_space<semaphore_mem>>) attributes {dimension_semantics = [#tpu.dimension_semantics<core_parallel>, #tpu.dimension_semantics<subcore_parallel>], iteration_bounds = array<i64: 2, 16>, scalar_prefetch = 0 : i64, scratch_operands = 10 : i64, tpu.core_type = #tpu.core_type<sc_vector_subcore>, window_params = [{transform_indices = #map}, {transform_indices = #map1}, {transform_indices = #map2}, {transform_indices = #map1}]} {
    %mul3A = arith.constant 16 : i32
    %mul3A_0 = arith.muli %arg0, %mul3A : i32
    %add3A = arith.addi %mul3A_0, %arg1 : i32
    %broadcast_in_dim3A = arith.constant 0.000000e+00 : f32
    %broadcast_in_dim3A_1 = vector.broadcast %broadcast_in_dim3A : f32 to vector<16xf32>
    %scan3A = arith.constant 0 : i32
    %scan3A_2 = arith.constant 0 : i32
    %scan3A_3 = arith.constant 640 : i32
    %scan3A_4 = arith.addi %scan3A_2, %scan3A_3 : i32
    %scan3A_5 = arith.constant 1 : i32
    scf.for %scan3A_255 = %scan3A_2 to %scan3A_4 step %scan3A_5  : i32 {
      %jit3A = arith.constant 8 : i32
      %div3A = arith.divsi %scan3A_255, %jit3A : i32
      %sign3A = arith.constant 0 : i32
      %sign3A_256 = arith.cmpi sgt, %scan3A_255, %sign3A : i32
      %sign3A_257 = arith.extui %sign3A_256 : i1 to i32
      %sign3A_258 = arith.constant 0 : i32
      %sign3A_259 = arith.cmpi slt, %scan3A_255, %sign3A_258 : i32
      %sign3A_260 = arith.extui %sign3A_259 : i1 to i32
      %sign3A_261 = arith.subi %sign3A_257, %sign3A_260 : i32
      %sign3A_262 = arith.constant 0 : i32
      %sign3A_263 = arith.cmpi sgt, %jit3A, %sign3A_262 : i32
      %sign3A_264 = arith.extui %sign3A_263 : i1 to i32
      %sign3A_265 = arith.constant 0 : i32
      %sign3A_266 = arith.cmpi slt, %jit3A, %sign3A_265 : i32
      %sign3A_267 = arith.extui %sign3A_266 : i1 to i32
      %sign3A_268 = arith.subi %sign3A_264, %sign3A_267 : i32
      %ne3A = arith.cmpi ne, %sign3A_261, %sign3A_268 : i32
      %rem3A = arith.remsi %scan3A_255, %jit3A : i32
      %ne3A_269 = arith.constant 0 : i32
      %ne3A_270 = arith.cmpi ne, %rem3A, %ne3A_269 : i32
      %and3A = arith.andi %ne3A, %ne3A_270 : i1
      %sub3A = arith.constant 1 : i32
      %sub3A_271 = arith.subi %div3A, %sub3A : i32
      %select_n3A = arith.select %and3A, %sub3A_271, %div3A : i32
      %jit3A_272 = arith.constant 8 : i32
      %eq3A_273 = arith.constant 0 : i32
      %eq3A_274 = arith.cmpi eq, %jit3A_272, %eq3A_273 : i32
      %jit3A_275 = arith.constant 1 : i32
      %select_n3A_276 = arith.select %eq3A_274, %jit3A_275, %jit3A_272 : i32
      %rem3A_277 = arith.remsi %scan3A_255, %select_n3A_276 : i32
      %ne3A_278 = arith.constant 0 : i32
      %ne3A_279 = arith.cmpi ne, %rem3A_277, %ne3A_278 : i32
      %lt3A_280 = arith.constant 0 : i32
      %lt3A_281 = arith.cmpi slt, %rem3A_277, %lt3A_280 : i32
      %lt3A_282 = arith.constant 0 : i32
      %lt3A_283 = arith.cmpi slt, %select_n3A_276, %lt3A_282 : i32
      %ne3A_284 = arith.xori %lt3A_281, %lt3A_283 : i1
      %and3A_285 = arith.andi %ne3A_284, %ne3A_279 : i1
      %add3A_286 = arith.addi %rem3A_277, %select_n3A_276 : i32
      %select_n3A_287 = arith.select %and3A_285, %add3A_286, %rem3A_277 : i32
      %mul3A_288 = arith.constant 16 : i32
      %mul3A_289 = arith.muli %select_n3A_287, %mul3A_288 : i32
      %swap3A = arith.index_cast %select_n3A : i32 to index
      %swap3A_290 = arith.index_cast %mul3A_289 : i32 to index
      %swap3A_291 = tpu.vector_load %arg8[%swap3A, %swap3A_290] {strides = array<i32>} : memref<80x128xf32, #tpu.memory_space<vmem>>, vector<16xf32>,
      tpu.vector_store %arg8[%swap3A, %swap3A_290], %broadcast_in_dim3A_1 {strides = array<i32>} : memref<80x128xf32, #tpu.memory_space<vmem>>, vector<16xf32>,
    }
    %scan3A_6 = arith.constant 640 : i32
    %scan3A_7 = arith.constant 0 : i32
    %scan3A_8 = arith.constant 0 : i32
    %scan3A_9 = arith.constant 625 : i32
    %scan3A_10 = arith.addi %scan3A_8, %scan3A_9 : i32
    %scan3A_11 = arith.constant 1 : i32
    scf.for %scan3A_255 = %scan3A_8 to %scan3A_10 step %scan3A_11  : i32 {
      %mul3A_256 = arith.constant 16 : i32
      %mul3A_257 = arith.muli %scan3A_255, %mul3A_256 : i32
      %swap3A = arith.index_cast %mul3A_257 : i32 to index
      %swap3A_258 = tpu.vector_load %arg10[%swap3A] {strides = array<i32>} : memref<10000xf32, #tpu.memory_space<vmem>>, vector<16xf32>,
      tpu.vector_store %arg10[%swap3A], %broadcast_in_dim3A_1 {strides = array<i32>} : memref<10000xf32, #tpu.memory_space<vmem>>, vector<16xf32>,
    }
    %scan3A_12 = arith.constant 625 : i32
    %mul3A_13 = arith.constant 640 : i32
    %mul3A_14 = arith.muli %arg1, %mul3A_13 : i32
    %lt3A = arith.constant 15 : i32
    %lt3A_15 = arith.cmpi slt, %arg1, %lt3A : i32
    %convert_element_type3A = arith.extui %lt3A_15 : i1 to i32
    %cond3A = arith.constant 0 : i32
    %cond3A_16 = arith.cmpi ne, %convert_element_type3A, %cond3A : i32
    scf.if %cond3A_16 {
      %add3A_255 = arith.constant 0 : i32
      %add3A_256 = arith.addi %mul3A_14, %add3A_255 : i32
      "tpu.region"() ({
        %run_scoped3A_271 = tpu.sem_alloc : memref<!tpu.dma_semaphore, #tpu.memory_space<semaphore_mem>>
        %dma_start3A_272 = arith.constant 0 : i32
        %dma_start3A_273 = tpu.memref_slice %arg11[%add3A_256, %dma_start3A_272] : memref<10000x128xf32, #tpu.memory_space<vmem_shared>> -> memref<80x128xf32, #tpu.memory_space<vmem_shared>>
        %dma_start3A_274 = arith.constant 0 : i32
        %dma_start3A_275 = tpu.memref_slice %arg11[%add3A_256, %dma_start3A_274] : memref<10000x128xf32, #tpu.memory_space<vmem_shared>> -> memref<80x128xf32, #tpu.memory_space<vmem_shared>>
        tpu.enqueue_dma source(%arg8 : memref<80x128xf32, #tpu.memory_space<vmem>>) target(%dma_start3A_275 : memref<80x128xf32, #tpu.memory_space<vmem_shared>>) target_semaphore(%run_scoped3A_271 : memref<!tpu.dma_semaphore, #tpu.memory_space<semaphore_mem>>)
        %dma_wait3A_276 = arith.constant 0 : i32
        %dma_wait3A_277 = tpu.memref_slice %arg11[%add3A_256, %dma_wait3A_276] : memref<10000x128xf32, #tpu.memory_space<vmem_shared>> -> memref<80x128xf32, #tpu.memory_space<vmem_shared>>
        %dma_wait3A_278 = arith.constant 0 : i32
        %dma_wait3A_279 = tpu.memref_slice %arg11[%add3A_256, %dma_wait3A_278] : memref<10000x128xf32, #tpu.memory_space<vmem_shared>> -> memref<80x128xf32, #tpu.memory_space<vmem_shared>>
        tpu.wait_dma2 semaphore(%run_scoped3A_271 : memref<!tpu.dma_semaphore, #tpu.memory_space<semaphore_mem>>) src(%arg8 : memref<80x128xf32, #tpu.memory_space<vmem>>) dst(%dma_wait3A_279 : memref<80x128xf32, #tpu.memory_space<vmem_shared>>)
        tpu.yield
      }) : () -> ()
      %add3A_257 = arith.constant 80 : i32
      %add3A_258 = arith.addi %mul3A_14, %add3A_257 : i32
      "tpu.region"() ({
        %run_scoped3A_271 = tpu.sem_alloc : memref<!tpu.dma_semaphore, #tpu.memory_space<semaphore_mem>>
        %dma_start3A_272 = arith.constant 0 : i32
        %dma_start3A_273 = tpu.memref_slice %arg11[%add3A_258, %dma_start3A_272] : memref<10000x128xf32, #tpu.memory_space<vmem_shared>> -> memref<80x128xf32, #tpu.memory_space<vmem_shared>>
        %dma_start3A_274 = arith.constant 0 : i32
        %dma_start3A_275 = tpu.memref_slice %arg11[%add3A_258, %dma_start3A_274] : memref<10000x128xf32, #tpu.memory_space<vmem_shared>> -> memref<80x128xf32, #tpu.memory_space<vmem_shared>>
        tpu.enqueue_dma source(%arg8 : memref<80x128xf32, #tpu.memory_space<vmem>>) target(%dma_start3A_275 : memref<80x128xf32, #tpu.memory_space<vmem_shared>>) target_semaphore(%run_scoped3A_271 : memref<!tpu.dma_semaphore, #tpu.memory_space<semaphore_mem>>)
        %dma_wait3A_276 = arith.constant 0 : i32
        %dma_wait3A_277 = tpu.memref_slice %arg11[%add3A_258, %dma_wait3A_276] : memref<10000x128xf32, #tpu.memory_space<vmem_shared>> -> memref<80x128xf32, #tpu.memory_space<vmem_shared>>
        %dma_wait3A_278 = arith.constant 0 : i32
        %dma_wait3A_279 = tpu.memref_slice %arg11[%add3A_258, %dma_wait3A_278] : memref<10000x128xf32, #tpu.memory_space<vmem_shared>> -> memref<80x128xf32, #tpu.memory_space<vmem_shared>>
        tpu.wait_dma2 semaphore(%run_scoped3A_271 : memref<!tpu.dma_semaphore, #tpu.memory_space<semaphore_mem>>) src(%arg8 : memref<80x128xf32, #tpu.memory_space<vmem>>) dst(%dma_wait3A_279 : memref<80x128xf32, #tpu.memory_space<vmem_shared>>)
        tpu.yield
      }) : () -> ()
      %add3A_259 = arith.constant 160 : i32
      %add3A_260 = arith.addi %mul3A_14, %add3A_259 : i32
      "tpu.region"() ({
        %run_scoped3A_271 = tpu.sem_alloc : memref<!tpu.dma_semaphore, #tpu.memory_space<semaphore_mem>>
        %dma_start3A_272 = arith.constant 0 : i32
        %dma_start3A_273 = tpu.memref_slice %arg11[%add3A_260, %dma_start3A_272] : memref<10000x128xf32, #tpu.memory_space<vmem_shared>> -> memref<80x128xf32, #tpu.memory_space<vmem_shared>>
        %dma_start3A_274 = arith.constant 0 : i32
        %dma_start3A_275 = tpu.memref_slice %arg11[%add3A_260, %dma_start3A_274] : memref<10000x128xf32, #tpu.memory_space<vmem_shared>> -> memref<80x128xf32, #tpu.memory_space<vmem_shared>>
        tpu.enqueue_dma source(%arg8 : memref<80x128xf32, #tpu.memory_space<vmem>>) target(%dma_start3A_275 : memref<80x128xf32, #tpu.memory_space<vmem_shared>>) target_semaphore(%run_scoped3A_271 : memref<!tpu.dma_semaphore, #tpu.memory_space<semaphore_mem>>)
        %dma_wait3A_276 = arith.constant 0 : i32
        %dma_wait3A_277 = tpu.memref_slice %arg11[%add3A_260, %dma_wait3A_276] : memref<10000x128xf32, #tpu.memory_space<vmem_shared>> -> memref<80x128xf32, #tpu.memory_space<vmem_shared>>
        %dma_wait3A_278 = arith.constant 0 : i32
        %dma_wait3A_279 = tpu.memref_slice %arg11[%add3A_260, %dma_wait3A_278] : memref<10000x128xf32, #tpu.memory_space<vmem_shared>> -> memref<80x128xf32, #tpu.memory_space<vmem_shared>>
        tpu.wait_dma2 semaphore(%run_scoped3A_271 : memref<!tpu.dma_semaphore, #tpu.memory_space<semaphore_mem>>) src(%arg8 : memref<80x128xf32, #tpu.memory_space<vmem>>) dst(%dma_wait3A_279 : memref<80x128xf32, #tpu.memory_space<vmem_shared>>)
        tpu.yield
      }) : () -> ()
      %add3A_261 = arith.constant 240 : i32
      %add3A_262 = arith.addi %mul3A_14, %add3A_261 : i32
      "tpu.region"() ({
        %run_scoped3A_271 = tpu.sem_alloc : memref<!tpu.dma_semaphore, #tpu.memory_space<semaphore_mem>>
        %dma_start3A_272 = arith.constant 0 : i32
        %dma_start3A_273 = tpu.memref_slice %arg11[%add3A_262, %dma_start3A_272] : memref<10000x128xf32, #tpu.memory_space<vmem_shared>> -> memref<80x128xf32, #tpu.memory_space<vmem_shared>>
        %dma_start3A_274 = arith.constant 0 : i32
        %dma_start3A_275 = tpu.memref_slice %arg11[%add3A_262, %dma_start3A_274] : memref<10000x128xf32, #tpu.memory_space<vmem_shared>> -> memref<80x128xf32, #tpu.memory_space<vmem_shared>>
        tpu.enqueue_dma source(%arg8 : memref<80x128xf32, #tpu.memory_space<vmem>>) target(%dma_start3A_275 : memref<80x128xf32, #tpu.memory_space<vmem_shared>>) target_semaphore(%run_scoped3A_271 : memref<!tpu.dma_semaphore, #tpu.memory_space<semaphore_mem>>)
        %dma_wait3A_276 = arith.constant 0 : i32
        %dma_wait3A_277 = tpu.memref_slice %arg11[%add3A_262, %dma_wait3A_276] : memref<10000x128xf32, #tpu.memory_space<vmem_shared>> -> memref<80x128xf32, #tpu.memory_space<vmem_shared>>
        %dma_wait3A_278 = arith.constant 0 : i32
        %dma_wait3A_279 = tpu.memref_slice %arg11[%add3A_262, %dma_wait3A_278] : memref<10000x128xf32, #tpu.memory_space<vmem_shared>> -> memref<80x128xf32, #tpu.memory_space<vmem_shared>>
        tpu.wait_dma2 semaphore(%run_scoped3A_271 : memref<!tpu.dma_semaphore, #tpu.memory_space<semaphore_mem>>) src(%arg8 : memref<80x128xf32, #tpu.memory_space<vmem>>) dst(%dma_wait3A_279 : memref<80x128xf32, #tpu.memory_space<vmem_shared>>)
        tpu.yield
      }) : () -> ()
      %add3A_263 = arith.constant 320 : i32
      %add3A_264 = arith.addi %mul3A_14, %add3A_263 : i32
      "tpu.region"() ({
        %run_scoped3A_271 = tpu.sem_alloc : memref<!tpu.dma_semaphore, #tpu.memory_space<semaphore_mem>>
        %dma_start3A_272 = arith.constant 0 : i32
        %dma_start3A_273 = tpu.memref_slice %arg11[%add3A_264, %dma_start3A_272] : memref<10000x128xf32, #tpu.memory_space<vmem_shared>> -> memref<80x128xf32, #tpu.memory_space<vmem_shared>>
        %dma_start3A_274 = arith.constant 0 : i32
        %dma_start3A_275 = tpu.memref_slice %arg11[%add3A_264, %dma_start3A_274] : memref<10000x128xf32, #tpu.memory_space<vmem_shared>> -> memref<80x128xf32, #tpu.memory_space<vmem_shared>>
        tpu.enqueue_dma source(%arg8 : memref<80x128xf32, #tpu.memory_space<vmem>>) target(%dma_start3A_275 : memref<80x128xf32, #tpu.memory_space<vmem_shared>>) target_semaphore(%run_scoped3A_271 : memref<!tpu.dma_semaphore, #tpu.memory_space<semaphore_mem>>)
        %dma_wait3A_276 = arith.constant 0 : i32
        %dma_wait3A_277 = tpu.memref_slice %arg11[%add3A_264, %dma_wait3A_276] : memref<10000x128xf32, #tpu.memory_space<vmem_shared>> -> memref<80x128xf32, #tpu.memory_space<vmem_shared>>
        %dma_wait3A_278 = arith.constant 0 : i32
        %dma_wait3A_279 = tpu.memref_slice %arg11[%add3A_264, %dma_wait3A_278] : memref<10000x128xf32, #tpu.memory_space<vmem_shared>> -> memref<80x128xf32, #tpu.memory_space<vmem_shared>>
        tpu.wait_dma2 semaphore(%run_scoped3A_271 : memref<!tpu.dma_semaphore, #tpu.memory_space<semaphore_mem>>) src(%arg8 : memref<80x128xf32, #tpu.memory_space<vmem>>) dst(%dma_wait3A_279 : memref<80x128xf32, #tpu.memory_space<vmem_shared>>)
        tpu.yield
      }) : () -> ()
      %add3A_265 = arith.constant 400 : i32
      %add3A_266 = arith.addi %mul3A_14, %add3A_265 : i32
      "tpu.region"() ({
        %run_scoped3A_271 = tpu.sem_alloc : memref<!tpu.dma_semaphore, #tpu.memory_space<semaphore_mem>>
        %dma_start3A_272 = arith.constant 0 : i32
        %dma_start3A_273 = tpu.memref_slice %arg11[%add3A_266, %dma_start3A_272] : memref<10000x128xf32, #tpu.memory_space<vmem_shared>> -> memref<80x128xf32, #tpu.memory_space<vmem_shared>>
        %dma_start3A_274 = arith.constant 0 : i32
        %dma_start3A_275 = tpu.memref_slice %arg11[%add3A_266, %dma_start3A_274] : memref<10000x128xf32, #tpu.memory_space<vmem_shared>> -> memref<80x128xf32, #tpu.memory_space<vmem_shared>>
        tpu.enqueue_dma source(%arg8 : memref<80x128xf32, #tpu.memory_space<vmem>>) target(%dma_start3A_275 : memref<80x128xf32, #tpu.memory_space<vmem_shared>>) target_semaphore(%run_scoped3A_271 : memref<!tpu.dma_semaphore, #tpu.memory_space<semaphore_mem>>)
        %dma_wait3A_276 = arith.constant 0 : i32
        %dma_wait3A_277 = tpu.memref_slice %arg11[%add3A_266, %dma_wait3A_276] : memref<10000x128xf32, #tpu.memory_space<vmem_shared>> -> memref<80x128xf32, #tpu.memory_space<vmem_shared>>
        %dma_wait3A_278 = arith.constant 0 : i32
        %dma_wait3A_279 = tpu.memref_slice %arg11[%add3A_266, %dma_wait3A_278] : memref<10000x128xf32, #tpu.memory_space<vmem_shared>> -> memref<80x128xf32, #tpu.memory_space<vmem_shared>>
        tpu.wait_dma2 semaphore(%run_scoped3A_271 : memref<!tpu.dma_semaphore, #tpu.memory_space<semaphore_mem>>) src(%arg8 : memref<80x128xf32, #tpu.memory_space<vmem>>) dst(%dma_wait3A_279 : memref<80x128xf32, #tpu.memory_space<vmem_shared>>)
        tpu.yield
      }) : () -> ()
      %add3A_267 = arith.constant 480 : i32
      %add3A_268 = arith.addi %mul3A_14, %add3A_267 : i32
      "tpu.region"() ({
        %run_scoped3A_271 = tpu.sem_alloc : memref<!tpu.dma_semaphore, #tpu.memory_space<semaphore_mem>>
        %dma_start3A_272 = arith.constant 0 : i32
        %dma_start3A_273 = tpu.memref_slice %arg11[%add3A_268, %dma_start3A_272] : memref<10000x128xf32, #tpu.memory_space<vmem_shared>> -> memref<80x128xf32, #tpu.memory_space<vmem_shared>>
        %dma_start3A_274 = arith.constant 0 : i32
        %dma_start3A_275 = tpu.memref_slice %arg11[%add3A_268, %dma_start3A_274] : memref<10000x128xf32, #tpu.memory_space<vmem_shared>> -> memref<80x128xf32, #tpu.memory_space<vmem_shared>>
        tpu.enqueue_dma source(%arg8 : memref<80x128xf32, #tpu.memory_space<vmem>>) target(%dma_start3A_275 : memref<80x128xf32, #tpu.memory_space<vmem_shared>>) target_semaphore(%run_scoped3A_271 : memref<!tpu.dma_semaphore, #tpu.memory_space<semaphore_mem>>)
        %dma_wait3A_276 = arith.constant 0 : i32
        %dma_wait3A_277 = tpu.memref_slice %arg11[%add3A_268, %dma_wait3A_276] : memref<10000x128xf32, #tpu.memory_space<vmem_shared>> -> memref<80x128xf32, #tpu.memory_space<vmem_shared>>
        %dma_wait3A_278 = arith.constant 0 : i32
        %dma_wait3A_279 = tpu.memref_slice %arg11[%add3A_268, %dma_wait3A_278] : memref<10000x128xf32, #tpu.memory_space<vmem_shared>> -> memref<80x128xf32, #tpu.memory_space<vmem_shared>>
        tpu.wait_dma2 semaphore(%run_scoped3A_271 : memref<!tpu.dma_semaphore, #tpu.memory_space<semaphore_mem>>) src(%arg8 : memref<80x128xf32, #tpu.memory_space<vmem>>) dst(%dma_wait3A_279 : memref<80x128xf32, #tpu.memory_space<vmem_shared>>)
        tpu.yield
      }) : () -> ()
      %add3A_269 = arith.constant 560 : i32
      %add3A_270 = arith.addi %mul3A_14, %add3A_269 : i32
      "tpu.region"() ({
        %run_scoped3A_271 = tpu.sem_alloc : memref<!tpu.dma_semaphore, #tpu.memory_space<semaphore_mem>>
        %dma_start3A_272 = arith.constant 0 : i32
        %dma_start3A_273 = tpu.memref_slice %arg11[%add3A_270, %dma_start3A_272] : memref<10000x128xf32, #tpu.memory_space<vmem_shared>> -> memref<80x128xf32, #tpu.memory_space<vmem_shared>>
        %dma_start3A_274 = arith.constant 0 : i32
        %dma_start3A_275 = tpu.memref_slice %arg11[%add3A_270, %dma_start3A_274] : memref<10000x128xf32, #tpu.memory_space<vmem_shared>> -> memref<80x128xf32, #tpu.memory_space<vmem_shared>>
        tpu.enqueue_dma source(%arg8 : memref<80x128xf32, #tpu.memory_space<vmem>>) target(%dma_start3A_275 : memref<80x128xf32, #tpu.memory_space<vmem_shared>>) target_semaphore(%run_scoped3A_271 : memref<!tpu.dma_semaphore, #tpu.memory_space<semaphore_mem>>)
        %dma_wait3A_276 = arith.constant 0 : i32
        %dma_wait3A_277 = tpu.memref_slice %arg11[%add3A_270, %dma_wait3A_276] : memref<10000x128xf32, #tpu.memory_space<vmem_shared>> -> memref<80x128xf32, #tpu.memory_space<vmem_shared>>
        %dma_wait3A_278 = arith.constant 0 : i32
        %dma_wait3A_279 = tpu.memref_slice %arg11[%add3A_270, %dma_wait3A_278] : memref<10000x128xf32, #tpu.memory_space<vmem_shared>> -> memref<80x128xf32, #tpu.memory_space<vmem_shared>>
        tpu.wait_dma2 semaphore(%run_scoped3A_271 : memref<!tpu.dma_semaphore, #tpu.memory_space<semaphore_mem>>) src(%arg8 : memref<80x128xf32, #tpu.memory_space<vmem>>) dst(%dma_wait3A_279 : memref<80x128xf32, #tpu.memory_space<vmem_shared>>)
        tpu.yield
      }) : () -> ()
    } else {
    }
    %eq3A = arith.constant 15 : i32
    %eq3A_17 = arith.cmpi eq, %arg1, %eq3A : i32
    %convert_element_type3A_18 = arith.extui %eq3A_17 : i1 to i32
    %cond3A_19 = arith.constant 0 : i32
    %cond3A_20 = arith.cmpi ne, %convert_element_type3A_18, %cond3A_19 : i32
    scf.if %cond3A_20 {
      "tpu.region"() ({
        %run_scoped3A_255 = tpu.sem_alloc : memref<!tpu.dma_semaphore, #tpu.memory_space<semaphore_mem>>
        %dma_start3A_256 = arith.constant 9600 : i32
        %dma_start3A_257 = arith.constant 0 : i32
        %dma_start3A_258 = tpu.memref_slice %arg11[%dma_start3A_256, %dma_start3A_257] : memref<10000x128xf32, #tpu.memory_space<vmem_shared>> -> memref<80x128xf32, #tpu.memory_space<vmem_shared>>
        %dma_start3A_259 = arith.constant 9600 : i32
        %dma_start3A_260 = arith.constant 0 : i32
        %dma_start3A_261 = tpu.memref_slice %arg11[%dma_start3A_259, %dma_start3A_260] : memref<10000x128xf32, #tpu.memory_space<vmem_shared>> -> memref<80x128xf32, #tpu.memory_space<vmem_shared>>
        tpu.enqueue_dma source(%arg8 : memref<80x128xf32, #tpu.memory_space<vmem>>) target(%dma_start3A_261 : memref<80x128xf32, #tpu.memory_space<vmem_shared>>) target_semaphore(%run_scoped3A_255 : memref<!tpu.dma_semaphore, #tpu.memory_space<semaphore_mem>>)
        %dma_wait3A_262 = arith.constant 9600 : i32
        %dma_wait3A_263 = arith.constant 0 : i32
        %dma_wait3A_264 = tpu.memref_slice %arg11[%dma_wait3A_262, %dma_wait3A_263] : memref<10000x128xf32, #tpu.memory_space<vmem_shared>> -> memref<80x128xf32, #tpu.memory_space<vmem_shared>>
        %dma_wait3A_265 = arith.constant 9600 : i32
        %dma_wait3A_266 = arith.constant 0 : i32
        %dma_wait3A_267 = tpu.memref_slice %arg11[%dma_wait3A_265, %dma_wait3A_266] : memref<10000x128xf32, #tpu.memory_space<vmem_shared>> -> memref<80x128xf32, #tpu.memory_space<vmem_shared>>
        tpu.wait_dma2 semaphore(%run_scoped3A_255 : memref<!tpu.dma_semaphore, #tpu.memory_space<semaphore_mem>>) src(%arg8 : memref<80x128xf32, #tpu.memory_space<vmem>>) dst(%dma_wait3A_267 : memref<80x128xf32, #tpu.memory_space<vmem_shared>>)
        tpu.yield
      }) : () -> ()
      "tpu.region"() ({
        %run_scoped3A_255 = tpu.sem_alloc : memref<!tpu.dma_semaphore, #tpu.memory_space<semaphore_mem>>
        %dma_start3A_256 = arith.constant 9680 : i32
        %dma_start3A_257 = arith.constant 0 : i32
        %dma_start3A_258 = tpu.memref_slice %arg11[%dma_start3A_256, %dma_start3A_257] : memref<10000x128xf32, #tpu.memory_space<vmem_shared>> -> memref<80x128xf32, #tpu.memory_space<vmem_shared>>
        %dma_start3A_259 = arith.constant 9680 : i32
        %dma_start3A_260 = arith.constant 0 : i32
        %dma_start3A_261 = tpu.memref_slice %arg11[%dma_start3A_259, %dma_start3A_260] : memref<10000x128xf32, #tpu.memory_space<vmem_shared>> -> memref<80x128xf32, #tpu.memory_space<vmem_shared>>
        tpu.enqueue_dma source(%arg8 : memref<80x128xf32, #tpu.memory_space<vmem>>) target(%dma_start3A_261 : memref<80x128xf32, #tpu.memory_space<vmem_shared>>) target_semaphore(%run_scoped3A_255 : memref<!tpu.dma_semaphore, #tpu.memory_space<semaphore_mem>>)
        %dma_wait3A_262 = arith.constant 9680 : i32
        %dma_wait3A_263 = arith.constant 0 : i32
        %dma_wait3A_264 = tpu.memref_slice %arg11[%dma_wait3A_262, %dma_wait3A_263] : memref<10000x128xf32, #tpu.memory_space<vmem_shared>> -> memref<80x128xf32, #tpu.memory_space<vmem_shared>>
        %dma_wait3A_265 = arith.constant 9680 : i32
        %dma_wait3A_266 = arith.constant 0 : i32
        %dma_wait3A_267 = tpu.memref_slice %arg11[%dma_wait3A_265, %dma_wait3A_266] : memref<10000x128xf32, #tpu.memory_space<vmem_shared>> -> memref<80x128xf32, #tpu.memory_space<vmem_shared>>
        tpu.wait_dma2 semaphore(%run_scoped3A_255 : memref<!tpu.dma_semaphore, #tpu.memory_space<semaphore_mem>>) src(%arg8 : memref<80x128xf32, #tpu.memory_space<vmem>>) dst(%dma_wait3A_267 : memref<80x128xf32, #tpu.memory_space<vmem_shared>>)
        tpu.yield
      }) : () -> ()
      "tpu.region"() ({
        %run_scoped3A_255 = tpu.sem_alloc : memref<!tpu.dma_semaphore, #tpu.memory_space<semaphore_mem>>
        %dma_start3A_256 = arith.constant 9760 : i32
        %dma_start3A_257 = arith.constant 0 : i32
        %dma_start3A_258 = tpu.memref_slice %arg11[%dma_start3A_256, %dma_start3A_257] : memref<10000x128xf32, #tpu.memory_space<vmem_shared>> -> memref<80x128xf32, #tpu.memory_space<vmem_shared>>
        %dma_start3A_259 = arith.constant 9760 : i32
        %dma_start3A_260 = arith.constant 0 : i32
        %dma_start3A_261 = tpu.memref_slice %arg11[%dma_start3A_259, %dma_start3A_260] : memref<10000x128xf32, #tpu.memory_space<vmem_shared>> -> memref<80x128xf32, #tpu.memory_space<vmem_shared>>
        tpu.enqueue_dma source(%arg8 : memref<80x128xf32, #tpu.memory_space<vmem>>) target(%dma_start3A_261 : memref<80x128xf32, #tpu.memory_space<vmem_shared>>) target_semaphore(%run_scoped3A_255 : memref<!tpu.dma_semaphore, #tpu.memory_space<semaphore_mem>>)
        %dma_wait3A_262 = arith.constant 9760 : i32
        %dma_wait3A_263 = arith.constant 0 : i32
        %dma_wait3A_264 = tpu.memref_slice %arg11[%dma_wait3A_262, %dma_wait3A_263] : memref<10000x128xf32, #tpu.memory_space<vmem_shared>> -> memref<80x128xf32, #tpu.memory_space<vmem_shared>>
        %dma_wait3A_265 = arith.constant 9760 : i32
        %dma_wait3A_266 = arith.constant 0 : i32
        %dma_wait3A_267 = tpu.memref_slice %arg11[%dma_wait3A_265, %dma_wait3A_266] : memref<10000x128xf32, #tpu.memory_space<vmem_shared>> -> memref<80x128xf32, #tpu.memory_space<vmem_shared>>
        tpu.wait_dma2 semaphore(%run_scoped3A_255 : memref<!tpu.dma_semaphore, #tpu.memory_space<semaphore_mem>>) src(%arg8 : memref<80x128xf32, #tpu.memory_space<vmem>>) dst(%dma_wait3A_267 : memref<80x128xf32, #tpu.memory_space<vmem_shared>>)
        tpu.yield
      }) : () -> ()
      "tpu.region"() ({
        %run_scoped3A_255 = tpu.sem_alloc : memref<!tpu.dma_semaphore, #tpu.memory_space<semaphore_mem>>
        %dma_start3A_256 = arith.constant 9840 : i32
        %dma_start3A_257 = arith.constant 0 : i32
        %dma_start3A_258 = tpu.memref_slice %arg11[%dma_start3A_256, %dma_start3A_257] : memref<10000x128xf32, #tpu.memory_space<vmem_shared>> -> memref<80x128xf32, #tpu.memory_space<vmem_shared>>
        %dma_start3A_259 = arith.constant 9840 : i32
        %dma_start3A_260 = arith.constant 0 : i32
        %dma_start3A_261 = tpu.memref_slice %arg11[%dma_start3A_259, %dma_start3A_260] : memref<10000x128xf32, #tpu.memory_space<vmem_shared>> -> memref<80x128xf32, #tpu.memory_space<vmem_shared>>
        tpu.enqueue_dma source(%arg8 : memref<80x128xf32, #tpu.memory_space<vmem>>) target(%dma_start3A_261 : memref<80x128xf32, #tpu.memory_space<vmem_shared>>) target_semaphore(%run_scoped3A_255 : memref<!tpu.dma_semaphore, #tpu.memory_space<semaphore_mem>>)
        %dma_wait3A_262 = arith.constant 9840 : i32
        %dma_wait3A_263 = arith.constant 0 : i32
        %dma_wait3A_264 = tpu.memref_slice %arg11[%dma_wait3A_262, %dma_wait3A_263] : memref<10000x128xf32, #tpu.memory_space<vmem_shared>> -> memref<80x128xf32, #tpu.memory_space<vmem_shared>>
        %dma_wait3A_265 = arith.constant 9840 : i32
        %dma_wait3A_266 = arith.constant 0 : i32
        %dma_wait3A_267 = tpu.memref_slice %arg11[%dma_wait3A_265, %dma_wait3A_266] : memref<10000x128xf32, #tpu.memory_space<vmem_shared>> -> memref<80x128xf32, #tpu.memory_space<vmem_shared>>
        tpu.wait_dma2 semaphore(%run_scoped3A_255 : memref<!tpu.dma_semaphore, #tpu.memory_space<semaphore_mem>>) src(%arg8 : memref<80x128xf32, #tpu.memory_space<vmem>>) dst(%dma_wait3A_267 : memref<80x128xf32, #tpu.memory_space<vmem_shared>>)
        tpu.yield
      }) : () -> ()
      "tpu.region"() ({
        %run_scoped3A_255 = tpu.sem_alloc : memref<!tpu.dma_semaphore, #tpu.memory_space<semaphore_mem>>
        %dma_start3A_256 = arith.constant 9920 : i32
        %dma_start3A_257 = arith.constant 0 : i32
        %dma_start3A_258 = tpu.memref_slice %arg11[%dma_start3A_256, %dma_start3A_257] : memref<10000x128xf32, #tpu.memory_space<vmem_shared>> -> memref<80x128xf32, #tpu.memory_space<vmem_shared>>
        %dma_start3A_259 = arith.constant 9920 : i32
        %dma_start3A_260 = arith.constant 0 : i32
        %dma_start3A_261 = tpu.memref_slice %arg11[%dma_start3A_259, %dma_start3A_260] : memref<10000x128xf32, #tpu.memory_space<vmem_shared>> -> memref<80x128xf32, #tpu.memory_space<vmem_shared>>
        tpu.enqueue_dma source(%arg8 : memref<80x128xf32, #tpu.memory_space<vmem>>) target(%dma_start3A_261 : memref<80x128xf32, #tpu.memory_space<vmem_shared>>) target_semaphore(%run_scoped3A_255 : memref<!tpu.dma_semaphore, #tpu.memory_space<semaphore_mem>>)
        %dma_wait3A_262 = arith.constant 9920 : i32
        %dma_wait3A_263 = arith.constant 0 : i32
        %dma_wait3A_264 = tpu.memref_slice %arg11[%dma_wait3A_262, %dma_wait3A_263] : memref<10000x128xf32, #tpu.memory_space<vmem_shared>> -> memref<80x128xf32, #tpu.memory_space<vmem_shared>>
        %dma_wait3A_265 = arith.constant 9920 : i32
        %dma_wait3A_266 = arith.constant 0 : i32
        %dma_wait3A_267 = tpu.memref_slice %arg11[%dma_wait3A_265, %dma_wait3A_266] : memref<10000x128xf32, #tpu.memory_space<vmem_shared>> -> memref<80x128xf32, #tpu.memory_space<vmem_shared>>
        tpu.wait_dma2 semaphore(%run_scoped3A_255 : memref<!tpu.dma_semaphore, #tpu.memory_space<semaphore_mem>>) src(%arg8 : memref<80x128xf32, #tpu.memory_space<vmem>>) dst(%dma_wait3A_267 : memref<80x128xf32, #tpu.memory_space<vmem_shared>>)
        tpu.yield
      }) : () -> ()
    } else {
    }
    %barrier3A = arith.constant 0 : index
    tpu.barrier barrier_id(%barrier3A)
    %broadcast_in_dim3A_21 = arith.constant 1.000000e+00 : f32
    %broadcast_in_dim3A_22 = vector.broadcast %broadcast_in_dim3A_21 : f32 to vector<16xf32>
    %run_scoped3A = arith.constant 0 : i32
    %run_scoped3A_23 = arith.constant 0 : i32
    "tpu.region"() ({
      %run_scoped3A_255 = tpu.sem_alloc : memref<!tpu.dma_semaphore, #tpu.memory_space<semaphore_mem>>
      %dma_start3A_256 = arith.constant 0 : i32
      %dma_start3A_257 = arith.constant 0 : i32
      %dma_start3A_258 = tpu.memref_slice %arg2[%run_scoped3A, %add3A, %run_scoped3A_23, %dma_start3A_256, %dma_start3A_257] : memref<2x32x5x25x80xi32, #tpu.memory_space<hbm>> -> memref<1x1x1x25x80xi32, #tpu.memory_space<hbm>>
      %dma_start3A_259 = tpu.memref_squeeze %dma_start3A_258 : memref<1x1x1x25x80xi32, #tpu.memory_space<hbm>> -> memref<25x80xi32, #tpu.memory_space<hbm>>
      %dma_start3A_260 = arith.constant 0 : i32
      %dma_start3A_261 = arith.constant 0 : i32
      %dma_start3A_262 = tpu.memref_slice %arg2[%run_scoped3A, %add3A, %run_scoped3A_23, %dma_start3A_260, %dma_start3A_261] : memref<2x32x5x25x80xi32, #tpu.memory_space<hbm>> -> memref<1x1x1x25x80xi32, #tpu.memory_space<hbm>>
      %dma_start3A_263 = tpu.memref_squeeze %dma_start3A_262 : memref<1x1x1x25x80xi32, #tpu.memory_space<hbm>> -> memref<25x80xi32, #tpu.memory_space<hbm>>
      tpu.enqueue_dma source(%dma_start3A_263 : memref<25x80xi32, #tpu.memory_space<hbm>>) target(%arg6 : memref<25x80xi32, #tpu.memory_space<vmem>>) target_semaphore(%run_scoped3A_255 : memref<!tpu.dma_semaphore, #tpu.memory_space<semaphore_mem>>)
      %dma_wait3A_264 = arith.constant 0 : i32
      %dma_wait3A_265 = arith.constant 0 : i32
      %dma_wait3A_266 = tpu.memref_slice %arg2[%run_scoped3A, %add3A, %run_scoped3A_23, %dma_wait3A_264, %dma_wait3A_265] : memref<2x32x5x25x80xi32, #tpu.memory_space<hbm>> -> memref<1x1x1x25x80xi32, #tpu.memory_space<hbm>>
      %dma_wait3A_267 = tpu.memref_squeeze %dma_wait3A_266 : memref<1x1x1x25x80xi32, #tpu.memory_space<hbm>> -> memref<25x80xi32, #tpu.memory_space<hbm>>
      %dma_wait3A_268 = arith.constant 0 : i32
      %dma_wait3A_269 = arith.constant 0 : i32
      %dma_wait3A_270 = tpu.memref_slice %arg2[%run_scoped3A, %add3A, %run_scoped3A_23, %dma_wait3A_268, %dma_wait3A_269] : memref<2x32x5x25x80xi32, #tpu.memory_space<hbm>> -> memref<1x1x1x25x80xi32, #tpu.memory_space<hbm>>
      %dma_wait3A_271 = tpu.memref_squeeze %dma_wait3A_270 : memref<1x1x1x25x80xi32, #tpu.memory_space<hbm>> -> memref<25x80xi32, #tpu.memory_space<hbm>>
      tpu.wait_dma2 semaphore(%run_scoped3A_255 : memref<!tpu.dma_semaphore, #tpu.memory_space<semaphore_mem>>) src(%dma_wait3A_271 : memref<25x80xi32, #tpu.memory_space<hbm>>) dst(%arg6 : memref<25x80xi32, #tpu.memory_space<vmem>>)
      tpu.yield
    }) : () -> ()
    %run_scoped3A_24 = arith.constant 1 : i32
    %run_scoped3A_25 = arith.constant 0 : i32
    "tpu.region"() ({
      %run_scoped3A_255 = tpu.sem_alloc : memref<!tpu.dma_semaphore, #tpu.memory_space<semaphore_mem>>
      %dma_start3A_256 = arith.constant 0 : i32
      %dma_start3A_257 = arith.constant 0 : i32
      %dma_start3A_258 = tpu.memref_slice %arg2[%run_scoped3A_24, %add3A, %run_scoped3A_25, %dma_start3A_256, %dma_start3A_257] : memref<2x32x5x25x80xi32, #tpu.memory_space<hbm>> -> memref<1x1x1x25x80xi32, #tpu.memory_space<hbm>>
      %dma_start3A_259 = tpu.memref_squeeze %dma_start3A_258 : memref<1x1x1x25x80xi32, #tpu.memory_space<hbm>> -> memref<25x80xi32, #tpu.memory_space<hbm>>
      %dma_start3A_260 = arith.constant 0 : i32
      %dma_start3A_261 = arith.constant 0 : i32
      %dma_start3A_262 = tpu.memref_slice %arg2[%run_scoped3A_24, %add3A, %run_scoped3A_25, %dma_start3A_260, %dma_start3A_261] : memref<2x32x5x25x80xi32, #tpu.memory_space<hbm>> -> memref<1x1x1x25x80xi32, #tpu.memory_space<hbm>>
      %dma_start3A_263 = tpu.memref_squeeze %dma_start3A_262 : memref<1x1x1x25x80xi32, #tpu.memory_space<hbm>> -> memref<25x80xi32, #tpu.memory_space<hbm>>
      tpu.enqueue_dma source(%dma_start3A_263 : memref<25x80xi32, #tpu.memory_space<hbm>>) target(%arg7 : memref<25x80xi32, #tpu.memory_space<vmem>>) target_semaphore(%run_scoped3A_255 : memref<!tpu.dma_semaphore, #tpu.memory_space<semaphore_mem>>)
      %dma_wait3A_264 = arith.constant 0 : i32
      %dma_wait3A_265 = arith.constant 0 : i32
      %dma_wait3A_266 = tpu.memref_slice %arg2[%run_scoped3A_24, %add3A, %run_scoped3A_25, %dma_wait3A_264, %dma_wait3A_265] : memref<2x32x5x25x80xi32, #tpu.memory_space<hbm>> -> memref<1x1x1x25x80xi32, #tpu.memory_space<hbm>>
      %dma_wait3A_267 = tpu.memref_squeeze %dma_wait3A_266 : memref<1x1x1x25x80xi32, #tpu.memory_space<hbm>> -> memref<25x80xi32, #tpu.memory_space<hbm>>
      %dma_wait3A_268 = arith.constant 0 : i32
      %dma_wait3A_269 = arith.constant 0 : i32
      %dma_wait3A_270 = tpu.memref_slice %arg2[%run_scoped3A_24, %add3A, %run_scoped3A_25, %dma_wait3A_268, %dma_wait3A_269] : memref<2x32x5x25x80xi32, #tpu.memory_space<hbm>> -> memref<1x1x1x25x80xi32, #tpu.memory_space<hbm>>
      %dma_wait3A_271 = tpu.memref_squeeze %dma_wait3A_270 : memref<1x1x1x25x80xi32, #tpu.memory_space<hbm>> -> memref<25x80xi32, #tpu.memory_space<hbm>>
      tpu.wait_dma2 semaphore(%run_scoped3A_255 : memref<!tpu.dma_semaphore, #tpu.memory_space<semaphore_mem>>) src(%dma_wait3A_271 : memref<25x80xi32, #tpu.memory_space<hbm>>) dst(%arg7 : memref<25x80xi32, #tpu.memory_space<vmem>>)
      tpu.yield
    }) : () -> ()
    %dma_start3A = arith.constant 0 : i32
    %dma_start3A_26 = arith.constant 0 : i32
    %dma_start3A_27 = tpu.memref_slice %arg6[%dma_start3A, %dma_start3A_26] : memref<25x80xi32, #tpu.memory_space<vmem>> -> memref<1x80xi32, #tpu.memory_space<vmem>>
    %dma_start3A_28 = tpu.memref_squeeze %dma_start3A_27 : memref<1x80xi32, #tpu.memory_space<vmem>> -> memref<80xi32, #tpu.memory_space<vmem>>
    %dma_start3A_29 = arith.constant 0 : i32
    %dma_start3A_30 = arith.constant 0 : i32
    %dma_start3A_31 = tpu.memref_slice %arg3[%dma_start3A_29, %dma_start3A_30] : memref<10000x128xf32, #tpu.memory_space<hbm>> -> memref<10000x128xf32, #tpu.memory_space<hbm>>
    tpu.enqueue_indirect_dma source(%dma_start3A_31 : memref<10000x128xf32, #tpu.memory_space<hbm>>) target(%arg8 : memref<80x128xf32, #tpu.memory_space<vmem>>) offsets(%dma_start3A_28 : memref<80xi32, #tpu.memory_space<vmem>>) semaphore(%arg12 : memref<!tpu.dma_semaphore, #tpu.memory_space<semaphore_mem>>)
    %scan3A_32 = arith.constant 0 : i32
    %scan3A_33 = arith.constant 0 : i32
    %scan3A_34 = arith.constant 12 : i32
    %scan3A_35 = arith.addi %scan3A_33, %scan3A_34 : i32
    %scan3A_36 = arith.constant 1 : i32
    scf.for %scan3A_255 = %scan3A_33 to %scan3A_35 step %scan3A_36  : i32 {
      %mul3A_256 = arith.constant 2 : i32
      %mul3A_257 = arith.muli %mul3A_256, %scan3A_255 : i32
      %add3A_258 = arith.constant 1 : i32
      %add3A_259 = arith.addi %mul3A_257, %add3A_258 : i32
      %dma_start3A_260 = arith.constant 0 : i32
      %dma_start3A_261 = tpu.memref_slice %arg6[%add3A_259, %dma_start3A_260] : memref<25x80xi32, #tpu.memory_space<vmem>> -> memref<1x80xi32, #tpu.memory_space<vmem>>
      %dma_start3A_262 = tpu.memref_squeeze %dma_start3A_261 : memref<1x80xi32, #tpu.memory_space<vmem>> -> memref<80xi32, #tpu.memory_space<vmem>>
      %dma_start3A_263 = arith.constant 0 : i32
      %dma_start3A_264 = arith.constant 0 : i32
      %dma_start3A_265 = tpu.memref_slice %arg3[%dma_start3A_263, %dma_start3A_264] : memref<10000x128xf32, #tpu.memory_space<hbm>> -> memref<10000x128xf32, #tpu.memory_space<hbm>>
      tpu.enqueue_indirect_dma source(%dma_start3A_265 : memref<10000x128xf32, #tpu.memory_space<hbm>>) target(%arg9 : memref<80x128xf32, #tpu.memory_space<vmem>>) offsets(%dma_start3A_262 : memref<80xi32, #tpu.memory_space<vmem>>) semaphore(%arg13 : memref<!tpu.dma_semaphore, #tpu.memory_space<semaphore_mem>>)
      %get3A_266 = arith.index_cast %mul3A_257 : i32 to index
      %get3A_267 = arith.constant 0 : index
      %get3A_268 = tpu.vector_load %arg7[%get3A_266, %get3A_267] {strides = array<i32>} : memref<25x80xi32, #tpu.memory_space<vmem>>, vector<16xi32>,
      tpu.vector_store_idx %arg10[%get3A_268], %broadcast_in_dim3A_22 {add = true} : memref<10000xf32, #tpu.memory_space<vmem>>[vector<16xi32>], vector<16xf32>,
      %get3A_269 = arith.index_cast %mul3A_257 : i32 to index
      %get3A_270 = arith.constant 16 : index
      %get3A_271 = tpu.vector_load %arg7[%get3A_269, %get3A_270] {strides = array<i32>} : memref<25x80xi32, #tpu.memory_space<vmem>>, vector<16xi32>,
      tpu.vector_store_idx %arg10[%get3A_271], %broadcast_in_dim3A_22 {add = true} : memref<10000xf32, #tpu.memory_space<vmem>>[vector<16xi32>], vector<16xf32>,
      %get3A_272 = arith.index_cast %mul3A_257 : i32 to index
      %get3A_273 = arith.constant 32 : index
      %get3A_274 = tpu.vector_load %arg7[%get3A_272, %get3A_273] {strides = array<i32>} : memref<25x80xi32, #tpu.memory_space<vmem>>, vector<16xi32>,
      tpu.vector_store_idx %arg10[%get3A_274], %broadcast_in_dim3A_22 {add = true} : memref<10000xf32, #tpu.memory_space<vmem>>[vector<16xi32>], vector<16xf32>,
      %get3A_275 = arith.index_cast %mul3A_257 : i32 to index
      %get3A_276 = arith.constant 48 : index
      %get3A_277 = tpu.vector_load %arg7[%get3A_275, %get3A_276] {strides = array<i32>} : memref<25x80xi32, #tpu.memory_space<vmem>>, vector<16xi32>,
      tpu.vector_store_idx %arg10[%get3A_277], %broadcast_in_dim3A_22 {add = true} : memref<10000xf32, #tpu.memory_space<vmem>>[vector<16xi32>], vector<16xf32>,
      %get3A_278 = arith.index_cast %mul3A_257 : i32 to index
      %get3A_279 = arith.constant 64 : index
      %get3A_280 = tpu.vector_load %arg7[%get3A_278, %get3A_279] {strides = array<i32>} : memref<25x80xi32, #tpu.memory_space<vmem>>, vector<16xi32>,
      tpu.vector_store_idx %arg10[%get3A_280], %broadcast_in_dim3A_22 {add = true} : memref<10000xf32, #tpu.memory_space<vmem>>[vector<16xi32>], vector<16xf32>,
      %dma_wait3A_281 = arith.constant 0 : i32
      %dma_wait3A_282 = tpu.memref_slice %arg6[%mul3A_257, %dma_wait3A_281] : memref<25x80xi32, #tpu.memory_space<vmem>> -> memref<1x80xi32, #tpu.memory_space<vmem>>
      %dma_wait3A_283 = tpu.memref_squeeze %dma_wait3A_282 : memref<1x80xi32, #tpu.memory_space<vmem>> -> memref<80xi32, #tpu.memory_space<vmem>>
      %dma_wait3A_284 = arith.constant 0 : i32
      %dma_wait3A_285 = arith.constant 0 : i32
      %dma_wait3A_286 = tpu.memref_slice %arg3[%dma_wait3A_284, %dma_wait3A_285] : memref<10000x128xf32, #tpu.memory_space<hbm>> -> memref<10000x128xf32, #tpu.memory_space<hbm>>
      tpu.wait_indirect_dma semaphore(%arg12 : memref<!tpu.dma_semaphore, #tpu.memory_space<semaphore_mem>>) src(%dma_wait3A_286 : memref<10000x128xf32, #tpu.memory_space<hbm>>) dst(%arg8 : memref<80x128xf32, #tpu.memory_space<vmem>>)
      "tpu.region"() ({
        %run_scoped3A_322 = tpu.sem_alloc : memref<!tpu.dma_semaphore, #tpu.memory_space<semaphore_mem>>
        %dma_start3A_323 = arith.constant 0 : i32
        %dma_start3A_324 = tpu.memref_slice %arg7[%mul3A_257, %dma_start3A_323] : memref<25x80xi32, #tpu.memory_space<vmem>> -> memref<1x80xi32, #tpu.memory_space<vmem>>
        %dma_start3A_325 = tpu.memref_squeeze %dma_start3A_324 : memref<1x80xi32, #tpu.memory_space<vmem>> -> memref<80xi32, #tpu.memory_space<vmem>>
        %dma_start3A_326 = arith.constant 0 : i32
        %dma_start3A_327 = arith.constant 0 : i32
        %dma_start3A_328 = tpu.memref_slice %arg11[%dma_start3A_326, %dma_start3A_327] : memref<10000x128xf32, #tpu.memory_space<vmem_shared>> -> memref<10000x128xf32, #tpu.memory_space<vmem_shared>>
        tpu.enqueue_indirect_dma source(%arg8 : memref<80x128xf32, #tpu.memory_space<vmem>>) target(%dma_start3A_328 : memref<10000x128xf32, #tpu.memory_space<vmem_shared>>) offsets(%dma_start3A_325 : memref<80xi32, #tpu.memory_space<vmem>>) semaphore(%run_scoped3A_322 : memref<!tpu.dma_semaphore, #tpu.memory_space<semaphore_mem>>) {add = true}
        %dma_wait3A_329 = arith.constant 0 : i32
        %dma_wait3A_330 = tpu.memref_slice %arg7[%mul3A_257, %dma_wait3A_329] : memref<25x80xi32, #tpu.memory_space<vmem>> -> memref<1x80xi32, #tpu.memory_space<vmem>>
        %dma_wait3A_331 = tpu.memref_squeeze %dma_wait3A_330 : memref<1x80xi32, #tpu.memory_space<vmem>> -> memref<80xi32, #tpu.memory_space<vmem>>
        %dma_wait3A_332 = arith.constant 0 : i32
        %dma_wait3A_333 = arith.constant 0 : i32
        %dma_wait3A_334 = tpu.memref_slice %arg11[%dma_wait3A_332, %dma_wait3A_333] : memref<10000x128xf32, #tpu.memory_space<vmem_shared>> -> memref<10000x128xf32, #tpu.memory_space<vmem_shared>>
        tpu.wait_indirect_dma semaphore(%run_scoped3A_322 : memref<!tpu.dma_semaphore, #tpu.memory_space<semaphore_mem>>) src(%arg8 : memref<80x128xf32, #tpu.memory_space<vmem>>) dst(%dma_wait3A_334 : memref<10000x128xf32, #tpu.memory_space<vmem_shared>>)
        tpu.yield
      }) : () -> ()
      %add3A_287 = arith.constant 2 : i32
      %add3A_288 = arith.addi %mul3A_257, %add3A_287 : i32
      %dma_start3A_289 = arith.constant 0 : i32
      %dma_start3A_290 = tpu.memref_slice %arg6[%add3A_288, %dma_start3A_289] : memref<25x80xi32, #tpu.memory_space<vmem>> -> memref<1x80xi32, #tpu.memory_space<vmem>>
      %dma_start3A_291 = tpu.memref_squeeze %dma_start3A_290 : memref<1x80xi32, #tpu.memory_space<vmem>> -> memref<80xi32, #tpu.memory_space<vmem>>
      %dma_start3A_292 = arith.constant 0 : i32
      %dma_start3A_293 = arith.constant 0 : i32
      %dma_start3A_294 = tpu.memref_slice %arg3[%dma_start3A_292, %dma_start3A_293] : memref<10000x128xf32, #tpu.memory_space<hbm>> -> memref<10000x128xf32, #tpu.memory_space<hbm>>
      tpu.enqueue_indirect_dma source(%dma_start3A_294 : memref<10000x128xf32, #tpu.memory_space<hbm>>) target(%arg8 : memref<80x128xf32, #tpu.memory_space<vmem>>) offsets(%dma_start3A_291 : memref<80xi32, #tpu.memory_space<vmem>>) semaphore(%arg12 : memref<!tpu.dma_semaphore, #tpu.memory_space<semaphore_mem>>)
      %add3A_295 = arith.constant 1 : i32
      %add3A_296 = arith.addi %mul3A_257, %add3A_295 : i32
      %get3A_297 = arith.index_cast %add3A_296 : i32 to index
      %get3A_298 = arith.constant 0 : index
      %get3A_299 = tpu.vector_load %arg7[%get3A_297, %get3A_298] {strides = array<i32>} : memref<25x80xi32, #tpu.memory_space<vmem>>, vector<16xi32>,
      tpu.vector_store_idx %arg10[%get3A_299], %broadcast_in_dim3A_22 {add = true} : memref<10000xf32, #tpu.memory_space<vmem>>[vector<16xi32>], vector<16xf32>,
      %get3A_300 = arith.index_cast %add3A_296 : i32 to index
      %get3A_301 = arith.constant 16 : index
      %get3A_302 = tpu.vector_load %arg7[%get3A_300, %get3A_301] {strides = array<i32>} : memref<25x80xi32, #tpu.memory_space<vmem>>, vector<16xi32>,
      tpu.vector_store_idx %arg10[%get3A_302], %broadcast_in_dim3A_22 {add = true} : memref<10000xf32, #tpu.memory_space<vmem>>[vector<16xi32>], vector<16xf32>,
      %get3A_303 = arith.index_cast %add3A_296 : i32 to index
      %get3A_304 = arith.constant 32 : index
      %get3A_305 = tpu.vector_load %arg7[%get3A_303, %get3A_304] {strides = array<i32>} : memref<25x80xi32, #tpu.memory_space<vmem>>, vector<16xi32>,
      tpu.vector_store_idx %arg10[%get3A_305], %broadcast_in_dim3A_22 {add = true} : memref<10000xf32, #tpu.memory_space<vmem>>[vector<16xi32>], vector<16xf32>,
      %get3A_306 = arith.index_cast %add3A_296 : i32 to index
      %get3A_307 = arith.constant 48 : index
      %get3A_308 = tpu.vector_load %arg7[%get3A_306, %get3A_307] {strides = array<i32>} : memref<25x80xi32, #tpu.memory_space<vmem>>, vector<16xi32>,
      tpu.vector_store_idx %arg10[%get3A_308], %broadcast_in_dim3A_22 {add = true} : memref<10000xf32, #tpu.memory_space<vmem>>[vector<16xi32>], vector<16xf32>,
      %get3A_309 = arith.index_cast %add3A_296 : i32 to index
      %get3A_310 = arith.constant 64 : index
      %get3A_311 = tpu.vector_load %arg7[%get3A_309, %get3A_310] {strides = array<i32>} : memref<25x80xi32, #tpu.memory_space<vmem>>, vector<16xi32>,
      tpu.vector_store_idx %arg10[%get3A_311], %broadcast_in_dim3A_22 {add = true} : memref<10000xf32, #tpu.memory_space<vmem>>[vector<16xi32>], vector<16xf32>,
      %add3A_312 = arith.constant 1 : i32
      %add3A_313 = arith.addi %mul3A_257, %add3A_312 : i32
      %dma_wait3A_314 = arith.constant 0 : i32
      %dma_wait3A_315 = tpu.memref_slice %arg6[%add3A_313, %dma_wait3A_314] : memref<25x80xi32, #tpu.memory_space<vmem>> -> memref<1x80xi32, #tpu.memory_space<vmem>>
      %dma_wait3A_316 = tpu.memref_squeeze %dma_wait3A_315 : memref<1x80xi32, #tpu.memory_space<vmem>> -> memref<80xi32, #tpu.memory_space<vmem>>
      %dma_wait3A_317 = arith.constant 0 : i32
      %dma_wait3A_318 = arith.constant 0 : i32
      %dma_wait3A_319 = tpu.memref_slice %arg3[%dma_wait3A_317, %dma_wait3A_318] : memref<10000x128xf32, #tpu.memory_space<hbm>> -> memref<10000x128xf32, #tpu.memory_space<hbm>>
      tpu.wait_indirect_dma semaphore(%arg13 : memref<!tpu.dma_semaphore, #tpu.memory_space<semaphore_mem>>) src(%dma_wait3A_319 : memref<10000x128xf32, #tpu.memory_space<hbm>>) dst(%arg9 : memref<80x128xf32, #tpu.memory_space<vmem>>)
      %add3A_320 = arith.constant 1 : i32
      %add3A_321 = arith.addi %mul3A_257, %add3A_320 : i32
      "tpu.region"() ({
        %run_scoped3A_322 = tpu.sem_alloc : memref<!tpu.dma_semaphore, #tpu.memory_space<semaphore_mem>>
        %dma_start3A_323 = arith.constant 0 : i32
        %dma_start3A_324 = tpu.memref_slice %arg7[%add3A_321, %dma_start3A_323] : memref<25x80xi32, #tpu.memory_space<vmem>> -> memref<1x80xi32, #tpu.memory_space<vmem>>
        %dma_start3A_325 = tpu.memref_squeeze %dma_start3A_324 : memref<1x80xi32, #tpu.memory_space<vmem>> -> memref<80xi32, #tpu.memory_space<vmem>>
        %dma_start3A_326 = arith.constant 0 : i32
        %dma_start3A_327 = arith.constant 0 : i32
        %dma_start3A_328 = tpu.memref_slice %arg11[%dma_start3A_326, %dma_start3A_327] : memref<10000x128xf32, #tpu.memory_space<vmem_shared>> -> memref<10000x128xf32, #tpu.memory_space<vmem_shared>>
        tpu.enqueue_indirect_dma source(%arg9 : memref<80x128xf32, #tpu.memory_space<vmem>>) target(%dma_start3A_328 : memref<10000x128xf32, #tpu.memory_space<vmem_shared>>) offsets(%dma_start3A_325 : memref<80xi32, #tpu.memory_space<vmem>>) semaphore(%run_scoped3A_322 : memref<!tpu.dma_semaphore, #tpu.memory_space<semaphore_mem>>) {add = true}
        %dma_wait3A_329 = arith.constant 0 : i32
        %dma_wait3A_330 = tpu.memref_slice %arg7[%add3A_321, %dma_wait3A_329] : memref<25x80xi32, #tpu.memory_space<vmem>> -> memref<1x80xi32, #tpu.memory_space<vmem>>
        %dma_wait3A_331 = tpu.memref_squeeze %dma_wait3A_330 : memref<1x80xi32, #tpu.memory_space<vmem>> -> memref<80xi32, #tpu.memory_space<vmem>>
        %dma_wait3A_332 = arith.constant 0 : i32
        %dma_wait3A_333 = arith.constant 0 : i32
        %dma_wait3A_334 = tpu.memref_slice %arg11[%dma_wait3A_332, %dma_wait3A_333] : memref<10000x128xf32, #tpu.memory_space<vmem_shared>> -> memref<10000x128xf32, #tpu.memory_space<vmem_shared>>
        tpu.wait_indirect_dma semaphore(%run_scoped3A_322 : memref<!tpu.dma_semaphore, #tpu.memory_space<semaphore_mem>>) src(%arg9 : memref<80x128xf32, #tpu.memory_space<vmem>>) dst(%dma_wait3A_334 : memref<10000x128xf32, #tpu.memory_space<vmem_shared>>)
        tpu.yield
      }) : () -> ()
    }
    %scan3A_37 = arith.constant 12 : i32
    %get3A = arith.constant 24 : i32
    %get3A_38 = arith.index_cast %get3A : i32 to index
    %get3A_39 = arith.constant 0 : index
    %get3A_40 = tpu.vector_load %arg7[%get3A_38, %get3A_39] {strides = array<i32>} : memref<25x80xi32, #tpu.memory_space<vmem>>, vector<16xi32>,
    tpu.vector_store_idx %arg10[%get3A_40], %broadcast_in_dim3A_22 {add = true} : memref<10000xf32, #tpu.memory_space<vmem>>[vector<16xi32>], vector<16xf32>,
    %get3A_41 = arith.constant 24 : i32
    %get3A_42 = arith.index_cast %get3A_41 : i32 to index
    %get3A_43 = arith.constant 16 : index
    %get3A_44 = tpu.vector_load %arg7[%get3A_42, %get3A_43] {strides = array<i32>} : memref<25x80xi32, #tpu.memory_space<vmem>>, vector<16xi32>,
    tpu.vector_store_idx %arg10[%get3A_44], %broadcast_in_dim3A_22 {add = true} : memref<10000xf32, #tpu.memory_space<vmem>>[vector<16xi32>], vector<16xf32>,
    %get3A_45 = arith.constant 24 : i32
    %get3A_46 = arith.index_cast %get3A_45 : i32 to index
    %get3A_47 = arith.constant 32 : index
    %get3A_48 = tpu.vector_load %arg7[%get3A_46, %get3A_47] {strides = array<i32>} : memref<25x80xi32, #tpu.memory_space<vmem>>, vector<16xi32>,
    tpu.vector_store_idx %arg10[%get3A_48], %broadcast_in_dim3A_22 {add = true} : memref<10000xf32, #tpu.memory_space<vmem>>[vector<16xi32>], vector<16xf32>,
    %get3A_49 = arith.constant 24 : i32
    %get3A_50 = arith.index_cast %get3A_49 : i32 to index
    %get3A_51 = arith.constant 48 : index
    %get3A_52 = tpu.vector_load %arg7[%get3A_50, %get3A_51] {strides = array<i32>} : memref<25x80xi32, #tpu.memory_space<vmem>>, vector<16xi32>,
    tpu.vector_store_idx %arg10[%get3A_52], %broadcast_in_dim3A_22 {add = true} : memref<10000xf32, #tpu.memory_space<vmem>>[vector<16xi32>], vector<16xf32>,
    %get3A_53 = arith.constant 24 : i32
    %get3A_54 = arith.index_cast %get3A_53 : i32 to index
    %get3A_55 = arith.constant 64 : index
    %get3A_56 = tpu.vector_load %arg7[%get3A_54, %get3A_55] {strides = array<i32>} : memref<25x80xi32, #tpu.memory_space<vmem>>, vector<16xi32>,
    tpu.vector_store_idx %arg10[%get3A_56], %broadcast_in_dim3A_22 {add = true} : memref<10000xf32, #tpu.memory_space<vmem>>[vector<16xi32>], vector<16xf32>,
    %dma_wait3A = arith.constant 24 : i32
    %dma_wait3A_57 = arith.constant 0 : i32
    %dma_wait3A_58 = tpu.memref_slice %arg6[%dma_wait3A, %dma_wait3A_57] : memref<25x80xi32, #tpu.memory_space<vmem>> -> memref<1x80xi32, #tpu.memory_space<vmem>>
    %dma_wait3A_59 = tpu.memref_squeeze %dma_wait3A_58 : memref<1x80xi32, #tpu.memory_space<vmem>> -> memref<80xi32, #tpu.memory_space<vmem>>
    %dma_wait3A_60 = arith.constant 0 : i32
    %dma_wait3A_61 = arith.constant 0 : i32
    %dma_wait3A_62 = tpu.memref_slice %arg3[%dma_wait3A_60, %dma_wait3A_61] : memref<10000x128xf32, #tpu.memory_space<hbm>> -> memref<10000x128xf32, #tpu.memory_space<hbm>>
    tpu.wait_indirect_dma semaphore(%arg12 : memref<!tpu.dma_semaphore, #tpu.memory_space<semaphore_mem>>) src(%dma_wait3A_62 : memref<10000x128xf32, #tpu.memory_space<hbm>>) dst(%arg8 : memref<80x128xf32, #tpu.memory_space<vmem>>)
    %run_scoped3A_63 = arith.constant 24 : i32
    "tpu.region"() ({
      %run_scoped3A_255 = tpu.sem_alloc : memref<!tpu.dma_semaphore, #tpu.memory_space<semaphore_mem>>
      %dma_start3A_256 = arith.constant 0 : i32
      %dma_start3A_257 = tpu.memref_slice %arg7[%run_scoped3A_63, %dma_start3A_256] : memref<25x80xi32, #tpu.memory_space<vmem>> -> memref<1x80xi32, #tpu.memory_space<vmem>>
      %dma_start3A_258 = tpu.memref_squeeze %dma_start3A_257 : memref<1x80xi32, #tpu.memory_space<vmem>> -> memref<80xi32, #tpu.memory_space<vmem>>
      %dma_start3A_259 = arith.constant 0 : i32
      %dma_start3A_260 = arith.constant 0 : i32
      %dma_start3A_261 = tpu.memref_slice %arg11[%dma_start3A_259, %dma_start3A_260] : memref<10000x128xf32, #tpu.memory_space<vmem_shared>> -> memref<10000x128xf32, #tpu.memory_space<vmem_shared>>
      tpu.enqueue_indirect_dma source(%arg8 : memref<80x128xf32, #tpu.memory_space<vmem>>) target(%dma_start3A_261 : memref<10000x128xf32, #tpu.memory_space<vmem_shared>>) offsets(%dma_start3A_258 : memref<80xi32, #tpu.memory_space<vmem>>) semaphore(%run_scoped3A_255 : memref<!tpu.dma_semaphore, #tpu.memory_space<semaphore_mem>>) {add = true}
      %dma_wait3A_262 = arith.constant 0 : i32
      %dma_wait3A_263 = tpu.memref_slice %arg7[%run_scoped3A_63, %dma_wait3A_262] : memref<25x80xi32, #tpu.memory_space<vmem>> -> memref<1x80xi32, #tpu.memory_space<vmem>>
      %dma_wait3A_264 = tpu.memref_squeeze %dma_wait3A_263 : memref<1x80xi32, #tpu.memory_space<vmem>> -> memref<80xi32, #tpu.memory_space<vmem>>
      %dma_wait3A_265 = arith.constant 0 : i32
      %dma_wait3A_266 = arith.constant 0 : i32
      %dma_wait3A_267 = tpu.memref_slice %arg11[%dma_wait3A_265, %dma_wait3A_266] : memref<10000x128xf32, #tpu.memory_space<vmem_shared>> -> memref<10000x128xf32, #tpu.memory_space<vmem_shared>>
      tpu.wait_indirect_dma semaphore(%run_scoped3A_255 : memref<!tpu.dma_semaphore, #tpu.memory_space<semaphore_mem>>) src(%arg8 : memref<80x128xf32, #tpu.memory_space<vmem>>) dst(%dma_wait3A_267 : memref<10000x128xf32, #tpu.memory_space<vmem_shared>>)
      tpu.yield
    }) : () -> ()
    %run_scoped3A_64 = arith.constant 0 : i32
    %run_scoped3A_65 = arith.constant 1 : i32
    "tpu.region"() ({
      %run_scoped3A_255 = tpu.sem_alloc : memref<!tpu.dma_semaphore, #tpu.memory_space<semaphore_mem>>
      %dma_start3A_256 = arith.constant 0 : i32
      %dma_start3A_257 = arith.constant 0 : i32
      %dma_start3A_258 = tpu.memref_slice %arg2[%run_scoped3A_64, %add3A, %run_scoped3A_65, %dma_start3A_256, %dma_start3A_257] : memref<2x32x5x25x80xi32, #tpu.memory_space<hbm>> -> memref<1x1x1x25x80xi32, #tpu.memory_space<hbm>>
      %dma_start3A_259 = tpu.memref_squeeze %dma_start3A_258 : memref<1x1x1x25x80xi32, #tpu.memory_space<hbm>> -> memref<25x80xi32, #tpu.memory_space<hbm>>
      %dma_start3A_260 = arith.constant 0 : i32
      %dma_start3A_261 = arith.constant 0 : i32
      %dma_start3A_262 = tpu.memref_slice %arg2[%run_scoped3A_64, %add3A, %run_scoped3A_65, %dma_start3A_260, %dma_start3A_261] : memref<2x32x5x25x80xi32, #tpu.memory_space<hbm>> -> memref<1x1x1x25x80xi32, #tpu.memory_space<hbm>>
      %dma_start3A_263 = tpu.memref_squeeze %dma_start3A_262 : memref<1x1x1x25x80xi32, #tpu.memory_space<hbm>> -> memref<25x80xi32, #tpu.memory_space<hbm>>
      tpu.enqueue_dma source(%dma_start3A_263 : memref<25x80xi32, #tpu.memory_space<hbm>>) target(%arg6 : memref<25x80xi32, #tpu.memory_space<vmem>>) target_semaphore(%run_scoped3A_255 : memref<!tpu.dma_semaphore, #tpu.memory_space<semaphore_mem>>)
      %dma_wait3A_264 = arith.constant 0 : i32
      %dma_wait3A_265 = arith.constant 0 : i32
      %dma_wait3A_266 = tpu.memref_slice %arg2[%run_scoped3A_64, %add3A, %run_scoped3A_65, %dma_wait3A_264, %dma_wait3A_265] : memref<2x32x5x25x80xi32, #tpu.memory_space<hbm>> -> memref<1x1x1x25x80xi32, #tpu.memory_space<hbm>>
      %dma_wait3A_267 = tpu.memref_squeeze %dma_wait3A_266 : memref<1x1x1x25x80xi32, #tpu.memory_space<hbm>> -> memref<25x80xi32, #tpu.memory_space<hbm>>
      %dma_wait3A_268 = arith.constant 0 : i32
      %dma_wait3A_269 = arith.constant 0 : i32
      %dma_wait3A_270 = tpu.memref_slice %arg2[%run_scoped3A_64, %add3A, %run_scoped3A_65, %dma_wait3A_268, %dma_wait3A_269] : memref<2x32x5x25x80xi32, #tpu.memory_space<hbm>> -> memref<1x1x1x25x80xi32, #tpu.memory_space<hbm>>
      %dma_wait3A_271 = tpu.memref_squeeze %dma_wait3A_270 : memref<1x1x1x25x80xi32, #tpu.memory_space<hbm>> -> memref<25x80xi32, #tpu.memory_space<hbm>>
      tpu.wait_dma2 semaphore(%run_scoped3A_255 : memref<!tpu.dma_semaphore, #tpu.memory_space<semaphore_mem>>) src(%dma_wait3A_271 : memref<25x80xi32, #tpu.memory_space<hbm>>) dst(%arg6 : memref<25x80xi32, #tpu.memory_space<vmem>>)
      tpu.yield
    }) : () -> ()
    %run_scoped3A_66 = arith.constant 1 : i32
    %run_scoped3A_67 = arith.constant 1 : i32
    "tpu.region"() ({
      %run_scoped3A_255 = tpu.sem_alloc : memref<!tpu.dma_semaphore, #tpu.memory_space<semaphore_mem>>
      %dma_start3A_256 = arith.constant 0 : i32
      %dma_start3A_257 = arith.constant 0 : i32
      %dma_start3A_258 = tpu.memref_slice %arg2[%run_scoped3A_66, %add3A, %run_scoped3A_67, %dma_start3A_256, %dma_start3A_257] : memref<2x32x5x25x80xi32, #tpu.memory_space<hbm>> -> memref<1x1x1x25x80xi32, #tpu.memory_space<hbm>>
      %dma_start3A_259 = tpu.memref_squeeze %dma_start3A_258 : memref<1x1x1x25x80xi32, #tpu.memory_space<hbm>> -> memref<25x80xi32, #tpu.memory_space<hbm>>
      %dma_start3A_260 = arith.constant 0 : i32
      %dma_start3A_261 = arith.constant 0 : i32
      %dma_start3A_262 = tpu.memref_slice %arg2[%run_scoped3A_66, %add3A, %run_scoped3A_67, %dma_start3A_260, %dma_start3A_261] : memref<2x32x5x25x80xi32, #tpu.memory_space<hbm>> -> memref<1x1x1x25x80xi32, #tpu.memory_space<hbm>>
      %dma_start3A_263 = tpu.memref_squeeze %dma_start3A_262 : memref<1x1x1x25x80xi32, #tpu.memory_space<hbm>> -> memref<25x80xi32, #tpu.memory_space<hbm>>
      tpu.enqueue_dma source(%dma_start3A_263 : memref<25x80xi32, #tpu.memory_space<hbm>>) target(%arg7 : memref<25x80xi32, #tpu.memory_space<vmem>>) target_semaphore(%run_scoped3A_255 : memref<!tpu.dma_semaphore, #tpu.memory_space<semaphore_mem>>)
      %dma_wait3A_264 = arith.constant 0 : i32
      %dma_wait3A_265 = arith.constant 0 : i32
      %dma_wait3A_266 = tpu.memref_slice %arg2[%run_scoped3A_66, %add3A, %run_scoped3A_67, %dma_wait3A_264, %dma_wait3A_265] : memref<2x32x5x25x80xi32, #tpu.memory_space<hbm>> -> memref<1x1x1x25x80xi32, #tpu.memory_space<hbm>>
      %dma_wait3A_267 = tpu.memref_squeeze %dma_wait3A_266 : memref<1x1x1x25x80xi32, #tpu.memory_space<hbm>> -> memref<25x80xi32, #tpu.memory_space<hbm>>
      %dma_wait3A_268 = arith.constant 0 : i32
      %dma_wait3A_269 = arith.constant 0 : i32
      %dma_wait3A_270 = tpu.memref_slice %arg2[%run_scoped3A_66, %add3A, %run_scoped3A_67, %dma_wait3A_268, %dma_wait3A_269] : memref<2x32x5x25x80xi32, #tpu.memory_space<hbm>> -> memref<1x1x1x25x80xi32, #tpu.memory_space<hbm>>
      %dma_wait3A_271 = tpu.memref_squeeze %dma_wait3A_270 : memref<1x1x1x25x80xi32, #tpu.memory_space<hbm>> -> memref<25x80xi32, #tpu.memory_space<hbm>>
      tpu.wait_dma2 semaphore(%run_scoped3A_255 : memref<!tpu.dma_semaphore, #tpu.memory_space<semaphore_mem>>) src(%dma_wait3A_271 : memref<25x80xi32, #tpu.memory_space<hbm>>) dst(%arg7 : memref<25x80xi32, #tpu.memory_space<vmem>>)
      tpu.yield
    }) : () -> ()
    %dma_start3A_68 = arith.constant 0 : i32
    %dma_start3A_69 = arith.constant 0 : i32
    %dma_start3A_70 = tpu.memref_slice %arg6[%dma_start3A_68, %dma_start3A_69] : memref<25x80xi32, #tpu.memory_space<vmem>> -> memref<1x80xi32, #tpu.memory_space<vmem>>
    %dma_start3A_71 = tpu.memref_squeeze %dma_start3A_70 : memref<1x80xi32, #tpu.memory_space<vmem>> -> memref<80xi32, #tpu.memory_space<vmem>>
    %dma_start3A_72 = arith.constant 0 : i32
    %dma_start3A_73 = arith.constant 0 : i32
    %dma_start3A_74 = tpu.memref_slice %arg3[%dma_start3A_72, %dma_start3A_73] : memref<10000x128xf32, #tpu.memory_space<hbm>> -> memref<10000x128xf32, #tpu.memory_space<hbm>>
    tpu.enqueue_indirect_dma source(%dma_start3A_74 : memref<10000x128xf32, #tpu.memory_space<hbm>>) target(%arg8 : memref<80x128xf32, #tpu.memory_space<vmem>>) offsets(%dma_start3A_71 : memref<80xi32, #tpu.memory_space<vmem>>) semaphore(%arg12 : memref<!tpu.dma_semaphore, #tpu.memory_space<semaphore_mem>>)
    %scan3A_75 = arith.constant 0 : i32
    %scan3A_76 = arith.constant 0 : i32
    %scan3A_77 = arith.constant 12 : i32
    %scan3A_78 = arith.addi %scan3A_76, %scan3A_77 : i32
    %scan3A_79 = arith.constant 1 : i32
    scf.for %scan3A_255 = %scan3A_76 to %scan3A_78 step %scan3A_79  : i32 {
      %mul3A_256 = arith.constant 2 : i32
      %mul3A_257 = arith.muli %mul3A_256, %scan3A_255 : i32
      %add3A_258 = arith.constant 1 : i32
      %add3A_259 = arith.addi %mul3A_257, %add3A_258 : i32
      %dma_start3A_260 = arith.constant 0 : i32
      %dma_start3A_261 = tpu.memref_slice %arg6[%add3A_259, %dma_start3A_260] : memref<25x80xi32, #tpu.memory_space<vmem>> -> memref<1x80xi32, #tpu.memory_space<vmem>>
      %dma_start3A_262 = tpu.memref_squeeze %dma_start3A_261 : memref<1x80xi32, #tpu.memory_space<vmem>> -> memref<80xi32, #tpu.memory_space<vmem>>
      %dma_start3A_263 = arith.constant 0 : i32
      %dma_start3A_264 = arith.constant 0 : i32
      %dma_start3A_265 = tpu.memref_slice %arg3[%dma_start3A_263, %dma_start3A_264] : memref<10000x128xf32, #tpu.memory_space<hbm>> -> memref<10000x128xf32, #tpu.memory_space<hbm>>
      tpu.enqueue_indirect_dma source(%dma_start3A_265 : memref<10000x128xf32, #tpu.memory_space<hbm>>) target(%arg9 : memref<80x128xf32, #tpu.memory_space<vmem>>) offsets(%dma_start3A_262 : memref<80xi32, #tpu.memory_space<vmem>>) semaphore(%arg13 : memref<!tpu.dma_semaphore, #tpu.memory_space<semaphore_mem>>)
      %get3A_266 = arith.index_cast %mul3A_257 : i32 to index
      %get3A_267 = arith.constant 0 : index
      %get3A_268 = tpu.vector_load %arg7[%get3A_266, %get3A_267] {strides = array<i32>} : memref<25x80xi32, #tpu.memory_space<vmem>>, vector<16xi32>,
      tpu.vector_store_idx %arg10[%get3A_268], %broadcast_in_dim3A_22 {add = true} : memref<10000xf32, #tpu.memory_space<vmem>>[vector<16xi32>], vector<16xf32>,
      %get3A_269 = arith.index_cast %mul3A_257 : i32 to index
      %get3A_270 = arith.constant 16 : index
      %get3A_271 = tpu.vector_load %arg7[%get3A_269, %get3A_270] {strides = array<i32>} : memref<25x80xi32, #tpu.memory_space<vmem>>, vector<16xi32>,
      tpu.vector_store_idx %arg10[%get3A_271], %broadcast_in_dim3A_22 {add = true} : memref<10000xf32, #tpu.memory_space<vmem>>[vector<16xi32>], vector<16xf32>,
      %get3A_272 = arith.index_cast %mul3A_257 : i32 to index
      %get3A_273 = arith.constant 32 : index
      %get3A_274 = tpu.vector_load %arg7[%get3A_272, %get3A_273] {strides = array<i32>} : memref<25x80xi32, #tpu.memory_space<vmem>>, vector<16xi32>,
      tpu.vector_store_idx %arg10[%get3A_274], %broadcast_in_dim3A_22 {add = true} : memref<10000xf32, #tpu.memory_space<vmem>>[vector<16xi32>], vector<16xf32>,
      %get3A_275 = arith.index_cast %mul3A_257 : i32 to index
      %get3A_276 = arith.constant 48 : index
      %get3A_277 = tpu.vector_load %arg7[%get3A_275, %get3A_276] {strides = array<i32>} : memref<25x80xi32, #tpu.memory_space<vmem>>, vector<16xi32>,
      tpu.vector_store_idx %arg10[%get3A_277], %broadcast_in_dim3A_22 {add = true} : memref<10000xf32, #tpu.memory_space<vmem>>[vector<16xi32>], vector<16xf32>,
      %get3A_278 = arith.index_cast %mul3A_257 : i32 to index
      %get3A_279 = arith.constant 64 : index
      %get3A_280 = tpu.vector_load %arg7[%get3A_278, %get3A_279] {strides = array<i32>} : memref<25x80xi32, #tpu.memory_space<vmem>>, vector<16xi32>,
      tpu.vector_store_idx %arg10[%get3A_280], %broadcast_in_dim3A_22 {add = true} : memref<10000xf32, #tpu.memory_space<vmem>>[vector<16xi32>], vector<16xf32>,
      %dma_wait3A_281 = arith.constant 0 : i32
      %dma_wait3A_282 = tpu.memref_slice %arg6[%mul3A_257, %dma_wait3A_281] : memref<25x80xi32, #tpu.memory_space<vmem>> -> memref<1x80xi32, #tpu.memory_space<vmem>>
      %dma_wait3A_283 = tpu.memref_squeeze %dma_wait3A_282 : memref<1x80xi32, #tpu.memory_space<vmem>> -> memref<80xi32, #tpu.memory_space<vmem>>
      %dma_wait3A_284 = arith.constant 0 : i32
      %dma_wait3A_285 = arith.constant 0 : i32
      %dma_wait3A_286 = tpu.memref_slice %arg3[%dma_wait3A_284, %dma_wait3A_285] : memref<10000x128xf32, #tpu.memory_space<hbm>> -> memref<10000x128xf32, #tpu.memory_space<hbm>>
      tpu.wait_indirect_dma semaphore(%arg12 : memref<!tpu.dma_semaphore, #tpu.memory_space<semaphore_mem>>) src(%dma_wait3A_286 : memref<10000x128xf32, #tpu.memory_space<hbm>>) dst(%arg8 : memref<80x128xf32, #tpu.memory_space<vmem>>)
      "tpu.region"() ({
        %run_scoped3A_322 = tpu.sem_alloc : memref<!tpu.dma_semaphore, #tpu.memory_space<semaphore_mem>>
        %dma_start3A_323 = arith.constant 0 : i32
        %dma_start3A_324 = tpu.memref_slice %arg7[%mul3A_257, %dma_start3A_323] : memref<25x80xi32, #tpu.memory_space<vmem>> -> memref<1x80xi32, #tpu.memory_space<vmem>>
        %dma_start3A_325 = tpu.memref_squeeze %dma_start3A_324 : memref<1x80xi32, #tpu.memory_space<vmem>> -> memref<80xi32, #tpu.memory_space<vmem>>
        %dma_start3A_326 = arith.constant 0 : i32
        %dma_start3A_327 = arith.constant 0 : i32
        %dma_start3A_328 = tpu.memref_slice %arg11[%dma_start3A_326, %dma_start3A_327] : memref<10000x128xf32, #tpu.memory_space<vmem_shared>> -> memref<10000x128xf32, #tpu.memory_space<vmem_shared>>
        tpu.enqueue_indirect_dma source(%arg8 : memref<80x128xf32, #tpu.memory_space<vmem>>) target(%dma_start3A_328 : memref<10000x128xf32, #tpu.memory_space<vmem_shared>>) offsets(%dma_start3A_325 : memref<80xi32, #tpu.memory_space<vmem>>) semaphore(%run_scoped3A_322 : memref<!tpu.dma_semaphore, #tpu.memory_space<semaphore_mem>>) {add = true}
        %dma_wait3A_329 = arith.constant 0 : i32
        %dma_wait3A_330 = tpu.memref_slice %arg7[%mul3A_257, %dma_wait3A_329] : memref<25x80xi32, #tpu.memory_space<vmem>> -> memref<1x80xi32, #tpu.memory_space<vmem>>
        %dma_wait3A_331 = tpu.memref_squeeze %dma_wait3A_330 : memref<1x80xi32, #tpu.memory_space<vmem>> -> memref<80xi32, #tpu.memory_space<vmem>>
        %dma_wait3A_332 = arith.constant 0 : i32
        %dma_wait3A_333 = arith.constant 0 : i32
        %dma_wait3A_334 = tpu.memref_slice %arg11[%dma_wait3A_332, %dma_wait3A_333] : memref<10000x128xf32, #tpu.memory_space<vmem_shared>> -> memref<10000x128xf32, #tpu.memory_space<vmem_shared>>
        tpu.wait_indirect_dma semaphore(%run_scoped3A_322 : memref<!tpu.dma_semaphore, #tpu.memory_space<semaphore_mem>>) src(%arg8 : memref<80x128xf32, #tpu.memory_space<vmem>>) dst(%dma_wait3A_334 : memref<10000x128xf32, #tpu.memory_space<vmem_shared>>)
        tpu.yield
      }) : () -> ()
      %add3A_287 = arith.constant 2 : i32
      %add3A_288 = arith.addi %mul3A_257, %add3A_287 : i32
      %dma_start3A_289 = arith.constant 0 : i32
      %dma_start3A_290 = tpu.memref_slice %arg6[%add3A_288, %dma_start3A_289] : memref<25x80xi32, #tpu.memory_space<vmem>> -> memref<1x80xi32, #tpu.memory_space<vmem>>
      %dma_start3A_291 = tpu.memref_squeeze %dma_start3A_290 : memref<1x80xi32, #tpu.memory_space<vmem>> -> memref<80xi32, #tpu.memory_space<vmem>>
      %dma_start3A_292 = arith.constant 0 : i32
      %dma_start3A_293 = arith.constant 0 : i32
      %dma_start3A_294 = tpu.memref_slice %arg3[%dma_start3A_292, %dma_start3A_293] : memref<10000x128xf32, #tpu.memory_space<hbm>> -> memref<10000x128xf32, #tpu.memory_space<hbm>>
      tpu.enqueue_indirect_dma source(%dma_start3A_294 : memref<10000x128xf32, #tpu.memory_space<hbm>>) target(%arg8 : memref<80x128xf32, #tpu.memory_space<vmem>>) offsets(%dma_start3A_291 : memref<80xi32, #tpu.memory_space<vmem>>) semaphore(%arg12 : memref<!tpu.dma_semaphore, #tpu.memory_space<semaphore_mem>>)
      %add3A_295 = arith.constant 1 : i32
      %add3A_296 = arith.addi %mul3A_257, %add3A_295 : i32
      %get3A_297 = arith.index_cast %add3A_296 : i32 to index
      %get3A_298 = arith.constant 0 : index
      %get3A_299 = tpu.vector_load %arg7[%get3A_297, %get3A_298] {strides = array<i32>} : memref<25x80xi32, #tpu.memory_space<vmem>>, vector<16xi32>,
      tpu.vector_store_idx %arg10[%get3A_299], %broadcast_in_dim3A_22 {add = true} : memref<10000xf32, #tpu.memory_space<vmem>>[vector<16xi32>], vector<16xf32>,
      %get3A_300 = arith.index_cast %add3A_296 : i32 to index
      %get3A_301 = arith.constant 16 : index
      %get3A_302 = tpu.vector_load %arg7[%get3A_300, %get3A_301] {strides = array<i32>} : memref<25x80xi32, #tpu.memory_space<vmem>>, vector<16xi32>,
      tpu.vector_store_idx %arg10[%get3A_302], %broadcast_in_dim3A_22 {add = true} : memref<10000xf32, #tpu.memory_space<vmem>>[vector<16xi32>], vector<16xf32>,
      %get3A_303 = arith.index_cast %add3A_296 : i32 to index
      %get3A_304 = arith.constant 32 : index
      %get3A_305 = tpu.vector_load %arg7[%get3A_303, %get3A_304] {strides = array<i32>} : memref<25x80xi32, #tpu.memory_space<vmem>>, vector<16xi32>,
      tpu.vector_store_idx %arg10[%get3A_305], %broadcast_in_dim3A_22 {add = true} : memref<10000xf32, #tpu.memory_space<vmem>>[vector<16xi32>], vector<16xf32>,
      %get3A_306 = arith.index_cast %add3A_296 : i32 to index
      %get3A_307 = arith.constant 48 : index
      %get3A_308 = tpu.vector_load %arg7[%get3A_306, %get3A_307] {strides = array<i32>} : memref<25x80xi32, #tpu.memory_space<vmem>>, vector<16xi32>,
      tpu.vector_store_idx %arg10[%get3A_308], %broadcast_in_dim3A_22 {add = true} : memref<10000xf32, #tpu.memory_space<vmem>>[vector<16xi32>], vector<16xf32>,
      %get3A_309 = arith.index_cast %add3A_296 : i32 to index
      %get3A_310 = arith.constant 64 : index
      %get3A_311 = tpu.vector_load %arg7[%get3A_309, %get3A_310] {strides = array<i32>} : memref<25x80xi32, #tpu.memory_space<vmem>>, vector<16xi32>,
      tpu.vector_store_idx %arg10[%get3A_311], %broadcast_in_dim3A_22 {add = true} : memref<10000xf32, #tpu.memory_space<vmem>>[vector<16xi32>], vector<16xf32>,
      %add3A_312 = arith.constant 1 : i32
      %add3A_313 = arith.addi %mul3A_257, %add3A_312 : i32
      %dma_wait3A_314 = arith.constant 0 : i32
      %dma_wait3A_315 = tpu.memref_slice %arg6[%add3A_313, %dma_wait3A_314] : memref<25x80xi32, #tpu.memory_space<vmem>> -> memref<1x80xi32, #tpu.memory_space<vmem>>
      %dma_wait3A_316 = tpu.memref_squeeze %dma_wait3A_315 : memref<1x80xi32, #tpu.memory_space<vmem>> -> memref<80xi32, #tpu.memory_space<vmem>>
      %dma_wait3A_317 = arith.constant 0 : i32
      %dma_wait3A_318 = arith.constant 0 : i32
      %dma_wait3A_319 = tpu.memref_slice %arg3[%dma_wait3A_317, %dma_wait3A_318] : memref<10000x128xf32, #tpu.memory_space<hbm>> -> memref<10000x128xf32, #tpu.memory_space<hbm>>
      tpu.wait_indirect_dma semaphore(%arg13 : memref<!tpu.dma_semaphore, #tpu.memory_space<semaphore_mem>>) src(%dma_wait3A_319 : memref<10000x128xf32, #tpu.memory_space<hbm>>) dst(%arg9 : memref<80x128xf32, #tpu.memory_space<vmem>>)
      %add3A_320 = arith.constant 1 : i32
      %add3A_321 = arith.addi %mul3A_257, %add3A_320 : i32
      "tpu.region"() ({
        %run_scoped3A_322 = tpu.sem_alloc : memref<!tpu.dma_semaphore, #tpu.memory_space<semaphore_mem>>
        %dma_start3A_323 = arith.constant 0 : i32
        %dma_start3A_324 = tpu.memref_slice %arg7[%add3A_321, %dma_start3A_323] : memref<25x80xi32, #tpu.memory_space<vmem>> -> memref<1x80xi32, #tpu.memory_space<vmem>>
        %dma_start3A_325 = tpu.memref_squeeze %dma_start3A_324 : memref<1x80xi32, #tpu.memory_space<vmem>> -> memref<80xi32, #tpu.memory_space<vmem>>
        %dma_start3A_326 = arith.constant 0 : i32
        %dma_start3A_327 = arith.constant 0 : i32
        %dma_start3A_328 = tpu.memref_slice %arg11[%dma_start3A_326, %dma_start3A_327] : memref<10000x128xf32, #tpu.memory_space<vmem_shared>> -> memref<10000x128xf32, #tpu.memory_space<vmem_shared>>
        tpu.enqueue_indirect_dma source(%arg9 : memref<80x128xf32, #tpu.memory_space<vmem>>) target(%dma_start3A_328 : memref<10000x128xf32, #tpu.memory_space<vmem_shared>>) offsets(%dma_start3A_325 : memref<80xi32, #tpu.memory_space<vmem>>) semaphore(%run_scoped3A_322 : memref<!tpu.dma_semaphore, #tpu.memory_space<semaphore_mem>>) {add = true}
        %dma_wait3A_329 = arith.constant 0 : i32
        %dma_wait3A_330 = tpu.memref_slice %arg7[%add3A_321, %dma_wait3A_329] : memref<25x80xi32, #tpu.memory_space<vmem>> -> memref<1x80xi32, #tpu.memory_space<vmem>>
        %dma_wait3A_331 = tpu.memref_squeeze %dma_wait3A_330 : memref<1x80xi32, #tpu.memory_space<vmem>> -> memref<80xi32, #tpu.memory_space<vmem>>
        %dma_wait3A_332 = arith.constant 0 : i32
        %dma_wait3A_333 = arith.constant 0 : i32
        %dma_wait3A_334 = tpu.memref_slice %arg11[%dma_wait3A_332, %dma_wait3A_333] : memref<10000x128xf32, #tpu.memory_space<vmem_shared>> -> memref<10000x128xf32, #tpu.memory_space<vmem_shared>>
        tpu.wait_indirect_dma semaphore(%run_scoped3A_322 : memref<!tpu.dma_semaphore, #tpu.memory_space<semaphore_mem>>) src(%arg9 : memref<80x128xf32, #tpu.memory_space<vmem>>) dst(%dma_wait3A_334 : memref<10000x128xf32, #tpu.memory_space<vmem_shared>>)
        tpu.yield
      }) : () -> ()
    }
    %scan3A_80 = arith.constant 12 : i32
    %get3A_81 = arith.constant 24 : i32
    %get3A_82 = arith.index_cast %get3A_81 : i32 to index
    %get3A_83 = arith.constant 0 : index
    %get3A_84 = tpu.vector_load %arg7[%get3A_82, %get3A_83] {strides = array<i32>} : memref<25x80xi32, #tpu.memory_space<vmem>>, vector<16xi32>,
    tpu.vector_store_idx %arg10[%get3A_84], %broadcast_in_dim3A_22 {add = true} : memref<10000xf32, #tpu.memory_space<vmem>>[vector<16xi32>], vector<16xf32>,
    %get3A_85 = arith.constant 24 : i32
    %get3A_86 = arith.index_cast %get3A_85 : i32 to index
    %get3A_87 = arith.constant 16 : index
    %get3A_88 = tpu.vector_load %arg7[%get3A_86, %get3A_87] {strides = array<i32>} : memref<25x80xi32, #tpu.memory_space<vmem>>, vector<16xi32>,
    tpu.vector_store_idx %arg10[%get3A_88], %broadcast_in_dim3A_22 {add = true} : memref<10000xf32, #tpu.memory_space<vmem>>[vector<16xi32>], vector<16xf32>,
    %get3A_89 = arith.constant 24 : i32
    %get3A_90 = arith.index_cast %get3A_89 : i32 to index
    %get3A_91 = arith.constant 32 : index
    %get3A_92 = tpu.vector_load %arg7[%get3A_90, %get3A_91] {strides = array<i32>} : memref<25x80xi32, #tpu.memory_space<vmem>>, vector<16xi32>,
    tpu.vector_store_idx %arg10[%get3A_92], %broadcast_in_dim3A_22 {add = true} : memref<10000xf32, #tpu.memory_space<vmem>>[vector<16xi32>], vector<16xf32>,
    %get3A_93 = arith.constant 24 : i32
    %get3A_94 = arith.index_cast %get3A_93 : i32 to index
    %get3A_95 = arith.constant 48 : index
    %get3A_96 = tpu.vector_load %arg7[%get3A_94, %get3A_95] {strides = array<i32>} : memref<25x80xi32, #tpu.memory_space<vmem>>, vector<16xi32>,
    tpu.vector_store_idx %arg10[%get3A_96], %broadcast_in_dim3A_22 {add = true} : memref<10000xf32, #tpu.memory_space<vmem>>[vector<16xi32>], vector<16xf32>,
    %get3A_97 = arith.constant 24 : i32
    %get3A_98 = arith.index_cast %get3A_97 : i32 to index
    %get3A_99 = arith.constant 64 : index
    %get3A_100 = tpu.vector_load %arg7[%get3A_98, %get3A_99] {strides = array<i32>} : memref<25x80xi32, #tpu.memory_space<vmem>>, vector<16xi32>,
    tpu.vector_store_idx %arg10[%get3A_100], %broadcast_in_dim3A_22 {add = true} : memref<10000xf32, #tpu.memory_space<vmem>>[vector<16xi32>], vector<16xf32>,
    %dma_wait3A_101 = arith.constant 24 : i32
    %dma_wait3A_102 = arith.constant 0 : i32
    %dma_wait3A_103 = tpu.memref_slice %arg6[%dma_wait3A_101, %dma_wait3A_102] : memref<25x80xi32, #tpu.memory_space<vmem>> -> memref<1x80xi32, #tpu.memory_space<vmem>>
    %dma_wait3A_104 = tpu.memref_squeeze %dma_wait3A_103 : memref<1x80xi32, #tpu.memory_space<vmem>> -> memref<80xi32, #tpu.memory_space<vmem>>
    %dma_wait3A_105 = arith.constant 0 : i32
    %dma_wait3A_106 = arith.constant 0 : i32
    %dma_wait3A_107 = tpu.memref_slice %arg3[%dma_wait3A_105, %dma_wait3A_106] : memref<10000x128xf32, #tpu.memory_space<hbm>> -> memref<10000x128xf32, #tpu.memory_space<hbm>>
    tpu.wait_indirect_dma semaphore(%arg12 : memref<!tpu.dma_semaphore, #tpu.memory_space<semaphore_mem>>) src(%dma_wait3A_107 : memref<10000x128xf32, #tpu.memory_space<hbm>>) dst(%arg8 : memref<80x128xf32, #tpu.memory_space<vmem>>)
    %run_scoped3A_108 = arith.constant 24 : i32
    "tpu.region"() ({
      %run_scoped3A_255 = tpu.sem_alloc : memref<!tpu.dma_semaphore, #tpu.memory_space<semaphore_mem>>
      %dma_start3A_256 = arith.constant 0 : i32
      %dma_start3A_257 = tpu.memref_slice %arg7[%run_scoped3A_108, %dma_start3A_256] : memref<25x80xi32, #tpu.memory_space<vmem>> -> memref<1x80xi32, #tpu.memory_space<vmem>>
      %dma_start3A_258 = tpu.memref_squeeze %dma_start3A_257 : memref<1x80xi32, #tpu.memory_space<vmem>> -> memref<80xi32, #tpu.memory_space<vmem>>
      %dma_start3A_259 = arith.constant 0 : i32
      %dma_start3A_260 = arith.constant 0 : i32
      %dma_start3A_261 = tpu.memref_slice %arg11[%dma_start3A_259, %dma_start3A_260] : memref<10000x128xf32, #tpu.memory_space<vmem_shared>> -> memref<10000x128xf32, #tpu.memory_space<vmem_shared>>
      tpu.enqueue_indirect_dma source(%arg8 : memref<80x128xf32, #tpu.memory_space<vmem>>) target(%dma_start3A_261 : memref<10000x128xf32, #tpu.memory_space<vmem_shared>>) offsets(%dma_start3A_258 : memref<80xi32, #tpu.memory_space<vmem>>) semaphore(%run_scoped3A_255 : memref<!tpu.dma_semaphore, #tpu.memory_space<semaphore_mem>>) {add = true}
      %dma_wait3A_262 = arith.constant 0 : i32
      %dma_wait3A_263 = tpu.memref_slice %arg7[%run_scoped3A_108, %dma_wait3A_262] : memref<25x80xi32, #tpu.memory_space<vmem>> -> memref<1x80xi32, #tpu.memory_space<vmem>>
      %dma_wait3A_264 = tpu.memref_squeeze %dma_wait3A_263 : memref<1x80xi32, #tpu.memory_space<vmem>> -> memref<80xi32, #tpu.memory_space<vmem>>
      %dma_wait3A_265 = arith.constant 0 : i32
      %dma_wait3A_266 = arith.constant 0 : i32
      %dma_wait3A_267 = tpu.memref_slice %arg11[%dma_wait3A_265, %dma_wait3A_266] : memref<10000x128xf32, #tpu.memory_space<vmem_shared>> -> memref<10000x128xf32, #tpu.memory_space<vmem_shared>>
      tpu.wait_indirect_dma semaphore(%run_scoped3A_255 : memref<!tpu.dma_semaphore, #tpu.memory_space<semaphore_mem>>) src(%arg8 : memref<80x128xf32, #tpu.memory_space<vmem>>) dst(%dma_wait3A_267 : memref<10000x128xf32, #tpu.memory_space<vmem_shared>>)
      tpu.yield
    }) : () -> ()
    %run_scoped3A_109 = arith.constant 0 : i32
    %run_scoped3A_110 = arith.constant 2 : i32
    "tpu.region"() ({
      %run_scoped3A_255 = tpu.sem_alloc : memref<!tpu.dma_semaphore, #tpu.memory_space<semaphore_mem>>
      %dma_start3A_256 = arith.constant 0 : i32
      %dma_start3A_257 = arith.constant 0 : i32
      %dma_start3A_258 = tpu.memref_slice %arg2[%run_scoped3A_109, %add3A, %run_scoped3A_110, %dma_start3A_256, %dma_start3A_257] : memref<2x32x5x25x80xi32, #tpu.memory_space<hbm>> -> memref<1x1x1x25x80xi32, #tpu.memory_space<hbm>>
      %dma_start3A_259 = tpu.memref_squeeze %dma_start3A_258 : memref<1x1x1x25x80xi32, #tpu.memory_space<hbm>> -> memref<25x80xi32, #tpu.memory_space<hbm>>
      %dma_start3A_260 = arith.constant 0 : i32
      %dma_start3A_261 = arith.constant 0 : i32
      %dma_start3A_262 = tpu.memref_slice %arg2[%run_scoped3A_109, %add3A, %run_scoped3A_110, %dma_start3A_260, %dma_start3A_261] : memref<2x32x5x25x80xi32, #tpu.memory_space<hbm>> -> memref<1x1x1x25x80xi32, #tpu.memory_space<hbm>>
      %dma_start3A_263 = tpu.memref_squeeze %dma_start3A_262 : memref<1x1x1x25x80xi32, #tpu.memory_space<hbm>> -> memref<25x80xi32, #tpu.memory_space<hbm>>
      tpu.enqueue_dma source(%dma_start3A_263 : memref<25x80xi32, #tpu.memory_space<hbm>>) target(%arg6 : memref<25x80xi32, #tpu.memory_space<vmem>>) target_semaphore(%run_scoped3A_255 : memref<!tpu.dma_semaphore, #tpu.memory_space<semaphore_mem>>)
      %dma_wait3A_264 = arith.constant 0 : i32
      %dma_wait3A_265 = arith.constant 0 : i32
      %dma_wait3A_266 = tpu.memref_slice %arg2[%run_scoped3A_109, %add3A, %run_scoped3A_110, %dma_wait3A_264, %dma_wait3A_265] : memref<2x32x5x25x80xi32, #tpu.memory_space<hbm>> -> memref<1x1x1x25x80xi32, #tpu.memory_space<hbm>>
      %dma_wait3A_267 = tpu.memref_squeeze %dma_wait3A_266 : memref<1x1x1x25x80xi32, #tpu.memory_space<hbm>> -> memref<25x80xi32, #tpu.memory_space<hbm>>
      %dma_wait3A_268 = arith.constant 0 : i32
      %dma_wait3A_269 = arith.constant 0 : i32
      %dma_wait3A_270 = tpu.memref_slice %arg2[%run_scoped3A_109, %add3A, %run_scoped3A_110, %dma_wait3A_268, %dma_wait3A_269] : memref<2x32x5x25x80xi32, #tpu.memory_space<hbm>> -> memref<1x1x1x25x80xi32, #tpu.memory_space<hbm>>
      %dma_wait3A_271 = tpu.memref_squeeze %dma_wait3A_270 : memref<1x1x1x25x80xi32, #tpu.memory_space<hbm>> -> memref<25x80xi32, #tpu.memory_space<hbm>>
      tpu.wait_dma2 semaphore(%run_scoped3A_255 : memref<!tpu.dma_semaphore, #tpu.memory_space<semaphore_mem>>) src(%dma_wait3A_271 : memref<25x80xi32, #tpu.memory_space<hbm>>) dst(%arg6 : memref<25x80xi32, #tpu.memory_space<vmem>>)
      tpu.yield
    }) : () -> ()
    %run_scoped3A_111 = arith.constant 1 : i32
    %run_scoped3A_112 = arith.constant 2 : i32
    "tpu.region"() ({
      %run_scoped3A_255 = tpu.sem_alloc : memref<!tpu.dma_semaphore, #tpu.memory_space<semaphore_mem>>
      %dma_start3A_256 = arith.constant 0 : i32
      %dma_start3A_257 = arith.constant 0 : i32
      %dma_start3A_258 = tpu.memref_slice %arg2[%run_scoped3A_111, %add3A, %run_scoped3A_112, %dma_start3A_256, %dma_start3A_257] : memref<2x32x5x25x80xi32, #tpu.memory_space<hbm>> -> memref<1x1x1x25x80xi32, #tpu.memory_space<hbm>>
      %dma_start3A_259 = tpu.memref_squeeze %dma_start3A_258 : memref<1x1x1x25x80xi32, #tpu.memory_space<hbm>> -> memref<25x80xi32, #tpu.memory_space<hbm>>
      %dma_start3A_260 = arith.constant 0 : i32
      %dma_start3A_261 = arith.constant 0 : i32
      %dma_start3A_262 = tpu.memref_slice %arg2[%run_scoped3A_111, %add3A, %run_scoped3A_112, %dma_start3A_260, %dma_start3A_261] : memref<2x32x5x25x80xi32, #tpu.memory_space<hbm>> -> memref<1x1x1x25x80xi32, #tpu.memory_space<hbm>>
      %dma_start3A_263 = tpu.memref_squeeze %dma_start3A_262 : memref<1x1x1x25x80xi32, #tpu.memory_space<hbm>> -> memref<25x80xi32, #tpu.memory_space<hbm>>
      tpu.enqueue_dma source(%dma_start3A_263 : memref<25x80xi32, #tpu.memory_space<hbm>>) target(%arg7 : memref<25x80xi32, #tpu.memory_space<vmem>>) target_semaphore(%run_scoped3A_255 : memref<!tpu.dma_semaphore, #tpu.memory_space<semaphore_mem>>)
      %dma_wait3A_264 = arith.constant 0 : i32
      %dma_wait3A_265 = arith.constant 0 : i32
      %dma_wait3A_266 = tpu.memref_slice %arg2[%run_scoped3A_111, %add3A, %run_scoped3A_112, %dma_wait3A_264, %dma_wait3A_265] : memref<2x32x5x25x80xi32, #tpu.memory_space<hbm>> -> memref<1x1x1x25x80xi32, #tpu.memory_space<hbm>>
      %dma_wait3A_267 = tpu.memref_squeeze %dma_wait3A_266 : memref<1x1x1x25x80xi32, #tpu.memory_space<hbm>> -> memref<25x80xi32, #tpu.memory_space<hbm>>
      %dma_wait3A_268 = arith.constant 0 : i32
      %dma_wait3A_269 = arith.constant 0 : i32
      %dma_wait3A_270 = tpu.memref_slice %arg2[%run_scoped3A_111, %add3A, %run_scoped3A_112, %dma_wait3A_268, %dma_wait3A_269] : memref<2x32x5x25x80xi32, #tpu.memory_space<hbm>> -> memref<1x1x1x25x80xi32, #tpu.memory_space<hbm>>
      %dma_wait3A_271 = tpu.memref_squeeze %dma_wait3A_270 : memref<1x1x1x25x80xi32, #tpu.memory_space<hbm>> -> memref<25x80xi32, #tpu.memory_space<hbm>>
      tpu.wait_dma2 semaphore(%run_scoped3A_255 : memref<!tpu.dma_semaphore, #tpu.memory_space<semaphore_mem>>) src(%dma_wait3A_271 : memref<25x80xi32, #tpu.memory_space<hbm>>) dst(%arg7 : memref<25x80xi32, #tpu.memory_space<vmem>>)
      tpu.yield
    }) : () -> ()
    %dma_start3A_113 = arith.constant 0 : i32
    %dma_start3A_114 = arith.constant 0 : i32
    %dma_start3A_115 = tpu.memref_slice %arg6[%dma_start3A_113, %dma_start3A_114] : memref<25x80xi32, #tpu.memory_space<vmem>> -> memref<1x80xi32, #tpu.memory_space<vmem>>
    %dma_start3A_116 = tpu.memref_squeeze %dma_start3A_115 : memref<1x80xi32, #tpu.memory_space<vmem>> -> memref<80xi32, #tpu.memory_space<vmem>>
    %dma_start3A_117 = arith.constant 0 : i32
    %dma_start3A_118 = arith.constant 0 : i32
    %dma_start3A_119 = tpu.memref_slice %arg3[%dma_start3A_117, %dma_start3A_118] : memref<10000x128xf32, #tpu.memory_space<hbm>> -> memref<10000x128xf32, #tpu.memory_space<hbm>>
    tpu.enqueue_indirect_dma source(%dma_start3A_119 : memref<10000x128xf32, #tpu.memory_space<hbm>>) target(%arg8 : memref<80x128xf32, #tpu.memory_space<vmem>>) offsets(%dma_start3A_116 : memref<80xi32, #tpu.memory_space<vmem>>) semaphore(%arg12 : memref<!tpu.dma_semaphore, #tpu.memory_space<semaphore_mem>>)
    %scan3A_120 = arith.constant 0 : i32
    %scan3A_121 = arith.constant 0 : i32
    %scan3A_122 = arith.constant 12 : i32
    %scan3A_123 = arith.addi %scan3A_121, %scan3A_122 : i32
    %scan3A_124 = arith.constant 1 : i32
    scf.for %scan3A_255 = %scan3A_121 to %scan3A_123 step %scan3A_124  : i32 {
      %mul3A_256 = arith.constant 2 : i32
      %mul3A_257 = arith.muli %mul3A_256, %scan3A_255 : i32
      %add3A_258 = arith.constant 1 : i32
      %add3A_259 = arith.addi %mul3A_257, %add3A_258 : i32
      %dma_start3A_260 = arith.constant 0 : i32
      %dma_start3A_261 = tpu.memref_slice %arg6[%add3A_259, %dma_start3A_260] : memref<25x80xi32, #tpu.memory_space<vmem>> -> memref<1x80xi32, #tpu.memory_space<vmem>>
      %dma_start3A_262 = tpu.memref_squeeze %dma_start3A_261 : memref<1x80xi32, #tpu.memory_space<vmem>> -> memref<80xi32, #tpu.memory_space<vmem>>
      %dma_start3A_263 = arith.constant 0 : i32
      %dma_start3A_264 = arith.constant 0 : i32
      %dma_start3A_265 = tpu.memref_slice %arg3[%dma_start3A_263, %dma_start3A_264] : memref<10000x128xf32, #tpu.memory_space<hbm>> -> memref<10000x128xf32, #tpu.memory_space<hbm>>
      tpu.enqueue_indirect_dma source(%dma_start3A_265 : memref<10000x128xf32, #tpu.memory_space<hbm>>) target(%arg9 : memref<80x128xf32, #tpu.memory_space<vmem>>) offsets(%dma_start3A_262 : memref<80xi32, #tpu.memory_space<vmem>>) semaphore(%arg13 : memref<!tpu.dma_semaphore, #tpu.memory_space<semaphore_mem>>)
      %get3A_266 = arith.index_cast %mul3A_257 : i32 to index
      %get3A_267 = arith.constant 0 : index
      %get3A_268 = tpu.vector_load %arg7[%get3A_266, %get3A_267] {strides = array<i32>} : memref<25x80xi32, #tpu.memory_space<vmem>>, vector<16xi32>,
      tpu.vector_store_idx %arg10[%get3A_268], %broadcast_in_dim3A_22 {add = true} : memref<10000xf32, #tpu.memory_space<vmem>>[vector<16xi32>], vector<16xf32>,
      %get3A_269 = arith.index_cast %mul3A_257 : i32 to index
      %get3A_270 = arith.constant 16 : index
      %get3A_271 = tpu.vector_load %arg7[%get3A_269, %get3A_270] {strides = array<i32>} : memref<25x80xi32, #tpu.memory_space<vmem>>, vector<16xi32>,
      tpu.vector_store_idx %arg10[%get3A_271], %broadcast_in_dim3A_22 {add = true} : memref<10000xf32, #tpu.memory_space<vmem>>[vector<16xi32>], vector<16xf32>,
      %get3A_272 = arith.index_cast %mul3A_257 : i32 to index
      %get3A_273 = arith.constant 32 : index
      %get3A_274 = tpu.vector_load %arg7[%get3A_272, %get3A_273] {strides = array<i32>} : memref<25x80xi32, #tpu.memory_space<vmem>>, vector<16xi32>,
      tpu.vector_store_idx %arg10[%get3A_274], %broadcast_in_dim3A_22 {add = true} : memref<10000xf32, #tpu.memory_space<vmem>>[vector<16xi32>], vector<16xf32>,
      %get3A_275 = arith.index_cast %mul3A_257 : i32 to index
      %get3A_276 = arith.constant 48 : index
      %get3A_277 = tpu.vector_load %arg7[%get3A_275, %get3A_276] {strides = array<i32>} : memref<25x80xi32, #tpu.memory_space<vmem>>, vector<16xi32>,
      tpu.vector_store_idx %arg10[%get3A_277], %broadcast_in_dim3A_22 {add = true} : memref<10000xf32, #tpu.memory_space<vmem>>[vector<16xi32>], vector<16xf32>,
      %get3A_278 = arith.index_cast %mul3A_257 : i32 to index
      %get3A_279 = arith.constant 64 : index
      %get3A_280 = tpu.vector_load %arg7[%get3A_278, %get3A_279] {strides = array<i32>} : memref<25x80xi32, #tpu.memory_space<vmem>>, vector<16xi32>,
      tpu.vector_store_idx %arg10[%get3A_280], %broadcast_in_dim3A_22 {add = true} : memref<10000xf32, #tpu.memory_space<vmem>>[vector<16xi32>], vector<16xf32>,
      %dma_wait3A_281 = arith.constant 0 : i32
      %dma_wait3A_282 = tpu.memref_slice %arg6[%mul3A_257, %dma_wait3A_281] : memref<25x80xi32, #tpu.memory_space<vmem>> -> memref<1x80xi32, #tpu.memory_space<vmem>>
      %dma_wait3A_283 = tpu.memref_squeeze %dma_wait3A_282 : memref<1x80xi32, #tpu.memory_space<vmem>> -> memref<80xi32, #tpu.memory_space<vmem>>
      %dma_wait3A_284 = arith.constant 0 : i32
      %dma_wait3A_285 = arith.constant 0 : i32
      %dma_wait3A_286 = tpu.memref_slice %arg3[%dma_wait3A_284, %dma_wait3A_285] : memref<10000x128xf32, #tpu.memory_space<hbm>> -> memref<10000x128xf32, #tpu.memory_space<hbm>>
      tpu.wait_indirect_dma semaphore(%arg12 : memref<!tpu.dma_semaphore, #tpu.memory_space<semaphore_mem>>) src(%dma_wait3A_286 : memref<10000x128xf32, #tpu.memory_space<hbm>>) dst(%arg8 : memref<80x128xf32, #tpu.memory_space<vmem>>)
      "tpu.region"() ({
        %run_scoped3A_322 = tpu.sem_alloc : memref<!tpu.dma_semaphore, #tpu.memory_space<semaphore_mem>>
        %dma_start3A_323 = arith.constant 0 : i32
        %dma_start3A_324 = tpu.memref_slice %arg7[%mul3A_257, %dma_start3A_323] : memref<25x80xi32, #tpu.memory_space<vmem>> -> memref<1x80xi32, #tpu.memory_space<vmem>>
        %dma_start3A_325 = tpu.memref_squeeze %dma_start3A_324 : memref<1x80xi32, #tpu.memory_space<vmem>> -> memref<80xi32, #tpu.memory_space<vmem>>
        %dma_start3A_326 = arith.constant 0 : i32
        %dma_start3A_327 = arith.constant 0 : i32
        %dma_start3A_328 = tpu.memref_slice %arg11[%dma_start3A_326, %dma_start3A_327] : memref<10000x128xf32, #tpu.memory_space<vmem_shared>> -> memref<10000x128xf32, #tpu.memory_space<vmem_shared>>
        tpu.enqueue_indirect_dma source(%arg8 : memref<80x128xf32, #tpu.memory_space<vmem>>) target(%dma_start3A_328 : memref<10000x128xf32, #tpu.memory_space<vmem_shared>>) offsets(%dma_start3A_325 : memref<80xi32, #tpu.memory_space<vmem>>) semaphore(%run_scoped3A_322 : memref<!tpu.dma_semaphore, #tpu.memory_space<semaphore_mem>>) {add = true}
        %dma_wait3A_329 = arith.constant 0 : i32
        %dma_wait3A_330 = tpu.memref_slice %arg7[%mul3A_257, %dma_wait3A_329] : memref<25x80xi32, #tpu.memory_space<vmem>> -> memref<1x80xi32, #tpu.memory_space<vmem>>
        %dma_wait3A_331 = tpu.memref_squeeze %dma_wait3A_330 : memref<1x80xi32, #tpu.memory_space<vmem>> -> memref<80xi32, #tpu.memory_space<vmem>>
        %dma_wait3A_332 = arith.constant 0 : i32
        %dma_wait3A_333 = arith.constant 0 : i32
        %dma_wait3A_334 = tpu.memref_slice %arg11[%dma_wait3A_332, %dma_wait3A_333] : memref<10000x128xf32, #tpu.memory_space<vmem_shared>> -> memref<10000x128xf32, #tpu.memory_space<vmem_shared>>
        tpu.wait_indirect_dma semaphore(%run_scoped3A_322 : memref<!tpu.dma_semaphore, #tpu.memory_space<semaphore_mem>>) src(%arg8 : memref<80x128xf32, #tpu.memory_space<vmem>>) dst(%dma_wait3A_334 : memref<10000x128xf32, #tpu.memory_space<vmem_shared>>)
        tpu.yield
      }) : () -> ()
      %add3A_287 = arith.constant 2 : i32
      %add3A_288 = arith.addi %mul3A_257, %add3A_287 : i32
      %dma_start3A_289 = arith.constant 0 : i32
      %dma_start3A_290 = tpu.memref_slice %arg6[%add3A_288, %dma_start3A_289] : memref<25x80xi32, #tpu.memory_space<vmem>> -> memref<1x80xi32, #tpu.memory_space<vmem>>
      %dma_start3A_291 = tpu.memref_squeeze %dma_start3A_290 : memref<1x80xi32, #tpu.memory_space<vmem>> -> memref<80xi32, #tpu.memory_space<vmem>>
      %dma_start3A_292 = arith.constant 0 : i32
      %dma_start3A_293 = arith.constant 0 : i32
      %dma_start3A_294 = tpu.memref_slice %arg3[%dma_start3A_292, %dma_start3A_293] : memref<10000x128xf32, #tpu.memory_space<hbm>> -> memref<10000x128xf32, #tpu.memory_space<hbm>>
      tpu.enqueue_indirect_dma source(%dma_start3A_294 : memref<10000x128xf32, #tpu.memory_space<hbm>>) target(%arg8 : memref<80x128xf32, #tpu.memory_space<vmem>>) offsets(%dma_start3A_291 : memref<80xi32, #tpu.memory_space<vmem>>) semaphore(%arg12 : memref<!tpu.dma_semaphore, #tpu.memory_space<semaphore_mem>>)
      %add3A_295 = arith.constant 1 : i32
      %add3A_296 = arith.addi %mul3A_257, %add3A_295 : i32
      %get3A_297 = arith.index_cast %add3A_296 : i32 to index
      %get3A_298 = arith.constant 0 : index
      %get3A_299 = tpu.vector_load %arg7[%get3A_297, %get3A_298] {strides = array<i32>} : memref<25x80xi32, #tpu.memory_space<vmem>>, vector<16xi32>,
      tpu.vector_store_idx %arg10[%get3A_299], %broadcast_in_dim3A_22 {add = true} : memref<10000xf32, #tpu.memory_space<vmem>>[vector<16xi32>], vector<16xf32>,
      %get3A_300 = arith.index_cast %add3A_296 : i32 to index
      %get3A_301 = arith.constant 16 : index
      %get3A_302 = tpu.vector_load %arg7[%get3A_300, %get3A_301] {strides = array<i32>} : memref<25x80xi32, #tpu.memory_space<vmem>>, vector<16xi32>,
      tpu.vector_store_idx %arg10[%get3A_302], %broadcast_in_dim3A_22 {add = true} : memref<10000xf32, #tpu.memory_space<vmem>>[vector<16xi32>], vector<16xf32>,
      %get3A_303 = arith.index_cast %add3A_296 : i32 to index
      %get3A_304 = arith.constant 32 : index
      %get3A_305 = tpu.vector_load %arg7[%get3A_303, %get3A_304] {strides = array<i32>} : memref<25x80xi32, #tpu.memory_space<vmem>>, vector<16xi32>,
      tpu.vector_store_idx %arg10[%get3A_305], %broadcast_in_dim3A_22 {add = true} : memref<10000xf32, #tpu.memory_space<vmem>>[vector<16xi32>], vector<16xf32>,
      %get3A_306 = arith.index_cast %add3A_296 : i32 to index
      %get3A_307 = arith.constant 48 : index
      %get3A_308 = tpu.vector_load %arg7[%get3A_306, %get3A_307] {strides = array<i32>} : memref<25x80xi32, #tpu.memory_space<vmem>>, vector<16xi32>,
      tpu.vector_store_idx %arg10[%get3A_308], %broadcast_in_dim3A_22 {add = true} : memref<10000xf32, #tpu.memory_space<vmem>>[vector<16xi32>], vector<16xf32>,
      %get3A_309 = arith.index_cast %add3A_296 : i32 to index
      %get3A_310 = arith.constant 64 : index
      %get3A_311 = tpu.vector_load %arg7[%get3A_309, %get3A_310] {strides = array<i32>} : memref<25x80xi32, #tpu.memory_space<vmem>>, vector<16xi32>,
      tpu.vector_store_idx %arg10[%get3A_311], %broadcast_in_dim3A_22 {add = true} : memref<10000xf32, #tpu.memory_space<vmem>>[vector<16xi32>], vector<16xf32>,
      %add3A_312 = arith.constant 1 : i32
      %add3A_313 = arith.addi %mul3A_257, %add3A_312 : i32
      %dma_wait3A_314 = arith.constant 0 : i32
      %dma_wait3A_315 = tpu.memref_slice %arg6[%add3A_313, %dma_wait3A_314] : memref<25x80xi32, #tpu.memory_space<vmem>> -> memref<1x80xi32, #tpu.memory_space<vmem>>
      %dma_wait3A_316 = tpu.memref_squeeze %dma_wait3A_315 : memref<1x80xi32, #tpu.memory_space<vmem>> -> memref<80xi32, #tpu.memory_space<vmem>>
      %dma_wait3A_317 = arith.constant 0 : i32
      %dma_wait3A_318 = arith.constant 0 : i32
      %dma_wait3A_319 = tpu.memref_slice %arg3[%dma_wait3A_317, %dma_wait3A_318] : memref<10000x128xf32, #tpu.memory_space<hbm>> -> memref<10000x128xf32, #tpu.memory_space<hbm>>
      tpu.wait_indirect_dma semaphore(%arg13 : memref<!tpu.dma_semaphore, #tpu.memory_space<semaphore_mem>>) src(%dma_wait3A_319 : memref<10000x128xf32, #tpu.memory_space<hbm>>) dst(%arg9 : memref<80x128xf32, #tpu.memory_space<vmem>>)
      %add3A_320 = arith.constant 1 : i32
      %add3A_321 = arith.addi %mul3A_257, %add3A_320 : i32
      "tpu.region"() ({
        %run_scoped3A_322 = tpu.sem_alloc : memref<!tpu.dma_semaphore, #tpu.memory_space<semaphore_mem>>
        %dma_start3A_323 = arith.constant 0 : i32
        %dma_start3A_324 = tpu.memref_slice %arg7[%add3A_321, %dma_start3A_323] : memref<25x80xi32, #tpu.memory_space<vmem>> -> memref<1x80xi32, #tpu.memory_space<vmem>>
        %dma_start3A_325 = tpu.memref_squeeze %dma_start3A_324 : memref<1x80xi32, #tpu.memory_space<vmem>> -> memref<80xi32, #tpu.memory_space<vmem>>
        %dma_start3A_326 = arith.constant 0 : i32
        %dma_start3A_327 = arith.constant 0 : i32
        %dma_start3A_328 = tpu.memref_slice %arg11[%dma_start3A_326, %dma_start3A_327] : memref<10000x128xf32, #tpu.memory_space<vmem_shared>> -> memref<10000x128xf32, #tpu.memory_space<vmem_shared>>
        tpu.enqueue_indirect_dma source(%arg9 : memref<80x128xf32, #tpu.memory_space<vmem>>) target(%dma_start3A_328 : memref<10000x128xf32, #tpu.memory_space<vmem_shared>>) offsets(%dma_start3A_325 : memref<80xi32, #tpu.memory_space<vmem>>) semaphore(%run_scoped3A_322 : memref<!tpu.dma_semaphore, #tpu.memory_space<semaphore_mem>>) {add = true}
        %dma_wait3A_329 = arith.constant 0 : i32
        %dma_wait3A_330 = tpu.memref_slice %arg7[%add3A_321, %dma_wait3A_329] : memref<25x80xi32, #tpu.memory_space<vmem>> -> memref<1x80xi32, #tpu.memory_space<vmem>>
        %dma_wait3A_331 = tpu.memref_squeeze %dma_wait3A_330 : memref<1x80xi32, #tpu.memory_space<vmem>> -> memref<80xi32, #tpu.memory_space<vmem>>
        %dma_wait3A_332 = arith.constant 0 : i32
        %dma_wait3A_333 = arith.constant 0 : i32
        %dma_wait3A_334 = tpu.memref_slice %arg11[%dma_wait3A_332, %dma_wait3A_333] : memref<10000x128xf32, #tpu.memory_space<vmem_shared>> -> memref<10000x128xf32, #tpu.memory_space<vmem_shared>>
        tpu.wait_indirect_dma semaphore(%run_scoped3A_322 : memref<!tpu.dma_semaphore, #tpu.memory_space<semaphore_mem>>) src(%arg9 : memref<80x128xf32, #tpu.memory_space<vmem>>) dst(%dma_wait3A_334 : memref<10000x128xf32, #tpu.memory_space<vmem_shared>>)
        tpu.yield
      }) : () -> ()
    }
    %scan3A_125 = arith.constant 12 : i32
    %get3A_126 = arith.constant 24 : i32
    %get3A_127 = arith.index_cast %get3A_126 : i32 to index
    %get3A_128 = arith.constant 0 : index
    %get3A_129 = tpu.vector_load %arg7[%get3A_127, %get3A_128] {strides = array<i32>} : memref<25x80xi32, #tpu.memory_space<vmem>>, vector<16xi32>,
    tpu.vector_store_idx %arg10[%get3A_129], %broadcast_in_dim3A_22 {add = true} : memref<10000xf32, #tpu.memory_space<vmem>>[vector<16xi32>], vector<16xf32>,
    %get3A_130 = arith.constant 24 : i32
    %get3A_131 = arith.index_cast %get3A_130 : i32 to index
    %get3A_132 = arith.constant 16 : index
    %get3A_133 = tpu.vector_load %arg7[%get3A_131, %get3A_132] {strides = array<i32>} : memref<25x80xi32, #tpu.memory_space<vmem>>, vector<16xi32>,
    tpu.vector_store_idx %arg10[%get3A_133], %broadcast_in_dim3A_22 {add = true} : memref<10000xf32, #tpu.memory_space<vmem>>[vector<16xi32>], vector<16xf32>,
    %get3A_134 = arith.constant 24 : i32
    %get3A_135 = arith.index_cast %get3A_134 : i32 to index
    %get3A_136 = arith.constant 32 : index
    %get3A_137 = tpu.vector_load %arg7[%get3A_135, %get3A_136] {strides = array<i32>} : memref<25x80xi32, #tpu.memory_space<vmem>>, vector<16xi32>,
    tpu.vector_store_idx %arg10[%get3A_137], %broadcast_in_dim3A_22 {add = true} : memref<10000xf32, #tpu.memory_space<vmem>>[vector<16xi32>], vector<16xf32>,
    %get3A_138 = arith.constant 24 : i32
    %get3A_139 = arith.index_cast %get3A_138 : i32 to index
    %get3A_140 = arith.constant 48 : index
    %get3A_141 = tpu.vector_load %arg7[%get3A_139, %get3A_140] {strides = array<i32>} : memref<25x80xi32, #tpu.memory_space<vmem>>, vector<16xi32>,
    tpu.vector_store_idx %arg10[%get3A_141], %broadcast_in_dim3A_22 {add = true} : memref<10000xf32, #tpu.memory_space<vmem>>[vector<16xi32>], vector<16xf32>,
    %get3A_142 = arith.constant 24 : i32
    %get3A_143 = arith.index_cast %get3A_142 : i32 to index
    %get3A_144 = arith.constant 64 : index
    %get3A_145 = tpu.vector_load %arg7[%get3A_143, %get3A_144] {strides = array<i32>} : memref<25x80xi32, #tpu.memory_space<vmem>>, vector<16xi32>,
    tpu.vector_store_idx %arg10[%get3A_145], %broadcast_in_dim3A_22 {add = true} : memref<10000xf32, #tpu.memory_space<vmem>>[vector<16xi32>], vector<16xf32>,
    %dma_wait3A_146 = arith.constant 24 : i32
    %dma_wait3A_147 = arith.constant 0 : i32
    %dma_wait3A_148 = tpu.memref_slice %arg6[%dma_wait3A_146, %dma_wait3A_147] : memref<25x80xi32, #tpu.memory_space<vmem>> -> memref<1x80xi32, #tpu.memory_space<vmem>>
    %dma_wait3A_149 = tpu.memref_squeeze %dma_wait3A_148 : memref<1x80xi32, #tpu.memory_space<vmem>> -> memref<80xi32, #tpu.memory_space<vmem>>
    %dma_wait3A_150 = arith.constant 0 : i32
    %dma_wait3A_151 = arith.constant 0 : i32
    %dma_wait3A_152 = tpu.memref_slice %arg3[%dma_wait3A_150, %dma_wait3A_151] : memref<10000x128xf32, #tpu.memory_space<hbm>> -> memref<10000x128xf32, #tpu.memory_space<hbm>>
    tpu.wait_indirect_dma semaphore(%arg12 : memref<!tpu.dma_semaphore, #tpu.memory_space<semaphore_mem>>) src(%dma_wait3A_152 : memref<10000x128xf32, #tpu.memory_space<hbm>>) dst(%arg8 : memref<80x128xf32, #tpu.memory_space<vmem>>)
    %run_scoped3A_153 = arith.constant 24 : i32
    "tpu.region"() ({
      %run_scoped3A_255 = tpu.sem_alloc : memref<!tpu.dma_semaphore, #tpu.memory_space<semaphore_mem>>
      %dma_start3A_256 = arith.constant 0 : i32
      %dma_start3A_257 = tpu.memref_slice %arg7[%run_scoped3A_153, %dma_start3A_256] : memref<25x80xi32, #tpu.memory_space<vmem>> -> memref<1x80xi32, #tpu.memory_space<vmem>>
      %dma_start3A_258 = tpu.memref_squeeze %dma_start3A_257 : memref<1x80xi32, #tpu.memory_space<vmem>> -> memref<80xi32, #tpu.memory_space<vmem>>
      %dma_start3A_259 = arith.constant 0 : i32
      %dma_start3A_260 = arith.constant 0 : i32
      %dma_start3A_261 = tpu.memref_slice %arg11[%dma_start3A_259, %dma_start3A_260] : memref<10000x128xf32, #tpu.memory_space<vmem_shared>> -> memref<10000x128xf32, #tpu.memory_space<vmem_shared>>
      tpu.enqueue_indirect_dma source(%arg8 : memref<80x128xf32, #tpu.memory_space<vmem>>) target(%dma_start3A_261 : memref<10000x128xf32, #tpu.memory_space<vmem_shared>>) offsets(%dma_start3A_258 : memref<80xi32, #tpu.memory_space<vmem>>) semaphore(%run_scoped3A_255 : memref<!tpu.dma_semaphore, #tpu.memory_space<semaphore_mem>>) {add = true}
      %dma_wait3A_262 = arith.constant 0 : i32
      %dma_wait3A_263 = tpu.memref_slice %arg7[%run_scoped3A_153, %dma_wait3A_262] : memref<25x80xi32, #tpu.memory_space<vmem>> -> memref<1x80xi32, #tpu.memory_space<vmem>>
      %dma_wait3A_264 = tpu.memref_squeeze %dma_wait3A_263 : memref<1x80xi32, #tpu.memory_space<vmem>> -> memref<80xi32, #tpu.memory_space<vmem>>
      %dma_wait3A_265 = arith.constant 0 : i32
      %dma_wait3A_266 = arith.constant 0 : i32
      %dma_wait3A_267 = tpu.memref_slice %arg11[%dma_wait3A_265, %dma_wait3A_266] : memref<10000x128xf32, #tpu.memory_space<vmem_shared>> -> memref<10000x128xf32, #tpu.memory_space<vmem_shared>>
      tpu.wait_indirect_dma semaphore(%run_scoped3A_255 : memref<!tpu.dma_semaphore, #tpu.memory_space<semaphore_mem>>) src(%arg8 : memref<80x128xf32, #tpu.memory_space<vmem>>) dst(%dma_wait3A_267 : memref<10000x128xf32, #tpu.memory_space<vmem_shared>>)
      tpu.yield
    }) : () -> ()
    %run_scoped3A_154 = arith.constant 0 : i32
    %run_scoped3A_155 = arith.constant 3 : i32
    "tpu.region"() ({
      %run_scoped3A_255 = tpu.sem_alloc : memref<!tpu.dma_semaphore, #tpu.memory_space<semaphore_mem>>
      %dma_start3A_256 = arith.constant 0 : i32
      %dma_start3A_257 = arith.constant 0 : i32
      %dma_start3A_258 = tpu.memref_slice %arg2[%run_scoped3A_154, %add3A, %run_scoped3A_155, %dma_start3A_256, %dma_start3A_257] : memref<2x32x5x25x80xi32, #tpu.memory_space<hbm>> -> memref<1x1x1x25x80xi32, #tpu.memory_space<hbm>>
      %dma_start3A_259 = tpu.memref_squeeze %dma_start3A_258 : memref<1x1x1x25x80xi32, #tpu.memory_space<hbm>> -> memref<25x80xi32, #tpu.memory_space<hbm>>
      %dma_start3A_260 = arith.constant 0 : i32
      %dma_start3A_261 = arith.constant 0 : i32
      %dma_start3A_262 = tpu.memref_slice %arg2[%run_scoped3A_154, %add3A, %run_scoped3A_155, %dma_start3A_260, %dma_start3A_261] : memref<2x32x5x25x80xi32, #tpu.memory_space<hbm>> -> memref<1x1x1x25x80xi32, #tpu.memory_space<hbm>>
      %dma_start3A_263 = tpu.memref_squeeze %dma_start3A_262 : memref<1x1x1x25x80xi32, #tpu.memory_space<hbm>> -> memref<25x80xi32, #tpu.memory_space<hbm>>
      tpu.enqueue_dma source(%dma_start3A_263 : memref<25x80xi32, #tpu.memory_space<hbm>>) target(%arg6 : memref<25x80xi32, #tpu.memory_space<vmem>>) target_semaphore(%run_scoped3A_255 : memref<!tpu.dma_semaphore, #tpu.memory_space<semaphore_mem>>)
      %dma_wait3A_264 = arith.constant 0 : i32
      %dma_wait3A_265 = arith.constant 0 : i32
      %dma_wait3A_266 = tpu.memref_slice %arg2[%run_scoped3A_154, %add3A, %run_scoped3A_155, %dma_wait3A_264, %dma_wait3A_265] : memref<2x32x5x25x80xi32, #tpu.memory_space<hbm>> -> memref<1x1x1x25x80xi32, #tpu.memory_space<hbm>>
      %dma_wait3A_267 = tpu.memref_squeeze %dma_wait3A_266 : memref<1x1x1x25x80xi32, #tpu.memory_space<hbm>> -> memref<25x80xi32, #tpu.memory_space<hbm>>
      %dma_wait3A_268 = arith.constant 0 : i32
      %dma_wait3A_269 = arith.constant 0 : i32
      %dma_wait3A_270 = tpu.memref_slice %arg2[%run_scoped3A_154, %add3A, %run_scoped3A_155, %dma_wait3A_268, %dma_wait3A_269] : memref<2x32x5x25x80xi32, #tpu.memory_space<hbm>> -> memref<1x1x1x25x80xi32, #tpu.memory_space<hbm>>
      %dma_wait3A_271 = tpu.memref_squeeze %dma_wait3A_270 : memref<1x1x1x25x80xi32, #tpu.memory_space<hbm>> -> memref<25x80xi32, #tpu.memory_space<hbm>>
      tpu.wait_dma2 semaphore(%run_scoped3A_255 : memref<!tpu.dma_semaphore, #tpu.memory_space<semaphore_mem>>) src(%dma_wait3A_271 : memref<25x80xi32, #tpu.memory_space<hbm>>) dst(%arg6 : memref<25x80xi32, #tpu.memory_space<vmem>>)
      tpu.yield
    }) : () -> ()
    %run_scoped3A_156 = arith.constant 1 : i32
    %run_scoped3A_157 = arith.constant 3 : i32
    "tpu.region"() ({
      %run_scoped3A_255 = tpu.sem_alloc : memref<!tpu.dma_semaphore, #tpu.memory_space<semaphore_mem>>
      %dma_start3A_256 = arith.constant 0 : i32
      %dma_start3A_257 = arith.constant 0 : i32
      %dma_start3A_258 = tpu.memref_slice %arg2[%run_scoped3A_156, %add3A, %run_scoped3A_157, %dma_start3A_256, %dma_start3A_257] : memref<2x32x5x25x80xi32, #tpu.memory_space<hbm>> -> memref<1x1x1x25x80xi32, #tpu.memory_space<hbm>>
      %dma_start3A_259 = tpu.memref_squeeze %dma_start3A_258 : memref<1x1x1x25x80xi32, #tpu.memory_space<hbm>> -> memref<25x80xi32, #tpu.memory_space<hbm>>
      %dma_start3A_260 = arith.constant 0 : i32
      %dma_start3A_261 = arith.constant 0 : i32
      %dma_start3A_262 = tpu.memref_slice %arg2[%run_scoped3A_156, %add3A, %run_scoped3A_157, %dma_start3A_260, %dma_start3A_261] : memref<2x32x5x25x80xi32, #tpu.memory_space<hbm>> -> memref<1x1x1x25x80xi32, #tpu.memory_space<hbm>>
      %dma_start3A_263 = tpu.memref_squeeze %dma_start3A_262 : memref<1x1x1x25x80xi32, #tpu.memory_space<hbm>> -> memref<25x80xi32, #tpu.memory_space<hbm>>
      tpu.enqueue_dma source(%dma_start3A_263 : memref<25x80xi32, #tpu.memory_space<hbm>>) target(%arg7 : memref<25x80xi32, #tpu.memory_space<vmem>>) target_semaphore(%run_scoped3A_255 : memref<!tpu.dma_semaphore, #tpu.memory_space<semaphore_mem>>)
      %dma_wait3A_264 = arith.constant 0 : i32
      %dma_wait3A_265 = arith.constant 0 : i32
      %dma_wait3A_266 = tpu.memref_slice %arg2[%run_scoped3A_156, %add3A, %run_scoped3A_157, %dma_wait3A_264, %dma_wait3A_265] : memref<2x32x5x25x80xi32, #tpu.memory_space<hbm>> -> memref<1x1x1x25x80xi32, #tpu.memory_space<hbm>>
      %dma_wait3A_267 = tpu.memref_squeeze %dma_wait3A_266 : memref<1x1x1x25x80xi32, #tpu.memory_space<hbm>> -> memref<25x80xi32, #tpu.memory_space<hbm>>
      %dma_wait3A_268 = arith.constant 0 : i32
      %dma_wait3A_269 = arith.constant 0 : i32
      %dma_wait3A_270 = tpu.memref_slice %arg2[%run_scoped3A_156, %add3A, %run_scoped3A_157, %dma_wait3A_268, %dma_wait3A_269] : memref<2x32x5x25x80xi32, #tpu.memory_space<hbm>> -> memref<1x1x1x25x80xi32, #tpu.memory_space<hbm>>
      %dma_wait3A_271 = tpu.memref_squeeze %dma_wait3A_270 : memref<1x1x1x25x80xi32, #tpu.memory_space<hbm>> -> memref<25x80xi32, #tpu.memory_space<hbm>>
      tpu.wait_dma2 semaphore(%run_scoped3A_255 : memref<!tpu.dma_semaphore, #tpu.memory_space<semaphore_mem>>) src(%dma_wait3A_271 : memref<25x80xi32, #tpu.memory_space<hbm>>) dst(%arg7 : memref<25x80xi32, #tpu.memory_space<vmem>>)
      tpu.yield
    }) : () -> ()
    %dma_start3A_158 = arith.constant 0 : i32
    %dma_start3A_159 = arith.constant 0 : i32
    %dma_start3A_160 = tpu.memref_slice %arg6[%dma_start3A_158, %dma_start3A_159] : memref<25x80xi32, #tpu.memory_space<vmem>> -> memref<1x80xi32, #tpu.memory_space<vmem>>
    %dma_start3A_161 = tpu.memref_squeeze %dma_start3A_160 : memref<1x80xi32, #tpu.memory_space<vmem>> -> memref<80xi32, #tpu.memory_space<vmem>>
    %dma_start3A_162 = arith.constant 0 : i32
    %dma_start3A_163 = arith.constant 0 : i32
    %dma_start3A_164 = tpu.memref_slice %arg3[%dma_start3A_162, %dma_start3A_163] : memref<10000x128xf32, #tpu.memory_space<hbm>> -> memref<10000x128xf32, #tpu.memory_space<hbm>>
    tpu.enqueue_indirect_dma source(%dma_start3A_164 : memref<10000x128xf32, #tpu.memory_space<hbm>>) target(%arg8 : memref<80x128xf32, #tpu.memory_space<vmem>>) offsets(%dma_start3A_161 : memref<80xi32, #tpu.memory_space<vmem>>) semaphore(%arg12 : memref<!tpu.dma_semaphore, #tpu.memory_space<semaphore_mem>>)
    %scan3A_165 = arith.constant 0 : i32
    %scan3A_166 = arith.constant 0 : i32
    %scan3A_167 = arith.constant 12 : i32
    %scan3A_168 = arith.addi %scan3A_166, %scan3A_167 : i32
    %scan3A_169 = arith.constant 1 : i32
    scf.for %scan3A_255 = %scan3A_166 to %scan3A_168 step %scan3A_169  : i32 {
      %mul3A_256 = arith.constant 2 : i32
      %mul3A_257 = arith.muli %mul3A_256, %scan3A_255 : i32
      %add3A_258 = arith.constant 1 : i32
      %add3A_259 = arith.addi %mul3A_257, %add3A_258 : i32
      %dma_start3A_260 = arith.constant 0 : i32
      %dma_start3A_261 = tpu.memref_slice %arg6[%add3A_259, %dma_start3A_260] : memref<25x80xi32, #tpu.memory_space<vmem>> -> memref<1x80xi32, #tpu.memory_space<vmem>>
      %dma_start3A_262 = tpu.memref_squeeze %dma_start3A_261 : memref<1x80xi32, #tpu.memory_space<vmem>> -> memref<80xi32, #tpu.memory_space<vmem>>
      %dma_start3A_263 = arith.constant 0 : i32
      %dma_start3A_264 = arith.constant 0 : i32
      %dma_start3A_265 = tpu.memref_slice %arg3[%dma_start3A_263, %dma_start3A_264] : memref<10000x128xf32, #tpu.memory_space<hbm>> -> memref<10000x128xf32, #tpu.memory_space<hbm>>
      tpu.enqueue_indirect_dma source(%dma_start3A_265 : memref<10000x128xf32, #tpu.memory_space<hbm>>) target(%arg9 : memref<80x128xf32, #tpu.memory_space<vmem>>) offsets(%dma_start3A_262 : memref<80xi32, #tpu.memory_space<vmem>>) semaphore(%arg13 : memref<!tpu.dma_semaphore, #tpu.memory_space<semaphore_mem>>)
      %get3A_266 = arith.index_cast %mul3A_257 : i32 to index
      %get3A_267 = arith.constant 0 : index
      %get3A_268 = tpu.vector_load %arg7[%get3A_266, %get3A_267] {strides = array<i32>} : memref<25x80xi32, #tpu.memory_space<vmem>>, vector<16xi32>,
      tpu.vector_store_idx %arg10[%get3A_268], %broadcast_in_dim3A_22 {add = true} : memref<10000xf32, #tpu.memory_space<vmem>>[vector<16xi32>], vector<16xf32>,
      %get3A_269 = arith.index_cast %mul3A_257 : i32 to index
      %get3A_270 = arith.constant 16 : index
      %get3A_271 = tpu.vector_load %arg7[%get3A_269, %get3A_270] {strides = array<i32>} : memref<25x80xi32, #tpu.memory_space<vmem>>, vector<16xi32>,
      tpu.vector_store_idx %arg10[%get3A_271], %broadcast_in_dim3A_22 {add = true} : memref<10000xf32, #tpu.memory_space<vmem>>[vector<16xi32>], vector<16xf32>,
      %get3A_272 = arith.index_cast %mul3A_257 : i32 to index
      %get3A_273 = arith.constant 32 : index
      %get3A_274 = tpu.vector_load %arg7[%get3A_272, %get3A_273] {strides = array<i32>} : memref<25x80xi32, #tpu.memory_space<vmem>>, vector<16xi32>,
      tpu.vector_store_idx %arg10[%get3A_274], %broadcast_in_dim3A_22 {add = true} : memref<10000xf32, #tpu.memory_space<vmem>>[vector<16xi32>], vector<16xf32>,
      %get3A_275 = arith.index_cast %mul3A_257 : i32 to index
      %get3A_276 = arith.constant 48 : index
      %get3A_277 = tpu.vector_load %arg7[%get3A_275, %get3A_276] {strides = array<i32>} : memref<25x80xi32, #tpu.memory_space<vmem>>, vector<16xi32>,
      tpu.vector_store_idx %arg10[%get3A_277], %broadcast_in_dim3A_22 {add = true} : memref<10000xf32, #tpu.memory_space<vmem>>[vector<16xi32>], vector<16xf32>,
      %get3A_278 = arith.index_cast %mul3A_257 : i32 to index
      %get3A_279 = arith.constant 64 : index
      %get3A_280 = tpu.vector_load %arg7[%get3A_278, %get3A_279] {strides = array<i32>} : memref<25x80xi32, #tpu.memory_space<vmem>>, vector<16xi32>,
      tpu.vector_store_idx %arg10[%get3A_280], %broadcast_in_dim3A_22 {add = true} : memref<10000xf32, #tpu.memory_space<vmem>>[vector<16xi32>], vector<16xf32>,
      %dma_wait3A_281 = arith.constant 0 : i32
      %dma_wait3A_282 = tpu.memref_slice %arg6[%mul3A_257, %dma_wait3A_281] : memref<25x80xi32, #tpu.memory_space<vmem>> -> memref<1x80xi32, #tpu.memory_space<vmem>>
      %dma_wait3A_283 = tpu.memref_squeeze %dma_wait3A_282 : memref<1x80xi32, #tpu.memory_space<vmem>> -> memref<80xi32, #tpu.memory_space<vmem>>
      %dma_wait3A_284 = arith.constant 0 : i32
      %dma_wait3A_285 = arith.constant 0 : i32
      %dma_wait3A_286 = tpu.memref_slice %arg3[%dma_wait3A_284, %dma_wait3A_285] : memref<10000x128xf32, #tpu.memory_space<hbm>> -> memref<10000x128xf32, #tpu.memory_space<hbm>>
      tpu.wait_indirect_dma semaphore(%arg12 : memref<!tpu.dma_semaphore, #tpu.memory_space<semaphore_mem>>) src(%dma_wait3A_286 : memref<10000x128xf32, #tpu.memory_space<hbm>>) dst(%arg8 : memref<80x128xf32, #tpu.memory_space<vmem>>)
      "tpu.region"() ({
        %run_scoped3A_322 = tpu.sem_alloc : memref<!tpu.dma_semaphore, #tpu.memory_space<semaphore_mem>>
        %dma_start3A_323 = arith.constant 0 : i32
        %dma_start3A_324 = tpu.memref_slice %arg7[%mul3A_257, %dma_start3A_323] : memref<25x80xi32, #tpu.memory_space<vmem>> -> memref<1x80xi32, #tpu.memory_space<vmem>>
        %dma_start3A_325 = tpu.memref_squeeze %dma_start3A_324 : memref<1x80xi32, #tpu.memory_space<vmem>> -> memref<80xi32, #tpu.memory_space<vmem>>
        %dma_start3A_326 = arith.constant 0 : i32
        %dma_start3A_327 = arith.constant 0 : i32
        %dma_start3A_328 = tpu.memref_slice %arg11[%dma_start3A_326, %dma_start3A_327] : memref<10000x128xf32, #tpu.memory_space<vmem_shared>> -> memref<10000x128xf32, #tpu.memory_space<vmem_shared>>
        tpu.enqueue_indirect_dma source(%arg8 : memref<80x128xf32, #tpu.memory_space<vmem>>) target(%dma_start3A_328 : memref<10000x128xf32, #tpu.memory_space<vmem_shared>>) offsets(%dma_start3A_325 : memref<80xi32, #tpu.memory_space<vmem>>) semaphore(%run_scoped3A_322 : memref<!tpu.dma_semaphore, #tpu.memory_space<semaphore_mem>>) {add = true}
        %dma_wait3A_329 = arith.constant 0 : i32
        %dma_wait3A_330 = tpu.memref_slice %arg7[%mul3A_257, %dma_wait3A_329] : memref<25x80xi32, #tpu.memory_space<vmem>> -> memref<1x80xi32, #tpu.memory_space<vmem>>
        %dma_wait3A_331 = tpu.memref_squeeze %dma_wait3A_330 : memref<1x80xi32, #tpu.memory_space<vmem>> -> memref<80xi32, #tpu.memory_space<vmem>>
        %dma_wait3A_332 = arith.constant 0 : i32
        %dma_wait3A_333 = arith.constant 0 : i32
        %dma_wait3A_334 = tpu.memref_slice %arg11[%dma_wait3A_332, %dma_wait3A_333] : memref<10000x128xf32, #tpu.memory_space<vmem_shared>> -> memref<10000x128xf32, #tpu.memory_space<vmem_shared>>
        tpu.wait_indirect_dma semaphore(%run_scoped3A_322 : memref<!tpu.dma_semaphore, #tpu.memory_space<semaphore_mem>>) src(%arg8 : memref<80x128xf32, #tpu.memory_space<vmem>>) dst(%dma_wait3A_334 : memref<10000x128xf32, #tpu.memory_space<vmem_shared>>)
        tpu.yield
      }) : () -> ()
      %add3A_287 = arith.constant 2 : i32
      %add3A_288 = arith.addi %mul3A_257, %add3A_287 : i32
      %dma_start3A_289 = arith.constant 0 : i32
      %dma_start3A_290 = tpu.memref_slice %arg6[%add3A_288, %dma_start3A_289] : memref<25x80xi32, #tpu.memory_space<vmem>> -> memref<1x80xi32, #tpu.memory_space<vmem>>
      %dma_start3A_291 = tpu.memref_squeeze %dma_start3A_290 : memref<1x80xi32, #tpu.memory_space<vmem>> -> memref<80xi32, #tpu.memory_space<vmem>>
      %dma_start3A_292 = arith.constant 0 : i32
      %dma_start3A_293 = arith.constant 0 : i32
      %dma_start3A_294 = tpu.memref_slice %arg3[%dma_start3A_292, %dma_start3A_293] : memref<10000x128xf32, #tpu.memory_space<hbm>> -> memref<10000x128xf32, #tpu.memory_space<hbm>>
      tpu.enqueue_indirect_dma source(%dma_start3A_294 : memref<10000x128xf32, #tpu.memory_space<hbm>>) target(%arg8 : memref<80x128xf32, #tpu.memory_space<vmem>>) offsets(%dma_start3A_291 : memref<80xi32, #tpu.memory_space<vmem>>) semaphore(%arg12 : memref<!tpu.dma_semaphore, #tpu.memory_space<semaphore_mem>>)
      %add3A_295 = arith.constant 1 : i32
      %add3A_296 = arith.addi %mul3A_257, %add3A_295 : i32
      %get3A_297 = arith.index_cast %add3A_296 : i32 to index
      %get3A_298 = arith.constant 0 : index
      %get3A_299 = tpu.vector_load %arg7[%get3A_297, %get3A_298] {strides = array<i32>} : memref<25x80xi32, #tpu.memory_space<vmem>>, vector<16xi32>,
      tpu.vector_store_idx %arg10[%get3A_299], %broadcast_in_dim3A_22 {add = true} : memref<10000xf32, #tpu.memory_space<vmem>>[vector<16xi32>], vector<16xf32>,
      %get3A_300 = arith.index_cast %add3A_296 : i32 to index
      %get3A_301 = arith.constant 16 : index
      %get3A_302 = tpu.vector_load %arg7[%get3A_300, %get3A_301] {strides = array<i32>} : memref<25x80xi32, #tpu.memory_space<vmem>>, vector<16xi32>,
      tpu.vector_store_idx %arg10[%get3A_302], %broadcast_in_dim3A_22 {add = true} : memref<10000xf32, #tpu.memory_space<vmem>>[vector<16xi32>], vector<16xf32>,
      %get3A_303 = arith.index_cast %add3A_296 : i32 to index
      %get3A_304 = arith.constant 32 : index
      %get3A_305 = tpu.vector_load %arg7[%get3A_303, %get3A_304] {strides = array<i32>} : memref<25x80xi32, #tpu.memory_space<vmem>>, vector<16xi32>,
      tpu.vector_store_idx %arg10[%get3A_305], %broadcast_in_dim3A_22 {add = true} : memref<10000xf32, #tpu.memory_space<vmem>>[vector<16xi32>], vector<16xf32>,
      %get3A_306 = arith.index_cast %add3A_296 : i32 to index
      %get3A_307 = arith.constant 48 : index
      %get3A_308 = tpu.vector_load %arg7[%get3A_306, %get3A_307] {strides = array<i32>} : memref<25x80xi32, #tpu.memory_space<vmem>>, vector<16xi32>,
      tpu.vector_store_idx %arg10[%get3A_308], %broadcast_in_dim3A_22 {add = true} : memref<10000xf32, #tpu.memory_space<vmem>>[vector<16xi32>], vector<16xf32>,
      %get3A_309 = arith.index_cast %add3A_296 : i32 to index
      %get3A_310 = arith.constant 64 : index
      %get3A_311 = tpu.vector_load %arg7[%get3A_309, %get3A_310] {strides = array<i32>} : memref<25x80xi32, #tpu.memory_space<vmem>>, vector<16xi32>,
      tpu.vector_store_idx %arg10[%get3A_311], %broadcast_in_dim3A_22 {add = true} : memref<10000xf32, #tpu.memory_space<vmem>>[vector<16xi32>], vector<16xf32>,
      %add3A_312 = arith.constant 1 : i32
      %add3A_313 = arith.addi %mul3A_257, %add3A_312 : i32
      %dma_wait3A_314 = arith.constant 0 : i32
      %dma_wait3A_315 = tpu.memref_slice %arg6[%add3A_313, %dma_wait3A_314] : memref<25x80xi32, #tpu.memory_space<vmem>> -> memref<1x80xi32, #tpu.memory_space<vmem>>
      %dma_wait3A_316 = tpu.memref_squeeze %dma_wait3A_315 : memref<1x80xi32, #tpu.memory_space<vmem>> -> memref<80xi32, #tpu.memory_space<vmem>>
      %dma_wait3A_317 = arith.constant 0 : i32
      %dma_wait3A_318 = arith.constant 0 : i32
      %dma_wait3A_319 = tpu.memref_slice %arg3[%dma_wait3A_317, %dma_wait3A_318] : memref<10000x128xf32, #tpu.memory_space<hbm>> -> memref<10000x128xf32, #tpu.memory_space<hbm>>
      tpu.wait_indirect_dma semaphore(%arg13 : memref<!tpu.dma_semaphore, #tpu.memory_space<semaphore_mem>>) src(%dma_wait3A_319 : memref<10000x128xf32, #tpu.memory_space<hbm>>) dst(%arg9 : memref<80x128xf32, #tpu.memory_space<vmem>>)
      %add3A_320 = arith.constant 1 : i32
      %add3A_321 = arith.addi %mul3A_257, %add3A_320 : i32
      "tpu.region"() ({
        %run_scoped3A_322 = tpu.sem_alloc : memref<!tpu.dma_semaphore, #tpu.memory_space<semaphore_mem>>
        %dma_start3A_323 = arith.constant 0 : i32
        %dma_start3A_324 = tpu.memref_slice %arg7[%add3A_321, %dma_start3A_323] : memref<25x80xi32, #tpu.memory_space<vmem>> -> memref<1x80xi32, #tpu.memory_space<vmem>>
        %dma_start3A_325 = tpu.memref_squeeze %dma_start3A_324 : memref<1x80xi32, #tpu.memory_space<vmem>> -> memref<80xi32, #tpu.memory_space<vmem>>
        %dma_start3A_326 = arith.constant 0 : i32
        %dma_start3A_327 = arith.constant 0 : i32
        %dma_start3A_328 = tpu.memref_slice %arg11[%dma_start3A_326, %dma_start3A_327] : memref<10000x128xf32, #tpu.memory_space<vmem_shared>> -> memref<10000x128xf32, #tpu.memory_space<vmem_shared>>
        tpu.enqueue_indirect_dma source(%arg9 : memref<80x128xf32, #tpu.memory_space<vmem>>) target(%dma_start3A_328 : memref<10000x128xf32, #tpu.memory_space<vmem_shared>>) offsets(%dma_start3A_325 : memref<80xi32, #tpu.memory_space<vmem>>) semaphore(%run_scoped3A_322 : memref<!tpu.dma_semaphore, #tpu.memory_space<semaphore_mem>>) {add = true}
        %dma_wait3A_329 = arith.constant 0 : i32
        %dma_wait3A_330 = tpu.memref_slice %arg7[%add3A_321, %dma_wait3A_329] : memref<25x80xi32, #tpu.memory_space<vmem>> -> memref<1x80xi32, #tpu.memory_space<vmem>>
        %dma_wait3A_331 = tpu.memref_squeeze %dma_wait3A_330 : memref<1x80xi32, #tpu.memory_space<vmem>> -> memref<80xi32, #tpu.memory_space<vmem>>
        %dma_wait3A_332 = arith.constant 0 : i32
        %dma_wait3A_333 = arith.constant 0 : i32
        %dma_wait3A_334 = tpu.memref_slice %arg11[%dma_wait3A_332, %dma_wait3A_333] : memref<10000x128xf32, #tpu.memory_space<vmem_shared>> -> memref<10000x128xf32, #tpu.memory_space<vmem_shared>>
        tpu.wait_indirect_dma semaphore(%run_scoped3A_322 : memref<!tpu.dma_semaphore, #tpu.memory_space<semaphore_mem>>) src(%arg9 : memref<80x128xf32, #tpu.memory_space<vmem>>) dst(%dma_wait3A_334 : memref<10000x128xf32, #tpu.memory_space<vmem_shared>>)
        tpu.yield
      }) : () -> ()
    }
    %scan3A_170 = arith.constant 12 : i32
    %get3A_171 = arith.constant 24 : i32
    %get3A_172 = arith.index_cast %get3A_171 : i32 to index
    %get3A_173 = arith.constant 0 : index
    %get3A_174 = tpu.vector_load %arg7[%get3A_172, %get3A_173] {strides = array<i32>} : memref<25x80xi32, #tpu.memory_space<vmem>>, vector<16xi32>,
    tpu.vector_store_idx %arg10[%get3A_174], %broadcast_in_dim3A_22 {add = true} : memref<10000xf32, #tpu.memory_space<vmem>>[vector<16xi32>], vector<16xf32>,
    %get3A_175 = arith.constant 24 : i32
    %get3A_176 = arith.index_cast %get3A_175 : i32 to index
    %get3A_177 = arith.constant 16 : index
    %get3A_178 = tpu.vector_load %arg7[%get3A_176, %get3A_177] {strides = array<i32>} : memref<25x80xi32, #tpu.memory_space<vmem>>, vector<16xi32>,
    tpu.vector_store_idx %arg10[%get3A_178], %broadcast_in_dim3A_22 {add = true} : memref<10000xf32, #tpu.memory_space<vmem>>[vector<16xi32>], vector<16xf32>,
    %get3A_179 = arith.constant 24 : i32
    %get3A_180 = arith.index_cast %get3A_179 : i32 to index
    %get3A_181 = arith.constant 32 : index
    %get3A_182 = tpu.vector_load %arg7[%get3A_180, %get3A_181] {strides = array<i32>} : memref<25x80xi32, #tpu.memory_space<vmem>>, vector<16xi32>,
    tpu.vector_store_idx %arg10[%get3A_182], %broadcast_in_dim3A_22 {add = true} : memref<10000xf32, #tpu.memory_space<vmem>>[vector<16xi32>], vector<16xf32>,
    %get3A_183 = arith.constant 24 : i32
    %get3A_184 = arith.index_cast %get3A_183 : i32 to index
    %get3A_185 = arith.constant 48 : index
    %get3A_186 = tpu.vector_load %arg7[%get3A_184, %get3A_185] {strides = array<i32>} : memref<25x80xi32, #tpu.memory_space<vmem>>, vector<16xi32>,
    tpu.vector_store_idx %arg10[%get3A_186], %broadcast_in_dim3A_22 {add = true} : memref<10000xf32, #tpu.memory_space<vmem>>[vector<16xi32>], vector<16xf32>,
    %get3A_187 = arith.constant 24 : i32
    %get3A_188 = arith.index_cast %get3A_187 : i32 to index
    %get3A_189 = arith.constant 64 : index
    %get3A_190 = tpu.vector_load %arg7[%get3A_188, %get3A_189] {strides = array<i32>} : memref<25x80xi32, #tpu.memory_space<vmem>>, vector<16xi32>,
    tpu.vector_store_idx %arg10[%get3A_190], %broadcast_in_dim3A_22 {add = true} : memref<10000xf32, #tpu.memory_space<vmem>>[vector<16xi32>], vector<16xf32>,
    %dma_wait3A_191 = arith.constant 24 : i32
    %dma_wait3A_192 = arith.constant 0 : i32
    %dma_wait3A_193 = tpu.memref_slice %arg6[%dma_wait3A_191, %dma_wait3A_192] : memref<25x80xi32, #tpu.memory_space<vmem>> -> memref<1x80xi32, #tpu.memory_space<vmem>>
    %dma_wait3A_194 = tpu.memref_squeeze %dma_wait3A_193 : memref<1x80xi32, #tpu.memory_space<vmem>> -> memref<80xi32, #tpu.memory_space<vmem>>
    %dma_wait3A_195 = arith.constant 0 : i32
    %dma_wait3A_196 = arith.constant 0 : i32
    %dma_wait3A_197 = tpu.memref_slice %arg3[%dma_wait3A_195, %dma_wait3A_196] : memref<10000x128xf32, #tpu.memory_space<hbm>> -> memref<10000x128xf32, #tpu.memory_space<hbm>>
    tpu.wait_indirect_dma semaphore(%arg12 : memref<!tpu.dma_semaphore, #tpu.memory_space<semaphore_mem>>) src(%dma_wait3A_197 : memref<10000x128xf32, #tpu.memory_space<hbm>>) dst(%arg8 : memref<80x128xf32, #tpu.memory_space<vmem>>)
    %run_scoped3A_198 = arith.constant 24 : i32
    "tpu.region"() ({
      %run_scoped3A_255 = tpu.sem_alloc : memref<!tpu.dma_semaphore, #tpu.memory_space<semaphore_mem>>
      %dma_start3A_256 = arith.constant 0 : i32
      %dma_start3A_257 = tpu.memref_slice %arg7[%run_scoped3A_198, %dma_start3A_256] : memref<25x80xi32, #tpu.memory_space<vmem>> -> memref<1x80xi32, #tpu.memory_space<vmem>>
      %dma_start3A_258 = tpu.memref_squeeze %dma_start3A_257 : memref<1x80xi32, #tpu.memory_space<vmem>> -> memref<80xi32, #tpu.memory_space<vmem>>
      %dma_start3A_259 = arith.constant 0 : i32
      %dma_start3A_260 = arith.constant 0 : i32
      %dma_start3A_261 = tpu.memref_slice %arg11[%dma_start3A_259, %dma_start3A_260] : memref<10000x128xf32, #tpu.memory_space<vmem_shared>> -> memref<10000x128xf32, #tpu.memory_space<vmem_shared>>
      tpu.enqueue_indirect_dma source(%arg8 : memref<80x128xf32, #tpu.memory_space<vmem>>) target(%dma_start3A_261 : memref<10000x128xf32, #tpu.memory_space<vmem_shared>>) offsets(%dma_start3A_258 : memref<80xi32, #tpu.memory_space<vmem>>) semaphore(%run_scoped3A_255 : memref<!tpu.dma_semaphore, #tpu.memory_space<semaphore_mem>>) {add = true}
      %dma_wait3A_262 = arith.constant 0 : i32
      %dma_wait3A_263 = tpu.memref_slice %arg7[%run_scoped3A_198, %dma_wait3A_262] : memref<25x80xi32, #tpu.memory_space<vmem>> -> memref<1x80xi32, #tpu.memory_space<vmem>>
      %dma_wait3A_264 = tpu.memref_squeeze %dma_wait3A_263 : memref<1x80xi32, #tpu.memory_space<vmem>> -> memref<80xi32, #tpu.memory_space<vmem>>
      %dma_wait3A_265 = arith.constant 0 : i32
      %dma_wait3A_266 = arith.constant 0 : i32
      %dma_wait3A_267 = tpu.memref_slice %arg11[%dma_wait3A_265, %dma_wait3A_266] : memref<10000x128xf32, #tpu.memory_space<vmem_shared>> -> memref<10000x128xf32, #tpu.memory_space<vmem_shared>>
      tpu.wait_indirect_dma semaphore(%run_scoped3A_255 : memref<!tpu.dma_semaphore, #tpu.memory_space<semaphore_mem>>) src(%arg8 : memref<80x128xf32, #tpu.memory_space<vmem>>) dst(%dma_wait3A_267 : memref<10000x128xf32, #tpu.memory_space<vmem_shared>>)
      tpu.yield
    }) : () -> ()
    %run_scoped3A_199 = arith.constant 0 : i32
    %run_scoped3A_200 = arith.constant 4 : i32
    "tpu.region"() ({
      %run_scoped3A_255 = tpu.sem_alloc : memref<!tpu.dma_semaphore, #tpu.memory_space<semaphore_mem>>
      %dma_start3A_256 = arith.constant 0 : i32
      %dma_start3A_257 = arith.constant 0 : i32
      %dma_start3A_258 = tpu.memref_slice %arg2[%run_scoped3A_199, %add3A, %run_scoped3A_200, %dma_start3A_256, %dma_start3A_257] : memref<2x32x5x25x80xi32, #tpu.memory_space<hbm>> -> memref<1x1x1x25x80xi32, #tpu.memory_space<hbm>>
      %dma_start3A_259 = tpu.memref_squeeze %dma_start3A_258 : memref<1x1x1x25x80xi32, #tpu.memory_space<hbm>> -> memref<25x80xi32, #tpu.memory_space<hbm>>
      %dma_start3A_260 = arith.constant 0 : i32
      %dma_start3A_261 = arith.constant 0 : i32
      %dma_start3A_262 = tpu.memref_slice %arg2[%run_scoped3A_199, %add3A, %run_scoped3A_200, %dma_start3A_260, %dma_start3A_261] : memref<2x32x5x25x80xi32, #tpu.memory_space<hbm>> -> memref<1x1x1x25x80xi32, #tpu.memory_space<hbm>>
      %dma_start3A_263 = tpu.memref_squeeze %dma_start3A_262 : memref<1x1x1x25x80xi32, #tpu.memory_space<hbm>> -> memref<25x80xi32, #tpu.memory_space<hbm>>
      tpu.enqueue_dma source(%dma_start3A_263 : memref<25x80xi32, #tpu.memory_space<hbm>>) target(%arg6 : memref<25x80xi32, #tpu.memory_space<vmem>>) target_semaphore(%run_scoped3A_255 : memref<!tpu.dma_semaphore, #tpu.memory_space<semaphore_mem>>)
      %dma_wait3A_264 = arith.constant 0 : i32
      %dma_wait3A_265 = arith.constant 0 : i32
      %dma_wait3A_266 = tpu.memref_slice %arg2[%run_scoped3A_199, %add3A, %run_scoped3A_200, %dma_wait3A_264, %dma_wait3A_265] : memref<2x32x5x25x80xi32, #tpu.memory_space<hbm>> -> memref<1x1x1x25x80xi32, #tpu.memory_space<hbm>>
      %dma_wait3A_267 = tpu.memref_squeeze %dma_wait3A_266 : memref<1x1x1x25x80xi32, #tpu.memory_space<hbm>> -> memref<25x80xi32, #tpu.memory_space<hbm>>
      %dma_wait3A_268 = arith.constant 0 : i32
      %dma_wait3A_269 = arith.constant 0 : i32
      %dma_wait3A_270 = tpu.memref_slice %arg2[%run_scoped3A_199, %add3A, %run_scoped3A_200, %dma_wait3A_268, %dma_wait3A_269] : memref<2x32x5x25x80xi32, #tpu.memory_space<hbm>> -> memref<1x1x1x25x80xi32, #tpu.memory_space<hbm>>
      %dma_wait3A_271 = tpu.memref_squeeze %dma_wait3A_270 : memref<1x1x1x25x80xi32, #tpu.memory_space<hbm>> -> memref<25x80xi32, #tpu.memory_space<hbm>>
      tpu.wait_dma2 semaphore(%run_scoped3A_255 : memref<!tpu.dma_semaphore, #tpu.memory_space<semaphore_mem>>) src(%dma_wait3A_271 : memref<25x80xi32, #tpu.memory_space<hbm>>) dst(%arg6 : memref<25x80xi32, #tpu.memory_space<vmem>>)
      tpu.yield
    }) : () -> ()
    %run_scoped3A_201 = arith.constant 1 : i32
    %run_scoped3A_202 = arith.constant 4 : i32
    "tpu.region"() ({
      %run_scoped3A_255 = tpu.sem_alloc : memref<!tpu.dma_semaphore, #tpu.memory_space<semaphore_mem>>
      %dma_start3A_256 = arith.constant 0 : i32
      %dma_start3A_257 = arith.constant 0 : i32
      %dma_start3A_258 = tpu.memref_slice %arg2[%run_scoped3A_201, %add3A, %run_scoped3A_202, %dma_start3A_256, %dma_start3A_257] : memref<2x32x5x25x80xi32, #tpu.memory_space<hbm>> -> memref<1x1x1x25x80xi32, #tpu.memory_space<hbm>>
      %dma_start3A_259 = tpu.memref_squeeze %dma_start3A_258 : memref<1x1x1x25x80xi32, #tpu.memory_space<hbm>> -> memref<25x80xi32, #tpu.memory_space<hbm>>
      %dma_start3A_260 = arith.constant 0 : i32
      %dma_start3A_261 = arith.constant 0 : i32
      %dma_start3A_262 = tpu.memref_slice %arg2[%run_scoped3A_201, %add3A, %run_scoped3A_202, %dma_start3A_260, %dma_start3A_261] : memref<2x32x5x25x80xi32, #tpu.memory_space<hbm>> -> memref<1x1x1x25x80xi32, #tpu.memory_space<hbm>>
      %dma_start3A_263 = tpu.memref_squeeze %dma_start3A_262 : memref<1x1x1x25x80xi32, #tpu.memory_space<hbm>> -> memref<25x80xi32, #tpu.memory_space<hbm>>
      tpu.enqueue_dma source(%dma_start3A_263 : memref<25x80xi32, #tpu.memory_space<hbm>>) target(%arg7 : memref<25x80xi32, #tpu.memory_space<vmem>>) target_semaphore(%run_scoped3A_255 : memref<!tpu.dma_semaphore, #tpu.memory_space<semaphore_mem>>)
      %dma_wait3A_264 = arith.constant 0 : i32
      %dma_wait3A_265 = arith.constant 0 : i32
      %dma_wait3A_266 = tpu.memref_slice %arg2[%run_scoped3A_201, %add3A, %run_scoped3A_202, %dma_wait3A_264, %dma_wait3A_265] : memref<2x32x5x25x80xi32, #tpu.memory_space<hbm>> -> memref<1x1x1x25x80xi32, #tpu.memory_space<hbm>>
      %dma_wait3A_267 = tpu.memref_squeeze %dma_wait3A_266 : memref<1x1x1x25x80xi32, #tpu.memory_space<hbm>> -> memref<25x80xi32, #tpu.memory_space<hbm>>
      %dma_wait3A_268 = arith.constant 0 : i32
      %dma_wait3A_269 = arith.constant 0 : i32
      %dma_wait3A_270 = tpu.memref_slice %arg2[%run_scoped3A_201, %add3A, %run_scoped3A_202, %dma_wait3A_268, %dma_wait3A_269] : memref<2x32x5x25x80xi32, #tpu.memory_space<hbm>> -> memref<1x1x1x25x80xi32, #tpu.memory_space<hbm>>
      %dma_wait3A_271 = tpu.memref_squeeze %dma_wait3A_270 : memref<1x1x1x25x80xi32, #tpu.memory_space<hbm>> -> memref<25x80xi32, #tpu.memory_space<hbm>>
      tpu.wait_dma2 semaphore(%run_scoped3A_255 : memref<!tpu.dma_semaphore, #tpu.memory_space<semaphore_mem>>) src(%dma_wait3A_271 : memref<25x80xi32, #tpu.memory_space<hbm>>) dst(%arg7 : memref<25x80xi32, #tpu.memory_space<vmem>>)
      tpu.yield
    }) : () -> ()
    %dma_start3A_203 = arith.constant 0 : i32
    %dma_start3A_204 = arith.constant 0 : i32
    %dma_start3A_205 = tpu.memref_slice %arg6[%dma_start3A_203, %dma_start3A_204] : memref<25x80xi32, #tpu.memory_space<vmem>> -> memref<1x80xi32, #tpu.memory_space<vmem>>
    %dma_start3A_206 = tpu.memref_squeeze %dma_start3A_205 : memref<1x80xi32, #tpu.memory_space<vmem>> -> memref<80xi32, #tpu.memory_space<vmem>>
    %dma_start3A_207 = arith.constant 0 : i32
    %dma_start3A_208 = arith.constant 0 : i32
    %dma_start3A_209 = tpu.memref_slice %arg3[%dma_start3A_207, %dma_start3A_208] : memref<10000x128xf32, #tpu.memory_space<hbm>> -> memref<10000x128xf32, #tpu.memory_space<hbm>>
    tpu.enqueue_indirect_dma source(%dma_start3A_209 : memref<10000x128xf32, #tpu.memory_space<hbm>>) target(%arg8 : memref<80x128xf32, #tpu.memory_space<vmem>>) offsets(%dma_start3A_206 : memref<80xi32, #tpu.memory_space<vmem>>) semaphore(%arg12 : memref<!tpu.dma_semaphore, #tpu.memory_space<semaphore_mem>>)
    %scan3A_210 = arith.constant 0 : i32
    %scan3A_211 = arith.constant 0 : i32
    %scan3A_212 = arith.constant 12 : i32
    %scan3A_213 = arith.addi %scan3A_211, %scan3A_212 : i32
    %scan3A_214 = arith.constant 1 : i32
    scf.for %scan3A_255 = %scan3A_211 to %scan3A_213 step %scan3A_214  : i32 {
      %mul3A_256 = arith.constant 2 : i32
      %mul3A_257 = arith.muli %mul3A_256, %scan3A_255 : i32
      %add3A_258 = arith.constant 1 : i32
      %add3A_259 = arith.addi %mul3A_257, %add3A_258 : i32
      %dma_start3A_260 = arith.constant 0 : i32
      %dma_start3A_261 = tpu.memref_slice %arg6[%add3A_259, %dma_start3A_260] : memref<25x80xi32, #tpu.memory_space<vmem>> -> memref<1x80xi32, #tpu.memory_space<vmem>>
      %dma_start3A_262 = tpu.memref_squeeze %dma_start3A_261 : memref<1x80xi32, #tpu.memory_space<vmem>> -> memref<80xi32, #tpu.memory_space<vmem>>
      %dma_start3A_263 = arith.constant 0 : i32
      %dma_start3A_264 = arith.constant 0 : i32
      %dma_start3A_265 = tpu.memref_slice %arg3[%dma_start3A_263, %dma_start3A_264] : memref<10000x128xf32, #tpu.memory_space<hbm>> -> memref<10000x128xf32, #tpu.memory_space<hbm>>
      tpu.enqueue_indirect_dma source(%dma_start3A_265 : memref<10000x128xf32, #tpu.memory_space<hbm>>) target(%arg9 : memref<80x128xf32, #tpu.memory_space<vmem>>) offsets(%dma_start3A_262 : memref<80xi32, #tpu.memory_space<vmem>>) semaphore(%arg13 : memref<!tpu.dma_semaphore, #tpu.memory_space<semaphore_mem>>)
      %get3A_266 = arith.index_cast %mul3A_257 : i32 to index
      %get3A_267 = arith.constant 0 : index
      %get3A_268 = tpu.vector_load %arg7[%get3A_266, %get3A_267] {strides = array<i32>} : memref<25x80xi32, #tpu.memory_space<vmem>>, vector<16xi32>,
      tpu.vector_store_idx %arg10[%get3A_268], %broadcast_in_dim3A_22 {add = true} : memref<10000xf32, #tpu.memory_space<vmem>>[vector<16xi32>], vector<16xf32>,
      %get3A_269 = arith.index_cast %mul3A_257 : i32 to index
      %get3A_270 = arith.constant 16 : index
      %get3A_271 = tpu.vector_load %arg7[%get3A_269, %get3A_270] {strides = array<i32>} : memref<25x80xi32, #tpu.memory_space<vmem>>, vector<16xi32>,
      tpu.vector_store_idx %arg10[%get3A_271], %broadcast_in_dim3A_22 {add = true} : memref<10000xf32, #tpu.memory_space<vmem>>[vector<16xi32>], vector<16xf32>,
      %get3A_272 = arith.index_cast %mul3A_257 : i32 to index
      %get3A_273 = arith.constant 32 : index
      %get3A_274 = tpu.vector_load %arg7[%get3A_272, %get3A_273] {strides = array<i32>} : memref<25x80xi32, #tpu.memory_space<vmem>>, vector<16xi32>,
      tpu.vector_store_idx %arg10[%get3A_274], %broadcast_in_dim3A_22 {add = true} : memref<10000xf32, #tpu.memory_space<vmem>>[vector<16xi32>], vector<16xf32>,
      %get3A_275 = arith.index_cast %mul3A_257 : i32 to index
      %get3A_276 = arith.constant 48 : index
      %get3A_277 = tpu.vector_load %arg7[%get3A_275, %get3A_276] {strides = array<i32>} : memref<25x80xi32, #tpu.memory_space<vmem>>, vector<16xi32>,
      tpu.vector_store_idx %arg10[%get3A_277], %broadcast_in_dim3A_22 {add = true} : memref<10000xf32, #tpu.memory_space<vmem>>[vector<16xi32>], vector<16xf32>,
      %get3A_278 = arith.index_cast %mul3A_257 : i32 to index
      %get3A_279 = arith.constant 64 : index
      %get3A_280 = tpu.vector_load %arg7[%get3A_278, %get3A_279] {strides = array<i32>} : memref<25x80xi32, #tpu.memory_space<vmem>>, vector<16xi32>,
      tpu.vector_store_idx %arg10[%get3A_280], %broadcast_in_dim3A_22 {add = true} : memref<10000xf32, #tpu.memory_space<vmem>>[vector<16xi32>], vector<16xf32>,
      %dma_wait3A_281 = arith.constant 0 : i32
      %dma_wait3A_282 = tpu.memref_slice %arg6[%mul3A_257, %dma_wait3A_281] : memref<25x80xi32, #tpu.memory_space<vmem>> -> memref<1x80xi32, #tpu.memory_space<vmem>>
      %dma_wait3A_283 = tpu.memref_squeeze %dma_wait3A_282 : memref<1x80xi32, #tpu.memory_space<vmem>> -> memref<80xi32, #tpu.memory_space<vmem>>
      %dma_wait3A_284 = arith.constant 0 : i32
      %dma_wait3A_285 = arith.constant 0 : i32
      %dma_wait3A_286 = tpu.memref_slice %arg3[%dma_wait3A_284, %dma_wait3A_285] : memref<10000x128xf32, #tpu.memory_space<hbm>> -> memref<10000x128xf32, #tpu.memory_space<hbm>>
      tpu.wait_indirect_dma semaphore(%arg12 : memref<!tpu.dma_semaphore, #tpu.memory_space<semaphore_mem>>) src(%dma_wait3A_286 : memref<10000x128xf32, #tpu.memory_space<hbm>>) dst(%arg8 : memref<80x128xf32, #tpu.memory_space<vmem>>)
      "tpu.region"() ({
        %run_scoped3A_322 = tpu.sem_alloc : memref<!tpu.dma_semaphore, #tpu.memory_space<semaphore_mem>>
        %dma_start3A_323 = arith.constant 0 : i32
        %dma_start3A_324 = tpu.memref_slice %arg7[%mul3A_257, %dma_start3A_323] : memref<25x80xi32, #tpu.memory_space<vmem>> -> memref<1x80xi32, #tpu.memory_space<vmem>>
        %dma_start3A_325 = tpu.memref_squeeze %dma_start3A_324 : memref<1x80xi32, #tpu.memory_space<vmem>> -> memref<80xi32, #tpu.memory_space<vmem>>
        %dma_start3A_326 = arith.constant 0 : i32
        %dma_start3A_327 = arith.constant 0 : i32
        %dma_start3A_328 = tpu.memref_slice %arg11[%dma_start3A_326, %dma_start3A_327] : memref<10000x128xf32, #tpu.memory_space<vmem_shared>> -> memref<10000x128xf32, #tpu.memory_space<vmem_shared>>
        tpu.enqueue_indirect_dma source(%arg8 : memref<80x128xf32, #tpu.memory_space<vmem>>) target(%dma_start3A_328 : memref<10000x128xf32, #tpu.memory_space<vmem_shared>>) offsets(%dma_start3A_325 : memref<80xi32, #tpu.memory_space<vmem>>) semaphore(%run_scoped3A_322 : memref<!tpu.dma_semaphore, #tpu.memory_space<semaphore_mem>>) {add = true}
        %dma_wait3A_329 = arith.constant 0 : i32
        %dma_wait3A_330 = tpu.memref_slice %arg7[%mul3A_257, %dma_wait3A_329] : memref<25x80xi32, #tpu.memory_space<vmem>> -> memref<1x80xi32, #tpu.memory_space<vmem>>
        %dma_wait3A_331 = tpu.memref_squeeze %dma_wait3A_330 : memref<1x80xi32, #tpu.memory_space<vmem>> -> memref<80xi32, #tpu.memory_space<vmem>>
        %dma_wait3A_332 = arith.constant 0 : i32
        %dma_wait3A_333 = arith.constant 0 : i32
        %dma_wait3A_334 = tpu.memref_slice %arg11[%dma_wait3A_332, %dma_wait3A_333] : memref<10000x128xf32, #tpu.memory_space<vmem_shared>> -> memref<10000x128xf32, #tpu.memory_space<vmem_shared>>
        tpu.wait_indirect_dma semaphore(%run_scoped3A_322 : memref<!tpu.dma_semaphore, #tpu.memory_space<semaphore_mem>>) src(%arg8 : memref<80x128xf32, #tpu.memory_space<vmem>>) dst(%dma_wait3A_334 : memref<10000x128xf32, #tpu.memory_space<vmem_shared>>)
        tpu.yield
      }) : () -> ()
      %add3A_287 = arith.constant 2 : i32
      %add3A_288 = arith.addi %mul3A_257, %add3A_287 : i32
      %dma_start3A_289 = arith.constant 0 : i32
      %dma_start3A_290 = tpu.memref_slice %arg6[%add3A_288, %dma_start3A_289] : memref<25x80xi32, #tpu.memory_space<vmem>> -> memref<1x80xi32, #tpu.memory_space<vmem>>
      %dma_start3A_291 = tpu.memref_squeeze %dma_start3A_290 : memref<1x80xi32, #tpu.memory_space<vmem>> -> memref<80xi32, #tpu.memory_space<vmem>>
      %dma_start3A_292 = arith.constant 0 : i32
      %dma_start3A_293 = arith.constant 0 : i32
      %dma_start3A_294 = tpu.memref_slice %arg3[%dma_start3A_292, %dma_start3A_293] : memref<10000x128xf32, #tpu.memory_space<hbm>> -> memref<10000x128xf32, #tpu.memory_space<hbm>>
      tpu.enqueue_indirect_dma source(%dma_start3A_294 : memref<10000x128xf32, #tpu.memory_space<hbm>>) target(%arg8 : memref<80x128xf32, #tpu.memory_space<vmem>>) offsets(%dma_start3A_291 : memref<80xi32, #tpu.memory_space<vmem>>) semaphore(%arg12 : memref<!tpu.dma_semaphore, #tpu.memory_space<semaphore_mem>>)
      %add3A_295 = arith.constant 1 : i32
      %add3A_296 = arith.addi %mul3A_257, %add3A_295 : i32
      %get3A_297 = arith.index_cast %add3A_296 : i32 to index
      %get3A_298 = arith.constant 0 : index
      %get3A_299 = tpu.vector_load %arg7[%get3A_297, %get3A_298] {strides = array<i32>} : memref<25x80xi32, #tpu.memory_space<vmem>>, vector<16xi32>,
      tpu.vector_store_idx %arg10[%get3A_299], %broadcast_in_dim3A_22 {add = true} : memref<10000xf32, #tpu.memory_space<vmem>>[vector<16xi32>], vector<16xf32>,
      %get3A_300 = arith.index_cast %add3A_296 : i32 to index
      %get3A_301 = arith.constant 16 : index
      %get3A_302 = tpu.vector_load %arg7[%get3A_300, %get3A_301] {strides = array<i32>} : memref<25x80xi32, #tpu.memory_space<vmem>>, vector<16xi32>,
      tpu.vector_store_idx %arg10[%get3A_302], %broadcast_in_dim3A_22 {add = true} : memref<10000xf32, #tpu.memory_space<vmem>>[vector<16xi32>], vector<16xf32>,
      %get3A_303 = arith.index_cast %add3A_296 : i32 to index
      %get3A_304 = arith.constant 32 : index
      %get3A_305 = tpu.vector_load %arg7[%get3A_303, %get3A_304] {strides = array<i32>} : memref<25x80xi32, #tpu.memory_space<vmem>>, vector<16xi32>,
      tpu.vector_store_idx %arg10[%get3A_305], %broadcast_in_dim3A_22 {add = true} : memref<10000xf32, #tpu.memory_space<vmem>>[vector<16xi32>], vector<16xf32>,
      %get3A_306 = arith.index_cast %add3A_296 : i32 to index
      %get3A_307 = arith.constant 48 : index
      %get3A_308 = tpu.vector_load %arg7[%get3A_306, %get3A_307] {strides = array<i32>} : memref<25x80xi32, #tpu.memory_space<vmem>>, vector<16xi32>,
      tpu.vector_store_idx %arg10[%get3A_308], %broadcast_in_dim3A_22 {add = true} : memref<10000xf32, #tpu.memory_space<vmem>>[vector<16xi32>], vector<16xf32>,
      %get3A_309 = arith.index_cast %add3A_296 : i32 to index
      %get3A_310 = arith.constant 64 : index
      %get3A_311 = tpu.vector_load %arg7[%get3A_309, %get3A_310] {strides = array<i32>} : memref<25x80xi32, #tpu.memory_space<vmem>>, vector<16xi32>,
      tpu.vector_store_idx %arg10[%get3A_311], %broadcast_in_dim3A_22 {add = true} : memref<10000xf32, #tpu.memory_space<vmem>>[vector<16xi32>], vector<16xf32>,
      %add3A_312 = arith.constant 1 : i32
      %add3A_313 = arith.addi %mul3A_257, %add3A_312 : i32
      %dma_wait3A_314 = arith.constant 0 : i32
      %dma_wait3A_315 = tpu.memref_slice %arg6[%add3A_313, %dma_wait3A_314] : memref<25x80xi32, #tpu.memory_space<vmem>> -> memref<1x80xi32, #tpu.memory_space<vmem>>
      %dma_wait3A_316 = tpu.memref_squeeze %dma_wait3A_315 : memref<1x80xi32, #tpu.memory_space<vmem>> -> memref<80xi32, #tpu.memory_space<vmem>>
      %dma_wait3A_317 = arith.constant 0 : i32
      %dma_wait3A_318 = arith.constant 0 : i32
      %dma_wait3A_319 = tpu.memref_slice %arg3[%dma_wait3A_317, %dma_wait3A_318] : memref<10000x128xf32, #tpu.memory_space<hbm>> -> memref<10000x128xf32, #tpu.memory_space<hbm>>
      tpu.wait_indirect_dma semaphore(%arg13 : memref<!tpu.dma_semaphore, #tpu.memory_space<semaphore_mem>>) src(%dma_wait3A_319 : memref<10000x128xf32, #tpu.memory_space<hbm>>) dst(%arg9 : memref<80x128xf32, #tpu.memory_space<vmem>>)
      %add3A_320 = arith.constant 1 : i32
      %add3A_321 = arith.addi %mul3A_257, %add3A_320 : i32
      "tpu.region"() ({
        %run_scoped3A_322 = tpu.sem_alloc : memref<!tpu.dma_semaphore, #tpu.memory_space<semaphore_mem>>
        %dma_start3A_323 = arith.constant 0 : i32
        %dma_start3A_324 = tpu.memref_slice %arg7[%add3A_321, %dma_start3A_323] : memref<25x80xi32, #tpu.memory_space<vmem>> -> memref<1x80xi32, #tpu.memory_space<vmem>>
        %dma_start3A_325 = tpu.memref_squeeze %dma_start3A_324 : memref<1x80xi32, #tpu.memory_space<vmem>> -> memref<80xi32, #tpu.memory_space<vmem>>
        %dma_start3A_326 = arith.constant 0 : i32
        %dma_start3A_327 = arith.constant 0 : i32
        %dma_start3A_328 = tpu.memref_slice %arg11[%dma_start3A_326, %dma_start3A_327] : memref<10000x128xf32, #tpu.memory_space<vmem_shared>> -> memref<10000x128xf32, #tpu.memory_space<vmem_shared>>
        tpu.enqueue_indirect_dma source(%arg9 : memref<80x128xf32, #tpu.memory_space<vmem>>) target(%dma_start3A_328 : memref<10000x128xf32, #tpu.memory_space<vmem_shared>>) offsets(%dma_start3A_325 : memref<80xi32, #tpu.memory_space<vmem>>) semaphore(%run_scoped3A_322 : memref<!tpu.dma_semaphore, #tpu.memory_space<semaphore_mem>>) {add = true}
        %dma_wait3A_329 = arith.constant 0 : i32
        %dma_wait3A_330 = tpu.memref_slice %arg7[%add3A_321, %dma_wait3A_329] : memref<25x80xi32, #tpu.memory_space<vmem>> -> memref<1x80xi32, #tpu.memory_space<vmem>>
        %dma_wait3A_331 = tpu.memref_squeeze %dma_wait3A_330 : memref<1x80xi32, #tpu.memory_space<vmem>> -> memref<80xi32, #tpu.memory_space<vmem>>
        %dma_wait3A_332 = arith.constant 0 : i32
        %dma_wait3A_333 = arith.constant 0 : i32
        %dma_wait3A_334 = tpu.memref_slice %arg11[%dma_wait3A_332, %dma_wait3A_333] : memref<10000x128xf32, #tpu.memory_space<vmem_shared>> -> memref<10000x128xf32, #tpu.memory_space<vmem_shared>>
        tpu.wait_indirect_dma semaphore(%run_scoped3A_322 : memref<!tpu.dma_semaphore, #tpu.memory_space<semaphore_mem>>) src(%arg9 : memref<80x128xf32, #tpu.memory_space<vmem>>) dst(%dma_wait3A_334 : memref<10000x128xf32, #tpu.memory_space<vmem_shared>>)
        tpu.yield
      }) : () -> ()
    }
    %scan3A_215 = arith.constant 12 : i32
    %get3A_216 = arith.constant 24 : i32
    %get3A_217 = arith.index_cast %get3A_216 : i32 to index
    %get3A_218 = arith.constant 0 : index
    %get3A_219 = tpu.vector_load %arg7[%get3A_217, %get3A_218] {strides = array<i32>} : memref<25x80xi32, #tpu.memory_space<vmem>>, vector<16xi32>,
    tpu.vector_store_idx %arg10[%get3A_219], %broadcast_in_dim3A_22 {add = true} : memref<10000xf32, #tpu.memory_space<vmem>>[vector<16xi32>], vector<16xf32>,
    %get3A_220 = arith.constant 24 : i32
    %get3A_221 = arith.index_cast %get3A_220 : i32 to index
    %get3A_222 = arith.constant 16 : index
    %get3A_223 = tpu.vector_load %arg7[%get3A_221, %get3A_222] {strides = array<i32>} : memref<25x80xi32, #tpu.memory_space<vmem>>, vector<16xi32>,
    tpu.vector_store_idx %arg10[%get3A_223], %broadcast_in_dim3A_22 {add = true} : memref<10000xf32, #tpu.memory_space<vmem>>[vector<16xi32>], vector<16xf32>,
    %get3A_224 = arith.constant 24 : i32
    %get3A_225 = arith.index_cast %get3A_224 : i32 to index
    %get3A_226 = arith.constant 32 : index
    %get3A_227 = tpu.vector_load %arg7[%get3A_225, %get3A_226] {strides = array<i32>} : memref<25x80xi32, #tpu.memory_space<vmem>>, vector<16xi32>,
    tpu.vector_store_idx %arg10[%get3A_227], %broadcast_in_dim3A_22 {add = true} : memref<10000xf32, #tpu.memory_space<vmem>>[vector<16xi32>], vector<16xf32>,
    %get3A_228 = arith.constant 24 : i32
    %get3A_229 = arith.index_cast %get3A_228 : i32 to index
    %get3A_230 = arith.constant 48 : index
    %get3A_231 = tpu.vector_load %arg7[%get3A_229, %get3A_230] {strides = array<i32>} : memref<25x80xi32, #tpu.memory_space<vmem>>, vector<16xi32>,
    tpu.vector_store_idx %arg10[%get3A_231], %broadcast_in_dim3A_22 {add = true} : memref<10000xf32, #tpu.memory_space<vmem>>[vector<16xi32>], vector<16xf32>,
    %get3A_232 = arith.constant 24 : i32
    %get3A_233 = arith.index_cast %get3A_232 : i32 to index
    %get3A_234 = arith.constant 64 : index
    %get3A_235 = tpu.vector_load %arg7[%get3A_233, %get3A_234] {strides = array<i32>} : memref<25x80xi32, #tpu.memory_space<vmem>>, vector<16xi32>,
    tpu.vector_store_idx %arg10[%get3A_235], %broadcast_in_dim3A_22 {add = true} : memref<10000xf32, #tpu.memory_space<vmem>>[vector<16xi32>], vector<16xf32>,
    %dma_wait3A_236 = arith.constant 24 : i32
    %dma_wait3A_237 = arith.constant 0 : i32
    %dma_wait3A_238 = tpu.memref_slice %arg6[%dma_wait3A_236, %dma_wait3A_237] : memref<25x80xi32, #tpu.memory_space<vmem>> -> memref<1x80xi32, #tpu.memory_space<vmem>>
    %dma_wait3A_239 = tpu.memref_squeeze %dma_wait3A_238 : memref<1x80xi32, #tpu.memory_space<vmem>> -> memref<80xi32, #tpu.memory_space<vmem>>
    %dma_wait3A_240 = arith.constant 0 : i32
    %dma_wait3A_241 = arith.constant 0 : i32
    %dma_wait3A_242 = tpu.memref_slice %arg3[%dma_wait3A_240, %dma_wait3A_241] : memref<10000x128xf32, #tpu.memory_space<hbm>> -> memref<10000x128xf32, #tpu.memory_space<hbm>>
    tpu.wait_indirect_dma semaphore(%arg12 : memref<!tpu.dma_semaphore, #tpu.memory_space<semaphore_mem>>) src(%dma_wait3A_242 : memref<10000x128xf32, #tpu.memory_space<hbm>>) dst(%arg8 : memref<80x128xf32, #tpu.memory_space<vmem>>)
    %run_scoped3A_243 = arith.constant 24 : i32
    "tpu.region"() ({
      %run_scoped3A_255 = tpu.sem_alloc : memref<!tpu.dma_semaphore, #tpu.memory_space<semaphore_mem>>
      %dma_start3A_256 = arith.constant 0 : i32
      %dma_start3A_257 = tpu.memref_slice %arg7[%run_scoped3A_243, %dma_start3A_256] : memref<25x80xi32, #tpu.memory_space<vmem>> -> memref<1x80xi32, #tpu.memory_space<vmem>>
      %dma_start3A_258 = tpu.memref_squeeze %dma_start3A_257 : memref<1x80xi32, #tpu.memory_space<vmem>> -> memref<80xi32, #tpu.memory_space<vmem>>
      %dma_start3A_259 = arith.constant 0 : i32
      %dma_start3A_260 = arith.constant 0 : i32
      %dma_start3A_261 = tpu.memref_slice %arg11[%dma_start3A_259, %dma_start3A_260] : memref<10000x128xf32, #tpu.memory_space<vmem_shared>> -> memref<10000x128xf32, #tpu.memory_space<vmem_shared>>
      tpu.enqueue_indirect_dma source(%arg8 : memref<80x128xf32, #tpu.memory_space<vmem>>) target(%dma_start3A_261 : memref<10000x128xf32, #tpu.memory_space<vmem_shared>>) offsets(%dma_start3A_258 : memref<80xi32, #tpu.memory_space<vmem>>) semaphore(%run_scoped3A_255 : memref<!tpu.dma_semaphore, #tpu.memory_space<semaphore_mem>>) {add = true}
      %dma_wait3A_262 = arith.constant 0 : i32
      %dma_wait3A_263 = tpu.memref_slice %arg7[%run_scoped3A_243, %dma_wait3A_262] : memref<25x80xi32, #tpu.memory_space<vmem>> -> memref<1x80xi32, #tpu.memory_space<vmem>>
      %dma_wait3A_264 = tpu.memref_squeeze %dma_wait3A_263 : memref<1x80xi32, #tpu.memory_space<vmem>> -> memref<80xi32, #tpu.memory_space<vmem>>
      %dma_wait3A_265 = arith.constant 0 : i32
      %dma_wait3A_266 = arith.constant 0 : i32
      %dma_wait3A_267 = tpu.memref_slice %arg11[%dma_wait3A_265, %dma_wait3A_266] : memref<10000x128xf32, #tpu.memory_space<vmem_shared>> -> memref<10000x128xf32, #tpu.memory_space<vmem_shared>>
      tpu.wait_indirect_dma semaphore(%run_scoped3A_255 : memref<!tpu.dma_semaphore, #tpu.memory_space<semaphore_mem>>) src(%arg8 : memref<80x128xf32, #tpu.memory_space<vmem>>) dst(%dma_wait3A_267 : memref<10000x128xf32, #tpu.memory_space<vmem_shared>>)
      tpu.yield
    }) : () -> ()
    %barrier3A_244 = arith.constant 0 : index
    tpu.barrier barrier_id(%barrier3A_244)
    %lt3A_245 = arith.constant 15 : i32
    %lt3A_246 = arith.cmpi slt, %arg1, %lt3A_245 : i32
    %convert_element_type3A_247 = arith.extui %lt3A_246 : i1 to i32
    %cond3A_248 = arith.constant 0 : i32
    %cond3A_249 = arith.cmpi ne, %convert_element_type3A_247, %cond3A_248 : i32
    scf.if %cond3A_249 {
      "tpu.region"() ({
        %run_scoped3A_255 = tpu.sem_alloc : memref<!tpu.dma_semaphore, #tpu.memory_space<semaphore_mem>>
        %dma_start3A_256 = arith.constant 0 : i32
        %dma_start3A_257 = tpu.memref_slice %arg4[%arg0, %mul3A_14, %dma_start3A_256] : memref<2x10000x128xf32, #tpu.memory_space<hbm>> -> memref<1x640x128xf32, #tpu.memory_space<hbm>>
        %dma_start3A_258 = tpu.memref_squeeze %dma_start3A_257 : memref<1x640x128xf32, #tpu.memory_space<hbm>> -> memref<640x128xf32, #tpu.memory_space<hbm>>
        %dma_start3A_259 = arith.constant 0 : i32
        %dma_start3A_260 = tpu.memref_slice %arg11[%mul3A_14, %dma_start3A_259] : memref<10000x128xf32, #tpu.memory_space<vmem_shared>> -> memref<640x128xf32, #tpu.memory_space<vmem_shared>>
        tpu.enqueue_dma source(%dma_start3A_260 : memref<640x128xf32, #tpu.memory_space<vmem_shared>>) target(%dma_start3A_258 : memref<640x128xf32, #tpu.memory_space<hbm>>) target_semaphore(%run_scoped3A_255 : memref<!tpu.dma_semaphore, #tpu.memory_space<semaphore_mem>>)
        %dma_wait3A_261 = arith.constant 0 : i32
        %dma_wait3A_262 = tpu.memref_slice %arg4[%arg0, %mul3A_14, %dma_wait3A_261] : memref<2x10000x128xf32, #tpu.memory_space<hbm>> -> memref<1x640x128xf32, #tpu.memory_space<hbm>>
        %dma_wait3A_263 = tpu.memref_squeeze %dma_wait3A_262 : memref<1x640x128xf32, #tpu.memory_space<hbm>> -> memref<640x128xf32, #tpu.memory_space<hbm>>
        %dma_wait3A_264 = arith.constant 0 : i32
        %dma_wait3A_265 = tpu.memref_slice %arg11[%mul3A_14, %dma_wait3A_264] : memref<10000x128xf32, #tpu.memory_space<vmem_shared>> -> memref<640x128xf32, #tpu.memory_space<vmem_shared>>
        tpu.wait_dma2 semaphore(%run_scoped3A_255 : memref<!tpu.dma_semaphore, #tpu.memory_space<semaphore_mem>>) src(%dma_wait3A_265 : memref<640x128xf32, #tpu.memory_space<vmem_shared>>) dst(%dma_wait3A_263 : memref<640x128xf32, #tpu.memory_space<hbm>>)
        tpu.yield
      }) : () -> ()
    } else {
    }
    %eq3A_250 = arith.constant 15 : i32
    %eq3A_251 = arith.cmpi eq, %arg1, %eq3A_250 : i32
    %convert_element_type3A_252 = arith.extui %eq3A_251 : i1 to i32
    %cond3A_253 = arith.constant 0 : i32
    %cond3A_254 = arith.cmpi ne, %convert_element_type3A_252, %cond3A_253 : i32
    scf.if %cond3A_254 {
      "tpu.region"() ({
        %run_scoped3A_255 = tpu.sem_alloc : memref<!tpu.dma_semaphore, #tpu.memory_space<semaphore_mem>>
        %dma_start3A_256 = arith.constant 9600 : i32
        %dma_start3A_257 = arith.constant 0 : i32
        %dma_start3A_258 = tpu.memref_slice %arg4[%arg0, %dma_start3A_256, %dma_start3A_257] : memref<2x10000x128xf32, #tpu.memory_space<hbm>> -> memref<1x400x128xf32, #tpu.memory_space<hbm>>
        %dma_start3A_259 = tpu.memref_squeeze %dma_start3A_258 : memref<1x400x128xf32, #tpu.memory_space<hbm>> -> memref<400x128xf32, #tpu.memory_space<hbm>>
        %dma_start3A_260 = arith.constant 9600 : i32
        %dma_start3A_261 = arith.constant 0 : i32
        %dma_start3A_262 = tpu.memref_slice %arg11[%dma_start3A_260, %dma_start3A_261] : memref<10000x128xf32, #tpu.memory_space<vmem_shared>> -> memref<400x128xf32, #tpu.memory_space<vmem_shared>>
        tpu.enqueue_dma source(%dma_start3A_262 : memref<400x128xf32, #tpu.memory_space<vmem_shared>>) target(%dma_start3A_259 : memref<400x128xf32, #tpu.memory_space<hbm>>) target_semaphore(%run_scoped3A_255 : memref<!tpu.dma_semaphore, #tpu.memory_space<semaphore_mem>>)
        %dma_wait3A_263 = arith.constant 9600 : i32
        %dma_wait3A_264 = arith.constant 0 : i32
        %dma_wait3A_265 = tpu.memref_slice %arg4[%arg0, %dma_wait3A_263, %dma_wait3A_264] : memref<2x10000x128xf32, #tpu.memory_space<hbm>> -> memref<1x400x128xf32, #tpu.memory_space<hbm>>
        %dma_wait3A_266 = tpu.memref_squeeze %dma_wait3A_265 : memref<1x400x128xf32, #tpu.memory_space<hbm>> -> memref<400x128xf32, #tpu.memory_space<hbm>>
        %dma_wait3A_267 = arith.constant 9600 : i32
        %dma_wait3A_268 = arith.constant 0 : i32
        %dma_wait3A_269 = tpu.memref_slice %arg11[%dma_wait3A_267, %dma_wait3A_268] : memref<10000x128xf32, #tpu.memory_space<vmem_shared>> -> memref<400x128xf32, #tpu.memory_space<vmem_shared>>
        tpu.wait_dma2 semaphore(%run_scoped3A_255 : memref<!tpu.dma_semaphore, #tpu.memory_space<semaphore_mem>>) src(%dma_wait3A_269 : memref<400x128xf32, #tpu.memory_space<vmem_shared>>) dst(%dma_wait3A_266 : memref<400x128xf32, #tpu.memory_space<hbm>>)
        tpu.yield
      }) : () -> ()
    } else {
    }
    "tpu.region"() ({
      %run_scoped3A_255 = tpu.sem_alloc : memref<!tpu.dma_semaphore, #tpu.memory_space<semaphore_mem>>
      %dma_start3A_256 = arith.constant 0 : i32
      %dma_start3A_257 = tpu.memref_slice %arg5[%add3A, %dma_start3A_256] : memref<32x10000xf32, #tpu.memory_space<hbm>> -> memref<1x10000xf32, #tpu.memory_space<hbm>>
      %dma_start3A_258 = tpu.memref_squeeze %dma_start3A_257 : memref<1x10000xf32, #tpu.memory_space<hbm>> -> memref<10000xf32, #tpu.memory_space<hbm>>
      %dma_start3A_259 = arith.constant 0 : i32
      %dma_start3A_260 = tpu.memref_slice %arg5[%add3A, %dma_start3A_259] : memref<32x10000xf32, #tpu.memory_space<hbm>> -> memref<1x10000xf32, #tpu.memory_space<hbm>>
      %dma_start3A_261 = tpu.memref_squeeze %dma_start3A_260 : memref<1x10000xf32, #tpu.memory_space<hbm>> -> memref<10000xf32, #tpu.memory_space<hbm>>
      tpu.enqueue_dma source(%arg10 : memref<10000xf32, #tpu.memory_space<vmem>>) target(%dma_start3A_261 : memref<10000xf32, #tpu.memory_space<hbm>>) target_semaphore(%run_scoped3A_255 : memref<!tpu.dma_semaphore, #tpu.memory_space<semaphore_mem>>)
      %dma_wait3A_262 = arith.constant 0 : i32
      %dma_wait3A_263 = tpu.memref_slice %arg5[%add3A, %dma_wait3A_262] : memref<32x10000xf32, #tpu.memory_space<hbm>> -> memref<1x10000xf32, #tpu.memory_space<hbm>>
      %dma_wait3A_264 = tpu.memref_squeeze %dma_wait3A_263 : memref<1x10000xf32, #tpu.memory_space<hbm>> -> memref<10000xf32, #tpu.memory_space<hbm>>
      %dma_wait3A_265 = arith.constant 0 : i32
      %dma_wait3A_266 = tpu.memref_slice %arg5[%add3A, %dma_wait3A_265] : memref<32x10000xf32, #tpu.memory_space<hbm>> -> memref<1x10000xf32, #tpu.memory_space<hbm>>
      %dma_wait3A_267 = tpu.memref_squeeze %dma_wait3A_266 : memref<1x10000xf32, #tpu.memory_space<hbm>> -> memref<10000xf32, #tpu.memory_space<hbm>>
      tpu.wait_dma2 semaphore(%run_scoped3A_255 : memref<!tpu.dma_semaphore, #tpu.memory_space<semaphore_mem>>) src(%arg10 : memref<10000xf32, #tpu.memory_space<vmem>>) dst(%dma_wait3A_267 : memref<10000xf32, #tpu.memory_space<hbm>>)
      tpu.yield
    }) : () -> ()
    return
  }
}

#map = affine_map<(d0, d1) -> (0, 0, 0)>
#map1 = affine_map<(d0, d1) -> (0, 0)>
module attributes {stable_mosaic.version = 14 : i64} {
  func.func @_sc_pair_gather(%arg0: i32, %arg1: i32, %arg2: memref<32x4x128xi32, #tpu.memory_space<hbm>>, %arg3: memref<10000x128xf32, #tpu.memory_space<hbm>>, %arg4: memref<16384x128xf32, #tpu.memory_space<hbm>>, %arg5: memref<4x128xi32, #tpu.memory_space<vmem>>, %arg6: memref<128x128xf32, #tpu.memory_space<vmem>>, %arg7: memref<128x128xf32, #tpu.memory_space<vmem>>, %arg8: memref<!tpu.dma_semaphore, #tpu.memory_space<semaphore_mem>>, %arg9: memref<!tpu.dma_semaphore, #tpu.memory_space<semaphore_mem>>) attributes {dimension_semantics = [#tpu.dimension_semantics<core_parallel>, #tpu.dimension_semantics<subcore_parallel>], iteration_bounds = array<i64: 2, 16>, scalar_prefetch = 0 : i64, scratch_operands = 5 : i64, tpu.core_type = #tpu.core_type<sc_vector_subcore>, window_params = [{transform_indices = #map}, {transform_indices = #map1}, {transform_indices = #map1}]} {
    %mul3A = arith.constant 16 : i32
    %mul3A_0 = arith.muli %arg0, %mul3A : i32
    %add3A = arith.addi %mul3A_0, %arg1 : i32
    "tpu.region"() ({
      %run_scoped3A = tpu.sem_alloc : memref<!tpu.dma_semaphore, #tpu.memory_space<semaphore_mem>>
      %dma_start3A_79 = arith.constant 0 : i32
      %dma_start3A_80 = arith.constant 0 : i32
      %dma_start3A_81 = tpu.memref_slice %arg2[%add3A, %dma_start3A_79, %dma_start3A_80] : memref<32x4x128xi32, #tpu.memory_space<hbm>> -> memref<1x4x128xi32, #tpu.memory_space<hbm>>
      %dma_start3A_82 = tpu.memref_squeeze %dma_start3A_81 : memref<1x4x128xi32, #tpu.memory_space<hbm>> -> memref<4x128xi32, #tpu.memory_space<hbm>>
      %dma_start3A_83 = arith.constant 0 : i32
      %dma_start3A_84 = arith.constant 0 : i32
      %dma_start3A_85 = tpu.memref_slice %arg2[%add3A, %dma_start3A_83, %dma_start3A_84] : memref<32x4x128xi32, #tpu.memory_space<hbm>> -> memref<1x4x128xi32, #tpu.memory_space<hbm>>
      %dma_start3A_86 = tpu.memref_squeeze %dma_start3A_85 : memref<1x4x128xi32, #tpu.memory_space<hbm>> -> memref<4x128xi32, #tpu.memory_space<hbm>>
      tpu.enqueue_dma source(%dma_start3A_86 : memref<4x128xi32, #tpu.memory_space<hbm>>) target(%arg5 : memref<4x128xi32, #tpu.memory_space<vmem>>) target_semaphore(%run_scoped3A : memref<!tpu.dma_semaphore, #tpu.memory_space<semaphore_mem>>)
      %dma_wait3A_87 = arith.constant 0 : i32
      %dma_wait3A_88 = arith.constant 0 : i32
      %dma_wait3A_89 = tpu.memref_slice %arg2[%add3A, %dma_wait3A_87, %dma_wait3A_88] : memref<32x4x128xi32, #tpu.memory_space<hbm>> -> memref<1x4x128xi32, #tpu.memory_space<hbm>>
      %dma_wait3A_90 = tpu.memref_squeeze %dma_wait3A_89 : memref<1x4x128xi32, #tpu.memory_space<hbm>> -> memref<4x128xi32, #tpu.memory_space<hbm>>
      %dma_wait3A_91 = arith.constant 0 : i32
      %dma_wait3A_92 = arith.constant 0 : i32
      %dma_wait3A_93 = tpu.memref_slice %arg2[%add3A, %dma_wait3A_91, %dma_wait3A_92] : memref<32x4x128xi32, #tpu.memory_space<hbm>> -> memref<1x4x128xi32, #tpu.memory_space<hbm>>
      %dma_wait3A_94 = tpu.memref_squeeze %dma_wait3A_93 : memref<1x4x128xi32, #tpu.memory_space<hbm>> -> memref<4x128xi32, #tpu.memory_space<hbm>>
      tpu.wait_dma2 semaphore(%run_scoped3A : memref<!tpu.dma_semaphore, #tpu.memory_space<semaphore_mem>>) src(%dma_wait3A_94 : memref<4x128xi32, #tpu.memory_space<hbm>>) dst(%arg5 : memref<4x128xi32, #tpu.memory_space<vmem>>)
      tpu.yield
    }) : () -> ()
    %dma_start3A = arith.constant 0 : i32
    %dma_start3A_1 = arith.constant 0 : i32
    %dma_start3A_2 = tpu.memref_slice %arg5[%dma_start3A, %dma_start3A_1] : memref<4x128xi32, #tpu.memory_space<vmem>> -> memref<1x128xi32, #tpu.memory_space<vmem>>
    %dma_start3A_3 = tpu.memref_squeeze %dma_start3A_2 : memref<1x128xi32, #tpu.memory_space<vmem>> -> memref<128xi32, #tpu.memory_space<vmem>>
    %dma_start3A_4 = arith.constant 0 : i32
    %dma_start3A_5 = arith.constant 0 : i32
    %dma_start3A_6 = tpu.memref_slice %arg3[%dma_start3A_4, %dma_start3A_5] : memref<10000x128xf32, #tpu.memory_space<hbm>> -> memref<10000x128xf32, #tpu.memory_space<hbm>>
    tpu.enqueue_indirect_dma source(%dma_start3A_6 : memref<10000x128xf32, #tpu.memory_space<hbm>>) target(%arg6 : memref<128x128xf32, #tpu.memory_space<vmem>>) offsets(%dma_start3A_3 : memref<128xi32, #tpu.memory_space<vmem>>) semaphore(%arg8 : memref<!tpu.dma_semaphore, #tpu.memory_space<semaphore_mem>>)
    %dma_start3A_7 = arith.constant 1 : i32
    %dma_start3A_8 = arith.constant 0 : i32
    %dma_start3A_9 = tpu.memref_slice %arg5[%dma_start3A_7, %dma_start3A_8] : memref<4x128xi32, #tpu.memory_space<vmem>> -> memref<1x128xi32, #tpu.memory_space<vmem>>
    %dma_start3A_10 = tpu.memref_squeeze %dma_start3A_9 : memref<1x128xi32, #tpu.memory_space<vmem>> -> memref<128xi32, #tpu.memory_space<vmem>>
    %dma_start3A_11 = arith.constant 0 : i32
    %dma_start3A_12 = arith.constant 0 : i32
    %dma_start3A_13 = tpu.memref_slice %arg3[%dma_start3A_11, %dma_start3A_12] : memref<10000x128xf32, #tpu.memory_space<hbm>> -> memref<10000x128xf32, #tpu.memory_space<hbm>>
    tpu.enqueue_indirect_dma source(%dma_start3A_13 : memref<10000x128xf32, #tpu.memory_space<hbm>>) target(%arg7 : memref<128x128xf32, #tpu.memory_space<vmem>>) offsets(%dma_start3A_10 : memref<128xi32, #tpu.memory_space<vmem>>) semaphore(%arg9 : memref<!tpu.dma_semaphore, #tpu.memory_space<semaphore_mem>>)
    %dma_wait3A = arith.constant 0 : i32
    %dma_wait3A_14 = arith.constant 0 : i32
    %dma_wait3A_15 = tpu.memref_slice %arg5[%dma_wait3A, %dma_wait3A_14] : memref<4x128xi32, #tpu.memory_space<vmem>> -> memref<1x128xi32, #tpu.memory_space<vmem>>
    %dma_wait3A_16 = tpu.memref_squeeze %dma_wait3A_15 : memref<1x128xi32, #tpu.memory_space<vmem>> -> memref<128xi32, #tpu.memory_space<vmem>>
    %dma_wait3A_17 = arith.constant 0 : i32
    %dma_wait3A_18 = arith.constant 0 : i32
    %dma_wait3A_19 = tpu.memref_slice %arg3[%dma_wait3A_17, %dma_wait3A_18] : memref<10000x128xf32, #tpu.memory_space<hbm>> -> memref<10000x128xf32, #tpu.memory_space<hbm>>
    tpu.wait_indirect_dma semaphore(%arg8 : memref<!tpu.dma_semaphore, #tpu.memory_space<semaphore_mem>>) src(%dma_wait3A_19 : memref<10000x128xf32, #tpu.memory_space<hbm>>) dst(%arg6 : memref<128x128xf32, #tpu.memory_space<vmem>>)
    %mul3A_20 = arith.constant 4 : i32
    %mul3A_21 = arith.muli %add3A, %mul3A_20 : i32
    %add3A_22 = arith.constant 0 : i32
    %add3A_23 = arith.addi %mul3A_21, %add3A_22 : i32
    %mul3A_24 = arith.constant 128 : i32
    %mul3A_25 = arith.muli %add3A_23, %mul3A_24 : i32
    "tpu.region"() ({
      %run_scoped3A = tpu.sem_alloc : memref<!tpu.dma_semaphore, #tpu.memory_space<semaphore_mem>>
      %dma_start3A_79 = arith.constant 0 : i32
      %dma_start3A_80 = tpu.memref_slice %arg4[%mul3A_25, %dma_start3A_79] : memref<16384x128xf32, #tpu.memory_space<hbm>> -> memref<128x128xf32, #tpu.memory_space<hbm>>
      %dma_start3A_81 = arith.constant 0 : i32
      %dma_start3A_82 = tpu.memref_slice %arg4[%mul3A_25, %dma_start3A_81] : memref<16384x128xf32, #tpu.memory_space<hbm>> -> memref<128x128xf32, #tpu.memory_space<hbm>>
      tpu.enqueue_dma source(%arg6 : memref<128x128xf32, #tpu.memory_space<vmem>>) target(%dma_start3A_82 : memref<128x128xf32, #tpu.memory_space<hbm>>) target_semaphore(%run_scoped3A : memref<!tpu.dma_semaphore, #tpu.memory_space<semaphore_mem>>)
      %dma_wait3A_83 = arith.constant 0 : i32
      %dma_wait3A_84 = tpu.memref_slice %arg4[%mul3A_25, %dma_wait3A_83] : memref<16384x128xf32, #tpu.memory_space<hbm>> -> memref<128x128xf32, #tpu.memory_space<hbm>>
      %dma_wait3A_85 = arith.constant 0 : i32
      %dma_wait3A_86 = tpu.memref_slice %arg4[%mul3A_25, %dma_wait3A_85] : memref<16384x128xf32, #tpu.memory_space<hbm>> -> memref<128x128xf32, #tpu.memory_space<hbm>>
      tpu.wait_dma2 semaphore(%run_scoped3A : memref<!tpu.dma_semaphore, #tpu.memory_space<semaphore_mem>>) src(%arg6 : memref<128x128xf32, #tpu.memory_space<vmem>>) dst(%dma_wait3A_86 : memref<128x128xf32, #tpu.memory_space<hbm>>)
      tpu.yield
    }) : () -> ()
    %dma_start3A_26 = arith.constant 2 : i32
    %dma_start3A_27 = arith.constant 0 : i32
    %dma_start3A_28 = tpu.memref_slice %arg5[%dma_start3A_26, %dma_start3A_27] : memref<4x128xi32, #tpu.memory_space<vmem>> -> memref<1x128xi32, #tpu.memory_space<vmem>>
    %dma_start3A_29 = tpu.memref_squeeze %dma_start3A_28 : memref<1x128xi32, #tpu.memory_space<vmem>> -> memref<128xi32, #tpu.memory_space<vmem>>
    %dma_start3A_30 = arith.constant 0 : i32
    %dma_start3A_31 = arith.constant 0 : i32
    %dma_start3A_32 = tpu.memref_slice %arg3[%dma_start3A_30, %dma_start3A_31] : memref<10000x128xf32, #tpu.memory_space<hbm>> -> memref<10000x128xf32, #tpu.memory_space<hbm>>
    tpu.enqueue_indirect_dma source(%dma_start3A_32 : memref<10000x128xf32, #tpu.memory_space<hbm>>) target(%arg6 : memref<128x128xf32, #tpu.memory_space<vmem>>) offsets(%dma_start3A_29 : memref<128xi32, #tpu.memory_space<vmem>>) semaphore(%arg8 : memref<!tpu.dma_semaphore, #tpu.memory_space<semaphore_mem>>)
    %dma_wait3A_33 = arith.constant 1 : i32
    %dma_wait3A_34 = arith.constant 0 : i32
    %dma_wait3A_35 = tpu.memref_slice %arg5[%dma_wait3A_33, %dma_wait3A_34] : memref<4x128xi32, #tpu.memory_space<vmem>> -> memref<1x128xi32, #tpu.memory_space<vmem>>
    %dma_wait3A_36 = tpu.memref_squeeze %dma_wait3A_35 : memref<1x128xi32, #tpu.memory_space<vmem>> -> memref<128xi32, #tpu.memory_space<vmem>>
    %dma_wait3A_37 = arith.constant 0 : i32
    %dma_wait3A_38 = arith.constant 0 : i32
    %dma_wait3A_39 = tpu.memref_slice %arg3[%dma_wait3A_37, %dma_wait3A_38] : memref<10000x128xf32, #tpu.memory_space<hbm>> -> memref<10000x128xf32, #tpu.memory_space<hbm>>
    tpu.wait_indirect_dma semaphore(%arg9 : memref<!tpu.dma_semaphore, #tpu.memory_space<semaphore_mem>>) src(%dma_wait3A_39 : memref<10000x128xf32, #tpu.memory_space<hbm>>) dst(%arg7 : memref<128x128xf32, #tpu.memory_space<vmem>>)
    %mul3A_40 = arith.constant 4 : i32
    %mul3A_41 = arith.muli %add3A, %mul3A_40 : i32
    %add3A_42 = arith.constant 1 : i32
    %add3A_43 = arith.addi %mul3A_41, %add3A_42 : i32
    %mul3A_44 = arith.constant 128 : i32
    %mul3A_45 = arith.muli %add3A_43, %mul3A_44 : i32
    "tpu.region"() ({
      %run_scoped3A = tpu.sem_alloc : memref<!tpu.dma_semaphore, #tpu.memory_space<semaphore_mem>>
      %dma_start3A_79 = arith.constant 0 : i32
      %dma_start3A_80 = tpu.memref_slice %arg4[%mul3A_45, %dma_start3A_79] : memref<16384x128xf32, #tpu.memory_space<hbm>> -> memref<128x128xf32, #tpu.memory_space<hbm>>
      %dma_start3A_81 = arith.constant 0 : i32
      %dma_start3A_82 = tpu.memref_slice %arg4[%mul3A_45, %dma_start3A_81] : memref<16384x128xf32, #tpu.memory_space<hbm>> -> memref<128x128xf32, #tpu.memory_space<hbm>>
      tpu.enqueue_dma source(%arg7 : memref<128x128xf32, #tpu.memory_space<vmem>>) target(%dma_start3A_82 : memref<128x128xf32, #tpu.memory_space<hbm>>) target_semaphore(%run_scoped3A : memref<!tpu.dma_semaphore, #tpu.memory_space<semaphore_mem>>)
      %dma_wait3A_83 = arith.constant 0 : i32
      %dma_wait3A_84 = tpu.memref_slice %arg4[%mul3A_45, %dma_wait3A_83] : memref<16384x128xf32, #tpu.memory_space<hbm>> -> memref<128x128xf32, #tpu.memory_space<hbm>>
      %dma_wait3A_85 = arith.constant 0 : i32
      %dma_wait3A_86 = tpu.memref_slice %arg4[%mul3A_45, %dma_wait3A_85] : memref<16384x128xf32, #tpu.memory_space<hbm>> -> memref<128x128xf32, #tpu.memory_space<hbm>>
      tpu.wait_dma2 semaphore(%run_scoped3A : memref<!tpu.dma_semaphore, #tpu.memory_space<semaphore_mem>>) src(%arg7 : memref<128x128xf32, #tpu.memory_space<vmem>>) dst(%dma_wait3A_86 : memref<128x128xf32, #tpu.memory_space<hbm>>)
      tpu.yield
    }) : () -> ()
    %dma_start3A_46 = arith.constant 3 : i32
    %dma_start3A_47 = arith.constant 0 : i32
    %dma_start3A_48 = tpu.memref_slice %arg5[%dma_start3A_46, %dma_start3A_47] : memref<4x128xi32, #tpu.memory_space<vmem>> -> memref<1x128xi32, #tpu.memory_space<vmem>>
    %dma_start3A_49 = tpu.memref_squeeze %dma_start3A_48 : memref<1x128xi32, #tpu.memory_space<vmem>> -> memref<128xi32, #tpu.memory_space<vmem>>
    %dma_start3A_50 = arith.constant 0 : i32
    %dma_start3A_51 = arith.constant 0 : i32
    %dma_start3A_52 = tpu.memref_slice %arg3[%dma_start3A_50, %dma_start3A_51] : memref<10000x128xf32, #tpu.memory_space<hbm>> -> memref<10000x128xf32, #tpu.memory_space<hbm>>
    tpu.enqueue_indirect_dma source(%dma_start3A_52 : memref<10000x128xf32, #tpu.memory_space<hbm>>) target(%arg7 : memref<128x128xf32, #tpu.memory_space<vmem>>) offsets(%dma_start3A_49 : memref<128xi32, #tpu.memory_space<vmem>>) semaphore(%arg9 : memref<!tpu.dma_semaphore, #tpu.memory_space<semaphore_mem>>)
    %dma_wait3A_53 = arith.constant 2 : i32
    %dma_wait3A_54 = arith.constant 0 : i32
    %dma_wait3A_55 = tpu.memref_slice %arg5[%dma_wait3A_53, %dma_wait3A_54] : memref<4x128xi32, #tpu.memory_space<vmem>> -> memref<1x128xi32, #tpu.memory_space<vmem>>
    %dma_wait3A_56 = tpu.memref_squeeze %dma_wait3A_55 : memref<1x128xi32, #tpu.memory_space<vmem>> -> memref<128xi32, #tpu.memory_space<vmem>>
    %dma_wait3A_57 = arith.constant 0 : i32
    %dma_wait3A_58 = arith.constant 0 : i32
    %dma_wait3A_59 = tpu.memref_slice %arg3[%dma_wait3A_57, %dma_wait3A_58] : memref<10000x128xf32, #tpu.memory_space<hbm>> -> memref<10000x128xf32, #tpu.memory_space<hbm>>
    tpu.wait_indirect_dma semaphore(%arg8 : memref<!tpu.dma_semaphore, #tpu.memory_space<semaphore_mem>>) src(%dma_wait3A_59 : memref<10000x128xf32, #tpu.memory_space<hbm>>) dst(%arg6 : memref<128x128xf32, #tpu.memory_space<vmem>>)
    %mul3A_60 = arith.constant 4 : i32
    %mul3A_61 = arith.muli %add3A, %mul3A_60 : i32
    %add3A_62 = arith.constant 2 : i32
    %add3A_63 = arith.addi %mul3A_61, %add3A_62 : i32
    %mul3A_64 = arith.constant 128 : i32
    %mul3A_65 = arith.muli %add3A_63, %mul3A_64 : i32
    "tpu.region"() ({
      %run_scoped3A = tpu.sem_alloc : memref<!tpu.dma_semaphore, #tpu.memory_space<semaphore_mem>>
      %dma_start3A_79 = arith.constant 0 : i32
      %dma_start3A_80 = tpu.memref_slice %arg4[%mul3A_65, %dma_start3A_79] : memref<16384x128xf32, #tpu.memory_space<hbm>> -> memref<128x128xf32, #tpu.memory_space<hbm>>
      %dma_start3A_81 = arith.constant 0 : i32
      %dma_start3A_82 = tpu.memref_slice %arg4[%mul3A_65, %dma_start3A_81] : memref<16384x128xf32, #tpu.memory_space<hbm>> -> memref<128x128xf32, #tpu.memory_space<hbm>>
      tpu.enqueue_dma source(%arg6 : memref<128x128xf32, #tpu.memory_space<vmem>>) target(%dma_start3A_82 : memref<128x128xf32, #tpu.memory_space<hbm>>) target_semaphore(%run_scoped3A : memref<!tpu.dma_semaphore, #tpu.memory_space<semaphore_mem>>)
      %dma_wait3A_83 = arith.constant 0 : i32
      %dma_wait3A_84 = tpu.memref_slice %arg4[%mul3A_65, %dma_wait3A_83] : memref<16384x128xf32, #tpu.memory_space<hbm>> -> memref<128x128xf32, #tpu.memory_space<hbm>>
      %dma_wait3A_85 = arith.constant 0 : i32
      %dma_wait3A_86 = tpu.memref_slice %arg4[%mul3A_65, %dma_wait3A_85] : memref<16384x128xf32, #tpu.memory_space<hbm>> -> memref<128x128xf32, #tpu.memory_space<hbm>>
      tpu.wait_dma2 semaphore(%run_scoped3A : memref<!tpu.dma_semaphore, #tpu.memory_space<semaphore_mem>>) src(%arg6 : memref<128x128xf32, #tpu.memory_space<vmem>>) dst(%dma_wait3A_86 : memref<128x128xf32, #tpu.memory_space<hbm>>)
      tpu.yield
    }) : () -> ()
    %dma_wait3A_66 = arith.constant 3 : i32
    %dma_wait3A_67 = arith.constant 0 : i32
    %dma_wait3A_68 = tpu.memref_slice %arg5[%dma_wait3A_66, %dma_wait3A_67] : memref<4x128xi32, #tpu.memory_space<vmem>> -> memref<1x128xi32, #tpu.memory_space<vmem>>
    %dma_wait3A_69 = tpu.memref_squeeze %dma_wait3A_68 : memref<1x128xi32, #tpu.memory_space<vmem>> -> memref<128xi32, #tpu.memory_space<vmem>>
    %dma_wait3A_70 = arith.constant 0 : i32
    %dma_wait3A_71 = arith.constant 0 : i32
    %dma_wait3A_72 = tpu.memref_slice %arg3[%dma_wait3A_70, %dma_wait3A_71] : memref<10000x128xf32, #tpu.memory_space<hbm>> -> memref<10000x128xf32, #tpu.memory_space<hbm>>
    tpu.wait_indirect_dma semaphore(%arg9 : memref<!tpu.dma_semaphore, #tpu.memory_space<semaphore_mem>>) src(%dma_wait3A_72 : memref<10000x128xf32, #tpu.memory_space<hbm>>) dst(%arg7 : memref<128x128xf32, #tpu.memory_space<vmem>>)
    %mul3A_73 = arith.constant 4 : i32
    %mul3A_74 = arith.muli %add3A, %mul3A_73 : i32
    %add3A_75 = arith.constant 3 : i32
    %add3A_76 = arith.addi %mul3A_74, %add3A_75 : i32
    %mul3A_77 = arith.constant 128 : i32
    %mul3A_78 = arith.muli %add3A_76, %mul3A_77 : i32
    "tpu.region"() ({
      %run_scoped3A = tpu.sem_alloc : memref<!tpu.dma_semaphore, #tpu.memory_space<semaphore_mem>>
      %dma_start3A_79 = arith.constant 0 : i32
      %dma_start3A_80 = tpu.memref_slice %arg4[%mul3A_78, %dma_start3A_79] : memref<16384x128xf32, #tpu.memory_space<hbm>> -> memref<128x128xf32, #tpu.memory_space<hbm>>
      %dma_start3A_81 = arith.constant 0 : i32
      %dma_start3A_82 = tpu.memref_slice %arg4[%mul3A_78, %dma_start3A_81] : memref<16384x128xf32, #tpu.memory_space<hbm>> -> memref<128x128xf32, #tpu.memory_space<hbm>>
      tpu.enqueue_dma source(%arg7 : memref<128x128xf32, #tpu.memory_space<vmem>>) target(%dma_start3A_82 : memref<128x128xf32, #tpu.memory_space<hbm>>) target_semaphore(%run_scoped3A : memref<!tpu.dma_semaphore, #tpu.memory_space<semaphore_mem>>)
      %dma_wait3A_83 = arith.constant 0 : i32
      %dma_wait3A_84 = tpu.memref_slice %arg4[%mul3A_78, %dma_wait3A_83] : memref<16384x128xf32, #tpu.memory_space<hbm>> -> memref<128x128xf32, #tpu.memory_space<hbm>>
      %dma_wait3A_85 = arith.constant 0 : i32
      %dma_wait3A_86 = tpu.memref_slice %arg4[%mul3A_78, %dma_wait3A_85] : memref<16384x128xf32, #tpu.memory_space<hbm>> -> memref<128x128xf32, #tpu.memory_space<hbm>>
      tpu.wait_dma2 semaphore(%run_scoped3A : memref<!tpu.dma_semaphore, #tpu.memory_space<semaphore_mem>>) src(%arg7 : memref<128x128xf32, #tpu.memory_space<vmem>>) dst(%dma_wait3A_86 : memref<128x128xf32, #tpu.memory_space<hbm>>)
      tpu.yield
    }) : () -> ()
    return
  }
}

module attributes {stable_mosaic.version = 14 : i64} {
  func.func @_deg_sum_body(%arg0: memref<32x10000xf32, #tpu.memory_space<vmem>>, %arg1: memref<10000x1xf32, #tpu.memory_space<vmem>>) attributes {dimension_semantics = [], scalar_prefetch = 0 : i64, scratch_operands = 0 : i64, tpu.core_type = #tpu.core_type<tc>} {
    %broadcast_in_dim3A = arith.constant 1.000000e+00 : f32
    %broadcast_in_dim3A_0 = vector.broadcast %broadcast_in_dim3A : f32 to vector<32x1xf32>
    %get3A = arith.constant 0 : index
    %get3A_1 = arith.constant 0 : index
    %get3A_2 = vector.load %arg0[%get3A, %get3A_1] : memref<32x10000xf32, #tpu.memory_space<vmem>>, vector<32x10000xf32>
    %dot_general3A = arith.constant dense<0.000000e+00> : vector<10000x1xf32>
    %dot_general3A_3 = tpu.matmul %get3A_2, %broadcast_in_dim3A_0, %dot_general3A {dimension_numbers = #tpu.dot_dimension_numbers<[0], [0], [1], [1], [0, 1, 1, 1], [], []>, transpose_lhs_hint = false} : vector<32x10000xf32>, vector<32x1xf32>, vector<10000x1xf32> -> vector<10000x1xf32>
    %swap3A = arith.constant 0 : index
    %swap3A_4 = arith.constant 0 : index
    %swap3A_5 = vector.load %arg1[%swap3A, %swap3A_4] : memref<10000x1xf32, #tpu.memory_space<vmem>>, vector<10000x1xf32>
    tpu.vector_store %arg1[%swap3A, %swap3A_4], %dot_general3A_3 {strides = array<i32>} : memref<10000x1xf32, #tpu.memory_space<vmem>>, vector<10000x1xf32>,
    return
  }
}

module attributes {stable_mosaic.version = 14 : i64} {
  func.func @_dense_body(%arg0: i32, %arg1: memref<2000x128xf32, #tpu.memory_space<vmem>>, %arg2: memref<2x2000x128xf32, #tpu.memory_space<vmem>>, %arg3: memref<2000x1xf32, #tpu.memory_space<vmem>>, %arg4: memref<256x128xf32, #tpu.memory_space<vmem>>, %arg5: memref<2000x128xf32, #tpu.memory_space<vmem>>) attributes {dimension_semantics = [#tpu.dimension_semantics<arbitrary>], iteration_bounds = array<i64: 5>, scalar_prefetch = 0 : i64, scratch_operands = 0 : i64, tpu.core_type = #tpu.core_type<tc>, window_params = [{transform_indices = @transform_0, window_bounds = array<i64: 2000, 128>}, {transform_indices = @transform_1, window_bounds = array<i64: 2, 2000, 128>}, {transform_indices = @transform_2, window_bounds = array<i64: 2000, 1>}, {pipeline_mode = #tpu.pipeline_mode<synchronous>, transform_indices = @transform_3, window_bounds = array<i64: 256, 128>}, {transform_indices = @transform_4, window_bounds = array<i64: 2000, 128>}]} {
    %get3A = arith.constant 0 : index
    %get3A_0 = arith.constant 0 : index
    %get3A_1 = vector.load %arg3[%get3A, %get3A_0] : memref<2000x1xf32, #tpu.memory_space<vmem>>, vector<2000x1xf32>
    %jit3A = arith.constant 1.000000e+00 : f32
    %max3A = vector.broadcast %jit3A : f32 to vector<2000x1xf32>
    %max3A_2 = arith.maximumf %max3A, %get3A_1 : vector<2000x1xf32>
    %get3A_3 = arith.constant 0 : index
    %get3A_4 = arith.constant 0 : index
    %get3A_5 = arith.constant 0 : index
    %get3A_6 = vector.load %arg2[%get3A_3, %get3A_4, %get3A_5] : memref<2x2000x128xf32, #tpu.memory_space<vmem>>, vector<1x2000x128xf32>
    %get3A_7 = vector.shape_cast %get3A_6 : vector<1x2000x128xf32> to vector<2000x128xf32>
    %get3A_8 = arith.constant 1 : index
    %get3A_9 = arith.constant 0 : index
    %get3A_10 = arith.constant 0 : index
    %get3A_11 = vector.load %arg2[%get3A_8, %get3A_9, %get3A_10] : memref<2x2000x128xf32, #tpu.memory_space<vmem>>, vector<1x2000x128xf32>
    %get3A_12 = vector.shape_cast %get3A_11 : vector<1x2000x128xf32> to vector<2000x128xf32>
    %add3A = arith.addf %get3A_7, %get3A_12 : vector<2000x128xf32>
    %div3A = vector.broadcast %max3A_2 : vector<2000x1xf32> to vector<2000x128xf32>
    %div3A_13 = arith.divf %add3A, %div3A : vector<2000x128xf32>
    %get3A_14 = arith.constant 0 : index
    %get3A_15 = arith.constant 0 : index
    %get3A_16 = vector.load %arg1[%get3A_14, %get3A_15] : memref<2000x128xf32, #tpu.memory_space<vmem>>, vector<2000x128xf32>
    %get3A_17 = arith.constant 0 : index
    %get3A_18 = arith.constant 0 : index
    %get3A_19 = vector.load %arg4[%get3A_17, %get3A_18] : memref<256x128xf32, #tpu.memory_space<vmem>>, vector<128x128xf32>
    %dot_general3A = arith.constant dense<0.000000e+00> : vector<2000x128xf32>
    %dot_general3A_20 = tpu.matmul %get3A_16, %get3A_19, %dot_general3A {dimension_numbers = #tpu.dot_dimension_numbers<[1], [0], [0], [1], [0, 0, 1, 1], [], []>, transpose_lhs_hint = false} : vector<2000x128xf32>, vector<128x128xf32>, vector<2000x128xf32> -> vector<2000x128xf32>
    %get3A_21 = arith.constant 128 : index
    %get3A_22 = arith.constant 0 : index
    %get3A_23 = vector.load %arg4[%get3A_21, %get3A_22] : memref<256x128xf32, #tpu.memory_space<vmem>>, vector<128x128xf32>
    %dot_general3A_24 = arith.constant dense<0.000000e+00> : vector<2000x128xf32>
    %dot_general3A_25 = tpu.matmul %div3A_13, %get3A_23, %dot_general3A_24 {dimension_numbers = #tpu.dot_dimension_numbers<[1], [0], [0], [1], [0, 0, 1, 1], [], []>, transpose_lhs_hint = false} : vector<2000x128xf32>, vector<128x128xf32>, vector<2000x128xf32> -> vector<2000x128xf32>
    %add3A_26 = arith.addf %dot_general3A_20, %dot_general3A_25 : vector<2000x128xf32>
    %max3A_27 = arith.constant 0.000000e+00 : f32
    %max3A_28 = vector.broadcast %max3A_27 : f32 to vector<2000x128xf32>
    %max3A_29 = arith.maximumf %add3A_26, %max3A_28 : vector<2000x128xf32>
    %swap3A = arith.constant 0 : index
    %swap3A_30 = arith.constant 0 : index
    %swap3A_31 = vector.load %arg5[%swap3A, %swap3A_30] : memref<2000x128xf32, #tpu.memory_space<vmem>>, vector<2000x128xf32>
    tpu.vector_store %arg5[%swap3A, %swap3A_30], %max3A_29 {strides = array<i32>} : memref<2000x128xf32, #tpu.memory_space<vmem>>, vector<2000x128xf32>,
    return
  }
  func.func @transform_0(%arg0: i32) -> (i32, i32) {
    %c0_i32 = arith.constant 0 : i32
    %c0_i32_0 = arith.constant 0 : i32
    return %arg0, %c0_i32 : i32, i32
  }
  func.func @transform_1(%arg0: i32) -> (i32, i32, i32) {
    %c0_i32 = arith.constant 0 : i32
    %c0_i32_0 = arith.constant 0 : i32
    %c0_i32_1 = arith.constant 0 : i32
    return %c0_i32, %arg0, %c0_i32_0 : i32, i32, i32
  }
  func.func @transform_2(%arg0: i32) -> (i32, i32) {
    %c0_i32 = arith.constant 0 : i32
    %c0_i32_0 = arith.constant 0 : i32
    return %arg0, %c0_i32 : i32, i32
  }
  func.func @transform_3(%arg0: i32) -> (i32, i32) {
    %c0_i32 = arith.constant 0 : i32
    %c0_i32_0 = arith.constant 0 : i32
    %c0_i32_1 = arith.constant 0 : i32
    return %c0_i32, %c0_i32_0 : i32, i32
  }
  func.func @transform_4(%arg0: i32) -> (i32, i32) {
    %c0_i32 = arith.constant 0 : i32
    %c0_i32_0 = arith.constant 0 : i32
    return %arg0, %c0_i32 : i32, i32
  }
}

module attributes {stable_mosaic.version = 14 : i64} {
  func.func @_cos_body(%arg0: i32, %arg1: memref<4096x128xf32, #tpu.memory_space<vmem>>, %arg2: memref<4096x128xf32, #tpu.memory_space<vmem>>, %arg3: memref<1x4096xf32, #tpu.memory_space<vmem>>) attributes {dimension_semantics = [#tpu.dimension_semantics<arbitrary>], iteration_bounds = array<i64: 2>, scalar_prefetch = 0 : i64, scratch_operands = 0 : i64, tpu.core_type = #tpu.core_type<tc>, window_params = [{transform_indices = @transform_0, window_bounds = array<i64: 4096, 128>}, {transform_indices = @transform_1, window_bounds = array<i64: 4096, 128>}, {transform_indices = @transform_2, window_bounds = array<i64: 1, 4096>}]} {
    %get3A = arith.constant 0 : index
    %get3A_0 = arith.constant 0 : index
    %get3A_1 = vector.load %arg1[%get3A, %get3A_0] : memref<4096x128xf32, #tpu.memory_space<vmem>>, vector<4096x128xf32>
    %get3A_2 = arith.constant 0 : index
    %get3A_3 = arith.constant 0 : index
    %get3A_4 = vector.load %arg2[%get3A_2, %get3A_3] : memref<4096x128xf32, #tpu.memory_space<vmem>>, vector<4096x128xf32>
    %mul3A = arith.mulf %get3A_1, %get3A_4 : vector<4096x128xf32>
    %reduce_sum3A = arith.constant dense<0.000000e+00> : vector<4096xf32>
    %reduce_sum3A_5 = vector.multi_reduction <add>, %mul3A, %reduce_sum3A [1] : vector<4096x128xf32> to vector<4096xf32>
    %broadcast_in_dim3A = vector.shape_cast %reduce_sum3A_5 : vector<4096xf32> to vector<4096x1xf32>
    %mul3A_6 = arith.mulf %get3A_1, %get3A_1 : vector<4096x128xf32>
    %reduce_sum3A_7 = arith.constant dense<0.000000e+00> : vector<4096xf32>
    %reduce_sum3A_8 = vector.multi_reduction <add>, %mul3A_6, %reduce_sum3A_7 [1] : vector<4096x128xf32> to vector<4096xf32>
    %broadcast_in_dim3A_9 = vector.shape_cast %reduce_sum3A_8 : vector<4096xf32> to vector<4096x1xf32>
    %sqrt3A = math.sqrt %broadcast_in_dim3A_9 : vector<4096x1xf32>
    %jit3A = arith.constant 9.99999993E-9 : f32
    %max3A = vector.broadcast %jit3A : f32 to vector<4096x1xf32>
    %max3A_10 = arith.maximumf %max3A, %sqrt3A : vector<4096x1xf32>
    %mul3A_11 = arith.mulf %get3A_4, %get3A_4 : vector<4096x128xf32>
    %reduce_sum3A_12 = arith.constant dense<0.000000e+00> : vector<4096xf32>
    %reduce_sum3A_13 = vector.multi_reduction <add>, %mul3A_11, %reduce_sum3A_12 [1] : vector<4096x128xf32> to vector<4096xf32>
    %broadcast_in_dim3A_14 = vector.shape_cast %reduce_sum3A_13 : vector<4096xf32> to vector<4096x1xf32>
    %sqrt3A_15 = math.sqrt %broadcast_in_dim3A_14 : vector<4096x1xf32>
    %jit3A_16 = arith.constant 9.99999993E-9 : f32
    %max3A_17 = vector.broadcast %jit3A_16 : f32 to vector<4096x1xf32>
    %max3A_18 = arith.maximumf %max3A_17, %sqrt3A_15 : vector<4096x1xf32>
    %mul3A_19 = arith.mulf %max3A_10, %max3A_18 : vector<4096x1xf32>
    %div3A = arith.divf %broadcast_in_dim3A, %mul3A_19 : vector<4096x1xf32>
    %transpose3A = tpu.transpose %div3A, [1, 0] : vector<4096x1xf32> -> vector<1x4096xf32>
    %swap3A = arith.constant 0 : index
    %swap3A_20 = arith.constant 0 : index
    %swap3A_21 = vector.load %arg3[%swap3A, %swap3A_20] : memref<1x4096xf32, #tpu.memory_space<vmem>>, vector<1x4096xf32>
    tpu.vector_store %arg3[%swap3A, %swap3A_20], %transpose3A {strides = array<i32>} : memref<1x4096xf32, #tpu.memory_space<vmem>>, vector<1x4096xf32>,
    return
  }
  func.func @transform_0(%arg0: i32) -> (i32, i32) {
    %c0_i32 = arith.constant 0 : i32
    %c0_i32_0 = arith.constant 0 : i32
    return %arg0, %c0_i32 : i32, i32
  }
  func.func @transform_1(%arg0: i32) -> (i32, i32) {
    %add3A = arith.constant 2 : i32
    %add3A_0 = arith.addi %arg0, %add3A : i32
    %c0_i32 = arith.constant 0 : i32
    %c0_i32_1 = arith.constant 0 : i32
    return %add3A_0, %c0_i32 : i32, i32
  }
  func.func @transform_2(%arg0: i32) -> (i32, i32) {
    %c0_i32 = arith.constant 0 : i32
    %c0_i32_0 = arith.constant 0 : i32
    return %c0_i32, %arg0 : i32, i32
  }
}

</mosaic_0001>

<sc_bundles>
// kernel: kernel.10.cloned.1.call-start
scs
__scs_entry_jumppad:
0x0: {  	(pc) =	sbr.rel $0x88, $3  }
0x1: {  	(tag) =	ssettag $0x0;
	lr =	simm.s32 $0x1  }
0x2: {  	[smem:$0x3F9C] =	sst lr;
	_ =	strace $0xD0000000  }
0x3: {  	_ = 	snop  }
0x4: {  	_ = 	snop  }
0x5: {  	_ = 	snop  }
0x6: {  	_ = 	snop  }
0x7: {  	_ = 	snop  }
__scs_overlays_trampoline_lowered:
0x8: {  	[smem:$0x3FAB] =	sst s0  }
0x9: {  	[smem:$0x3FAC] =	sst s1  }
0xa: {  	[smem:$0x3FAD] =	sst s2  }
0xb: {  	[smem:$0x3FAE] =	sst s3  }
0xc: {  	[smem:$0x3FAF] =	sst s4  }
0xd: {  	[smem:$0x3FB0] =	sst s5  }
0xe: {  	[smem:$0x3FB1] =	sst s6  }
0xf: {  	[smem:$0x3FB2] =	sst s7  }
0x10: {  	[smem:$0x3FB3] =	sst s8  }
0x11: {  	[smem:$0x3FB4] =	sst s9;
	s0 =	simm.s32 @!p0 $0x0  }
0x12: {  	s1 =	sld [smem:$0x3F9A];
	s0 =	simm.s32 @p0 $0x1  }
0x13: {  	[smem:$0x3FB5] =	sst s0;
	s0 =	simm.s32 @!p1 $0x0  }
0x14: {  	s2 =	sld [smem:$0x3F99];
	s0 =	simm.s32 @p1 $0x1  }
0x15: {  	[smem:$0x3FB6] =	sst s0;
	s0 =	simm.s32 @!p2 $0x0  }
0x16: {  	s3 =	sld [smem:$0x3FDB];
	s0 =	simm.s32 @p2 $0x1  }
0x17: {  	s4 =	simm.s32 $0x1BF5;
	[smem:$0x3FB8] =	sst s0  }
0x18: {  	s0 =	sld [smem:$0x3F9B];
	_ =	swait.ge [sflag:s4], $0x0  }
0x19: {  	s7 =	sld [smem:$0x3F9C]  }
0x1a: {  	s8 =	sadd.s32 $0xFFFFE003, lr  }
0x1b: {  	s9 =	sadd.s32 $0xFFFFFEF7, lr;
	s5 =	simm.s32 $0xFFFFFFFF;
	p2 =	slt.u32 s8, $0xFFFFF086  }
0x1c: {  	p1 =	slt.u32 s9, $0xF7A;
	s5 =	simm.s32 @!p2 $0x0  }
0x1d: {  	s5 =	simm.s32 @p1 $0x1;
	p0 =	seq.s32 s7, s2  }
0x1e: {  	s7 =	smul.u32 @!p0 $0xF7A, s2;
	p2 =	seq.s32 @!p0 s5, $0x0  }
0x1f: {  	s9 =	smul.u32 $0xF7A, s1;
	s8 =	simm.s32 @!p0 $0x1BF5;
	p2 =	por !p2, p0  }
0x20: {  	[sflag:s8] =	ssyncset.s32 @!p0 $0xFFFFF086;
	s6 =	sadd.s32 @!p0 s3, s7;
	s7 =	simm.s32 @!p0 $0x108  }
0x21: {  	s3 =	sadd.s32 s3, s9;
	s6 =	sadd.s32 @!p0 $0x88, s6;
	s7 =	simm.s32 @p2 $0x1082  }
0x22: {  	[simem:s7], [sflag:s8] =	dma.local @!p0 [hbm:s6], $0xF7A  }
0x23: {  	s9 =	sor.u32 $0xD0000000, s2;
	s6 =	simm.s32 $0x108;
	_ =	swait.ge @!p0 [sflag:s8], $0x0  }
0x24: {  	s3 =	sadd.s32 $0x88, s3;
	s6 =	simm.s32 @!p1 $0x1082;
	[sflag:s4] =	ssyncset.s32 $0xFFFFF086  }
0x25: {  	[simem:s6], [sflag:s4] =	dma.local [hbm:s3], $0xF7A  }
0x26: {  	[smem:$0x3F9C] =	sst s1;
	(tag) =	ssettag s2;
	_ =	strace s9  }
0x27: {  	s1 =	sld [smem:$0x3FAC]  }
0x28: {  	s2 =	sld [smem:$0x3FAD]  }
0x29: {  	s4 =	sld [smem:$0x3FAF]  }
0x2a: {  	p0 =	seq.s32 s5, $0x0;
	s5 =	sld [smem:$0x3FB0]  }
0x2b: {  	s6 =	sld [smem:$0x3FB1]  }
0x2c: {  	s7 =	sld [smem:$0x3FB2]  }
0x2d: {  	s3 =	simm.s32 $0x108;
	s8 =	sld [smem:$0x3FB3]  }
0x2e: {  	s3 =	simm.s32 @!p0 $0x1082;
	s9 =	sld [smem:$0x3FB4]  }
0x2f: {  	lr =	sadd.s32 s0, s3;
	s0 =	sld [smem:$0x3FAB]  }
0x30: {  	s3 =	sld [smem:$0x3FAE]  }
0x31: {  	[smem:$0x3FB7] =	sst s10  }
0x32: {  	s10 =	sld [smem:$0x3FB5];
	_ =	sdelay $0x3  }
0x33: {  	p0 =	seq.s32 s10, $0x1;
	s10 =	sld [smem:$0x3FB7];
	_ =	sdelay $0x3  }
0x34: {  	[smem:$0x3FB7] =	sst s10  }
0x35: {  	s10 =	sld [smem:$0x3FB6];
	_ =	sdelay $0x3  }
0x36: {  	p1 =	seq.s32 s10, $0x1;
	s10 =	sld [smem:$0x3FB7];
	_ =	sdelay $0x3  }
0x37: {  	[smem:$0x3FB7] =	sst s10  }
0x38: {  	s10 =	sld [smem:$0x3FB8]  }
0x39: {  	_ = 	snop;
	(pc) =	sbr.ind lr, $3  }
0x3a: {  	_ = 	snop  }
0x3b: {  	_ = 	snop  }
0x3c: {  	p2 =	seq.s32 s10, $0x1;
	s10 =	sld [smem:$0x3FB7]  }
0x3d: {  	_ =	shalt  }
0x3e: {  	_ =	shalt  }
0x3f: {  	_ =	shalt  }
0x40: {  	_ =	shalt  }
0x41: {  	_ =	shalt  }
0x42: {  	_ =	shalt  }
0x43: {  	_ =	shalt  }
0x44: {  	_ =	shalt  }
0x45: {  	_ =	shalt  }
0x46: {  	_ =	shalt  }
0x47: {  	_ =	shalt  }
0x48: {  	_ =	shalt  }
0x49: {  	_ =	shalt  }
0x4a: {  	_ =	shalt  }
0x4b: {  	_ =	shalt  }
0x4c: {  	_ =	shalt  }
0x4d: {  	_ =	shalt  }
0x4e: {  	_ =	shalt  }
0x4f: {  	_ =	shalt  }
0x50: {  	_ =	shalt  }
0x51: {  	_ =	shalt  }
0x52: {  	_ =	shalt  }
0x53: {  	_ =	shalt  }
0x54: {  	_ =	shalt  }
0x55: {  	_ =	shalt  }
0x56: {  	_ =	shalt  }
0x57: {  	_ =	shalt  }
0x58: {  	_ =	shalt  }
0x59: {  	_ =	shalt  }
0x5a: {  	_ =	shalt  }
0x5b: {  	_ =	shalt  }
0x5c: {  	_ =	shalt  }
0x5d: {  	_ =	shalt  }
0x5e: {  	_ =	shalt  }
0x5f: {  	_ =	shalt  }
0x60: {  	_ =	shalt  }
0x61: {  	_ =	shalt  }
0x62: {  	_ =	shalt  }
0x63: {  	_ =	shalt  }
0x64: {  	_ =	shalt  }
0x65: {  	_ =	shalt  }
0x66: {  	_ =	shalt  }
0x67: {  	_ =	shalt  }
0x68: {  	_ =	shalt  }
0x69: {  	_ =	shalt  }
0x6a: {  	_ =	shalt  }
0x6b: {  	_ =	shalt  }
0x6c: {  	_ =	shalt  }
0x6d: {  	_ =	shalt  }
0x6e: {  	_ =	shalt  }
0x6f: {  	_ =	shalt  }
0x70: {  	_ =	shalt  }
0x71: {  	_ =	shalt  }
0x72: {  	_ =	shalt  }
0x73: {  	_ =	shalt  }
0x74: {  	_ =	shalt  }
0x75: {  	_ =	shalt  }
0x76: {  	_ =	shalt  }
0x77: {  	_ =	shalt  }
0x78: {  	_ =	shalt  }
0x79: {  	_ =	shalt  }
0x7a: {  	_ =	shalt  }
0x7b: {  	_ =	shalt  }
0x7c: {  	_ =	shalt  }
0x7d: {  	_ =	shalt  }
0x7e: {  	_ =	shalt  }
0x7f: {  	_ =	shalt  }
0x80: {  	_ =	shalt  }
0x81: {  	_ =	shalt  }
0x82: {  	_ =	shalt  }
0x83: {  	_ =	shalt  }
0x84: {  	_ =	shalt  }
0x85: {  	_ =	shalt  }
0x86: {  	_ =	shalt  }
0x87: {  	_ =	shalt  }
.Lfunc_end0:
.L_simem_size_0:
called_computation.1_lowered:
.L_overlay_start_0:
0x88: {  	s2 =	sld [smem:$0x3FD9]  }
0x89: {  	s3 =	sld [smem:$0x3FFE];
	_ =	sdelay $0x1  }
0x8a: {  	s1 =	srdreg.scid  }
0x8b: {  	s0 =	sand.u32 $0x1, s1  }
0x8c: {  	s16 =	sshll.u32 s0, $0xA;
	s2 =	sadd.s32 s3, s2  }
0x8d: {  	s2 =	sadd.s32 s2, s16  }
0x8e: {  	[smem:$0x3FC3] =	sst s2  }
0x8f: {  	_ = 	snop  }
0x90: {  	(tm) =	ssettm $0x1  }
0x91: {  	s17 =	sld [smem:$0x3FFB];
	_ =	sdelay $0x3  }
0x92: {  	_ =	strace s17  }
0x93: {  	s2 =	sld [smem:$0x3FFC];
	_ =	sdelay $0x3  }
0x94: {  	_ =	strace s2  }
0x95: {  	s2 =	sld [smem:$0x3FFD];
	_ =	sdelay $0x3  }
0x96: {  	_ =	strace s2  }
0x97: {  	_ =	strace $0x8FFFFFFF  }
0x98: {  	s18 =	sld [smem:$0x3FDB];
	_ =	sdelay $0x1  }
0x99: {  	s19 =	simm.s32 $_scs_section_size  }
0x9a: {  	s4 =	simm.s32 $_size__tile_overlayer_lowered;
	s5 =	simm.s32 $_tile_overlayer_lowered  }
0x9b: {  	s22 =	simm.s32 $0x1BFF;
	s21 =	sshll.u32 s5, $0x1;
	s2 =	sadd.s32 s19, s18  }
0x9c: {  	s6 =	simm.s32 $0x0;
	s20 =	sshll.u32 s4, $0x1;
	s4 =	sadd.s32 s21, s2  }
0x9d: {  	[timem:s6], [sflag:s22] =	dma.local [hbm:s4], s20  }
0x9e: {  	_ =	swait.ge [sflag:s22], s20  }
0x9f: {  	s3 =	ssub.s32 $0x0, s20;
	[sflag:s22] =	ssyncset.done $0x0  }
0xa0: {  	[sflag:s22] =	ssyncadd.s32 s3;
	_ =	sdelay $0x1  }
0xa1: {  	s23 =	simm.s32 $0x1B8B  }
0xa2: {  	_ =	swait.ge [sflag:s23], $0x1  }
0xa3: {  	[sflag:s23] =	ssyncset.done $0x0  }
0xa4: {  	s25 =	simm.s32 $0x1B8E;
	s24 =	sld [smem:$0x3FFE];
	[sflag:s23] =	ssyncadd.s32 $0xFFFFFFFF  }
0xa5: {  	s26 =	simm.s32 $execute0_lowered;
	[smem:$0x3FD2] =	sst s25  }
0xa6: {  	s4 =	sshll.u32 s26, $0x1;
	_ =	strace $0x80000049;
	[dreg:$0x1] =	wrdreg $0xFFFFFFFF  }
0xa7: {  	s28 =	simm.s32 $_size_execute0_lowered;
	s2 =	sadd.s32 s2, s4;
	[dreg:$0x0] =	wrdreg $0x0  }
0xa8: {  	s4 =	sshll.u32 s28, $0x1;
	[dreg:$0x2] =	wrdreg s2  }
0xa9: {  	[dreg:$0x3] =	wrdreg s4  }
0xaa: {  	[dreg:$0x4] =	wrdreg $0xC0  }
0xab: {  	_ =	task [dreg:s6], $0x5FFFF  }
0xac: {  	[dreg:$0x1] =	wrdreg $0xFFFFFFFF  }
0xad: {  	[dreg:$0x0] =	wrdreg $0x60  }
0xae: {  	[dreg:$0x2] =	wrdreg s24  }
0xaf: {  	[dreg:$0x3] =	wrdreg $0x9  }
0xb0: {  	_ =	task.clear_ibuf [dreg:s6], $0x4FFFF;
	_ =	strace $0x90000049  }
0xb1: {  	s29 =	simm.s32 $0x9;
	_ =	strace $0x8000004B  }
0xb2: {  	_ =	swait.ge [sflag:s29], $0x1  }
0xb3: {  	[sflag:s29] =	ssyncadd.s32 $0xFFFFFFFF  }
0xb4: {  	_ =	strace $0x9000004B  }
0xb5: {  	_ =	sfence  }
0xb6: {  	s30 =	sld [smem:$0x0];
	_ =	sdelay $0x2  }
0xb7: {  	s31 =	sshll.u32 s1, $0xD;
	s1 =	sshrl.u32 s1, $0x2  }
0xb8: {  	s3 =	sand.u32 $0x4000, s31;
	s1 =	sadd.s32 s1, s30  }
0xb9: {  	s0 =	sor.u32 s3, s0;
	s1 =	sshll.u32 s1, $0x11  }
0xba: {  	s0 =	sor.u32 s1, s0  }
0xbb: {  	s0 =	sadd.s32 $0x8F2B, s0  }
0xbc: {  	[sflag:s0] =	ssyncadd.remote.s32 $0x1  }
0xbd: {  	_ =	sfence.sel $0xFFFF  }
0xbe: {  	[dreg:$0x0] =	wrdreg $0xFFFFFFFF;
	(pc) =	sbr.abs _section_cstart, $3  }
0xbf: {  	[dreg:$0x1] =	wrdreg $0xFFFFFFFF  }
0xc0: {  	_ =	task.clear_ibuf [dreg:s6], $0x2FFFF;
	_ =	strace $0x9FFFFFFF  }
0xc1: {  	(tm) =	ssettm $0x7FFFFFFF  }
tec
execute0_lowered:
.L_overlay_start_1:
0x0: {  	(tag) =	ssettag $0x1  }
0x1: {  	s0 =	srdreg.scid  }
0x2: {  	s16 =	sand.u32 $0x1, s0  }
0x3: {  	s0 =	stileid.u32;
	s1 =	sshll.u32 s16, $0x4  }
0x4: {  	s10 =	rddreg [dreg:$0x0];
	s2 =	simm.s32 $0x0;
	s11 =	sor.u32 s0, s1  }
0x5: {  	[smem:$0x7FF] =	sst s2;
	s3 =	sshll.u32 s11, $0x6  }
0x6: {  	s1 =	rddreg [dreg:$0x1];
	s3 =	sadd.s32 s3, s10  }
0x7: {  	_ =	strace $0x8000004A;
	s4 =	sadd.s32 $0x82000, s3;
	s3 =	simm.s32 $0x3  }
0x8: {  	[tilespmem:s2], [sflag:$0x3] =	stream.linear.gather [hbm4b:s4+s2], $0x200, $0x38;
	[tilespmem:$0x8200] =	vst v63  }
0x9: {  	_ =	swait.ge [sflag:s3], $0x200  }
0xa: {  	s6 =	simm.s32 $0x80;
	[sflag:s3] =	ssyncset.done $0x0  }
0xb: {  	s7 =	simm.s32 $0x200;
	s5 =	sadd.s32 $0x2000, s10;
	[sflag:s3] =	ssyncadd.s32 $0xFFFFFE00  }
0xc: {  	[tilespmem:s7], [sflag:$0x1] =	stream.indirect.gather [hbm4b:s5+s6], $0x80, s2, s6, $0xb8;
	[tilespmem:$0x8200] =	vst v63  }
0xd: {  	s8 =	simm.s32 $0x4200;
	s9 =	simm.s32 $0x1  }
0xe: {  	[tilespmem:s8], [sflag:$0x2] =	stream.indirect.gather [hbm4b:s5+s6], $0x80, s6, s6, $0xb8;
	[tilespmem:$0x8200] =	vst v63  }
0xf: {  	s11 =	sshll.u32 s11, $0xD;
	_ =	swait.ge [sflag:s9], $0x4000  }
0x10: {  	s17 =	sadd.s32 s11, s10;
	[sflag:s9] =	ssyncset.done $0x0  }
0x11: {  	s10 =	sadd.s32 $0x29200, s17;
	[sflag:s9] =	ssyncadd.s32 $0xFFFFC000  }
0x12: {  	[hbm4b:s10+s2] =	stream.linear.scatter [tilespmem:s7], [sflag:$0x3], $0x4000, $0x38;
	[tilespmem:$0x8200] =	vst v63  }
0x13: {  	_ =	swait.ge [sflag:s3], $0x4000  }
0x14: {  	[sflag:s3] =	ssyncset.done $0x0  }
0x15: {  	s12 =	simm.s32 $0x2;
	s11 =	simm.s32 $0x100;
	[sflag:s3] =	ssyncadd.s32 $0xFFFFC000  }
0x16: {  	[tilespmem:s7], [sflag:$0x1] =	stream.indirect.gather [hbm4b:s5+s6], $0x80, s11, s6, $0xb8;
	[tilespmem:$0x8200] =	vst v63  }
0x17: {  	_ =	swait.ge [sflag:s12], $0x4000  }
0x18: {  	[sflag:s12] =	ssyncset.done $0x0  }
0x19: {  	s13 =	sadd.s32 $0x29A00, s17;
	[sflag:s12] =	ssyncadd.s32 $0xFFFFC000  }
0x1a: {  	[hbm4b:s13+s2] =	stream.linear.scatter [tilespmem:s8], [sflag:$0x3], $0x4000, $0x38;
	[tilespmem:$0x8200] =	vst v63  }
0x1b: {  	_ =	swait.ge [sflag:s3], $0x4000  }
0x1c: {  	[sflag:s3] =	ssyncset.done $0x0  }
0x1d: {  	s14 =	simm.s32 $0x180;
	[sflag:s3] =	ssyncadd.s32 $0xFFFFC000  }
0x1e: {  	[tilespmem:s8], [sflag:$0x2] =	stream.indirect.gather [hbm4b:s5+s6], $0x80, s14, s6, $0xb8;
	[tilespmem:$0x8200] =	vst v63  }
0x1f: {  	_ =	swait.ge [sflag:s9], $0x4000  }
0x20: {  	[sflag:s9] =	ssyncset.done $0x0  }
0x21: {  	s16 =	ssub.s32 $0x2, s16;
	s15 =	sadd.s32 $0x2A200, s17;
	[sflag:s9] =	ssyncadd.s32 $0xFFFFC000  }
0x22: {  	[hbm4b:s15+s2] =	stream.linear.scatter [tilespmem:s7], [sflag:$0x3], $0x4000, $0x38;
	[tilespmem:$0x8200] =	vst v63  }
0x23: {  	s18 =	sshrl.u32 s16, $0x1;
	_ =	swait.ge [sflag:s3], $0x4000  }
0x24: {  	s18 =	ssub.s32 s16, s18;
	[sflag:s3] =	ssyncset.done $0x0  }
0x25: {  	s31 =	smax.u32 s18, $0x1;
	[sflag:s3] =	ssyncadd.s32 $0xFFFFC000  }
0x26: {  	p0 =	sne.s32 s31, $0x1;
	_ =	swait.ge [sflag:s12], $0x4000  }
.Ltmp0:
0x27: {  	[sflag:s12] =	ssyncset.done $0x0;
	(pc) =	sbr.rel @!p0 .LBB2_2-.Ltmp0, $4  }
0x28: {  	s16 =	sadd.s32 $0x2AA00, s17;
	[sflag:s12] =	ssyncadd.s32 $0xFFFFC000  }
0x29: {  	[hbm4b:s16+s2] =	stream.linear.scatter [tilespmem:s8], [sflag:$0x3], $0x4000, $0x38;
	[tilespmem:$0x8200] =	vst v63  }
0x2a: {  	_ =	swait.ge [sflag:s3], $0x4000  }
0x2b: {  	s17 =	sadd.s32 $0xFFFFFFFF, s31;
	[sflag:s3] =	ssyncset.done $0x0  }
.LBB2_1:
0x2c: {  	p0 =	sne.s32 s17, $0x1;
	s17 =	sadd.s32 $0xFFFFFFFF, s17;
	[sflag:s3] =	ssyncadd.s32 $0xFFFFC000  }
0x2d: {  	[tilespmem:s2], [sflag:$0x3] =	stream.linear.gather [hbm4b:s4+s2], $0x200, $0x38;
	[tilespmem:$0x8200] =	vst v63  }
0x2e: {  	_ =	swait.ge [sflag:s3], $0x200  }
0x2f: {  	[sflag:s3] =	ssyncset.done $0x0  }
0x30: {  	[sflag:s3] =	ssyncadd.s32 $0xFFFFFE00  }
0x31: {  	[tilespmem:s7], [sflag:$0x1] =	stream.indirect.gather [hbm4b:s5+s6], $0x80, s2, s6, $0xb8;
	[tilespmem:$0x8200] =	vst v63  }
0x32: {  	_ = 	snop  }
0x33: {  	[tilespmem:s8], [sflag:$0x2] =	stream.indirect.gather [hbm4b:s5+s6], $0x80, s6, s6, $0xb8;
	[tilespmem:$0x8200] =	vst v63  }
0x34: {  	_ =	swait.ge [sflag:s9], $0x4000  }
0x35: {  	[sflag:s9] =	ssyncset.done $0x0  }
0x36: {  	[sflag:s9] =	ssyncadd.s32 $0xFFFFC000  }
0x37: {  	[hbm4b:s10+s2] =	stream.linear.scatter [tilespmem:s7], [sflag:$0x3], $0x4000, $0x38;
	[tilespmem:$0x8200] =	vst v63  }
0x38: {  	_ =	swait.ge [sflag:s3], $0x4000  }
0x39: {  	[sflag:s3] =	ssyncset.done $0x0  }
0x3a: {  	[sflag:s3] =	ssyncadd.s32 $0xFFFFC000  }
0x3b: {  	[tilespmem:s7], [sflag:$0x1] =	stream.indirect.gather [hbm4b:s5+s6], $0x80, s11, s6, $0xb8;
	[tilespmem:$0x8200] =	vst v63  }
0x3c: {  	_ =	swait.ge [sflag:s12], $0x4000  }
0x3d: {  	[sflag:s12] =	ssyncset.done $0x0  }
0x3e: {  	[sflag:s12] =	ssyncadd.s32 $0xFFFFC000  }
0x3f: {  	[hbm4b:s13+s2] =	stream.linear.scatter [tilespmem:s8], [sflag:$0x3], $0x4000, $0x38;
	[tilespmem:$0x8200] =	vst v63  }
0x40: {  	_ =	swait.ge [sflag:s3], $0x4000  }
0x41: {  	[sflag:s3] =	ssyncset.done $0x0  }
0x42: {  	[sflag:s3] =	ssyncadd.s32 $0xFFFFC000  }
0x43: {  	[tilespmem:s8], [sflag:$0x2] =	stream.indirect.gather [hbm4b:s5+s6], $0x80, s14, s6, $0xb8;
	[tilespmem:$0x8200] =	vst v63  }
0x44: {  	_ =	swait.ge [sflag:s9], $0x4000  }
0x45: {  	[sflag:s9] =	ssyncset.done $0x0  }
0x46: {  	[sflag:s9] =	ssyncadd.s32 $0xFFFFC000  }
0x47: {  	[hbm4b:s15+s2] =	stream.linear.scatter [tilespmem:s7], [sflag:$0x3], $0x4000, $0x38;
	[tilespmem:$0x8200] =	vst v63  }
0x48: {  	_ =	swait.ge [sflag:s3], $0x4000  }
0x49: {  	[sflag:s3] =	ssyncset.done $0x0  }
0x4a: {  	[sflag:s3] =	ssyncadd.s32 $0xFFFFC000  }
0x4b: {  	_ =	swait.ge [sflag:s12], $0x4000  }
.Ltmp1:
0x4c: {  	[sflag:s12] =	ssyncset.done $0x0;
	(pc) =	sbr.rel @p0 .LBB2_1-.Ltmp1, $4  }
0x4d: {  	[sflag:s12] =	ssyncadd.s32 $0xFFFFC000  }
0x4e: {  	[hbm4b:s16+s2] =	stream.linear.scatter [tilespmem:s8], [sflag:$0x3], $0x4000, $0x38;
	[tilespmem:$0x8200] =	vst v63  }
0x4f: {  	_ =	swait.ge [sflag:s3], $0x4000  }
0x50: {  	[sflag:s3] =	ssyncset.done $0x0  }
.LBB2_2:
0x51: {  	[sflag:s3] =	ssyncadd.s32 $0xFFFFC000  }
0x52: {  	_ =	sfence.sel $0x180000  }
0x53: {  	[bflag:$0x0] =	sbarrier.arrive $0xFFFF  }
0x54: {  	p0 =	sne.s32 s0, $0x0;
	_ =	strace $0x9000004A  }
0x55: {  	s0 =	sadd.s32 @!p0 $0x100000, s1;
	[bflag:$0x2] =	sbarrier.arrive $0xFFFF  }
0x56: {  	[sflag:s0] =	ssyncadd.tile.s32 @!p0 $0x1;
	_ =	shalt  }
.Lfunc_end2:
_tile_overlayer_lowered:
.L_overlay_start_2:
0x57: {  	(tag) =	ssettag $0x2  }
0x58: {  	s0 =	rddreg [dreg:$0x0];
	s2 =	stileid.u32  }
0x59: {  	s1 =	rddreg [dreg:$0x1];
	p0 =	sne.s32 s2, $0x0  }
0x5a: {  	s3 =	rddreg [dreg:$0x2];
	[bflag:$0x3] =	sbarrier.arrive $0xFFFF;
	s2 =	simm.s32 @!p0 $0x1C03  }
0x5b: {  	[timem:s3], [sflag:s2] =	dma.local @!p0 [hbm:s0], s1  }
0x5c: {  	s0 =	simm.s32 @!p0 $0x3  }
0x5d: {  	_ =	swait.ge @!p0 [sflag:s0], s1  }
0x5e: {  	s1 =	ssub.s32 @!p0 $0x0, s1;
	[sflag:s0] =	ssyncset.done @!p0 $0x0  }
0x5f: {  	[sflag:s0] =	ssyncadd.s32 @!p0 s1  }
0x60: {  	[bflag:$0x3] =	sbarrier.arrive $0xFFFF  }
0x61: {  	_ =	shalt  }

// kernel: kernel.7.cloned.1.call-start
scs
__scs_entry_jumppad:
0x0: {  	(pc) =	sbr.rel $0x88, $3  }
0x1: {  	(tag) =	ssettag $0x0;
	lr =	simm.s32 $0x1  }
0x2: {  	[smem:$0x3F9C] =	sst lr;
	_ =	strace $0xD0000000  }
0x3: {  	_ = 	snop  }
0x4: {  	_ = 	snop  }
0x5: {  	_ = 	snop  }
0x6: {  	_ = 	snop  }
0x7: {  	_ = 	snop  }
__scs_overlays_trampoline_lowered:
0x8: {  	[smem:$0x3FAB] =	sst s0  }
0x9: {  	[smem:$0x3FAC] =	sst s1  }
0xa: {  	[smem:$0x3FAD] =	sst s2  }
0xb: {  	[smem:$0x3FAE] =	sst s3  }
0xc: {  	[smem:$0x3FAF] =	sst s4  }
0xd: {  	[smem:$0x3FB0] =	sst s5  }
0xe: {  	[smem:$0x3FB1] =	sst s6  }
0xf: {  	[smem:$0x3FB2] =	sst s7  }
0x10: {  	[smem:$0x3FB3] =	sst s8  }
0x11: {  	[smem:$0x3FB4] =	sst s9;
	s0 =	simm.s32 @!p0 $0x0  }
0x12: {  	s1 =	sld [smem:$0x3F9A];
	s0 =	simm.s32 @p0 $0x1  }
0x13: {  	[smem:$0x3FB5] =	sst s0;
	s0 =	simm.s32 @!p1 $0x0  }
0x14: {  	s2 =	sld [smem:$0x3F99];
	s0 =	simm.s32 @p1 $0x1  }
0x15: {  	[smem:$0x3FB6] =	sst s0;
	s0 =	simm.s32 @!p2 $0x0  }
0x16: {  	s3 =	sld [smem:$0x3FDB];
	s0 =	simm.s32 @p2 $0x1  }
0x17: {  	s4 =	simm.s32 $0x1BF5;
	[smem:$0x3FB8] =	sst s0  }
0x18: {  	s0 =	sld [smem:$0x3F9B];
	_ =	swait.ge [sflag:s4], $0x0  }
0x19: {  	s7 =	sld [smem:$0x3F9C]  }
0x1a: {  	s8 =	sadd.s32 $0xFFFFE003, lr  }
0x1b: {  	s9 =	sadd.s32 $0xFFFFFEF7, lr;
	s5 =	simm.s32 $0xFFFFFFFF;
	p2 =	slt.u32 s8, $0xFFFFF086  }
0x1c: {  	p1 =	slt.u32 s9, $0xF7A;
	s5 =	simm.s32 @!p2 $0x0  }
0x1d: {  	s5 =	simm.s32 @p1 $0x1;
	p0 =	seq.s32 s7, s2  }
0x1e: {  	s7 =	smul.u32 @!p0 $0xF7A, s2;
	p2 =	seq.s32 @!p0 s5, $0x0  }
0x1f: {  	s9 =	smul.u32 $0xF7A, s1;
	s8 =	simm.s32 @!p0 $0x1BF5;
	p2 =	por !p2, p0  }
0x20: {  	[sflag:s8] =	ssyncset.s32 @!p0 $0xFFFFF086;
	s6 =	sadd.s32 @!p0 s3, s7;
	s7 =	simm.s32 @!p0 $0x108  }
0x21: {  	s3 =	sadd.s32 s3, s9;
	s6 =	sadd.s32 @!p0 $0x88, s6;
	s7 =	simm.s32 @p2 $0x1082  }
0x22: {  	[simem:s7], [sflag:s8] =	dma.local @!p0 [hbm:s6], $0xF7A  }
0x23: {  	s9 =	sor.u32 $0xD0000000, s2;
	s6 =	simm.s32 $0x108;
	_ =	swait.ge @!p0 [sflag:s8], $0x0  }
0x24: {  	s3 =	sadd.s32 $0x88, s3;
	s6 =	simm.s32 @!p1 $0x1082;
	[sflag:s4] =	ssyncset.s32 $0xFFFFF086  }
0x25: {  	[simem:s6], [sflag:s4] =	dma.local [hbm:s3], $0xF7A  }
0x26: {  	[smem:$0x3F9C] =	sst s1;
	(tag) =	ssettag s2;
	_ =	strace s9  }
0x27: {  	s1 =	sld [smem:$0x3FAC]  }
0x28: {  	s2 =	sld [smem:$0x3FAD]  }
0x29: {  	s4 =	sld [smem:$0x3FAF]  }
0x2a: {  	p0 =	seq.s32 s5, $0x0;
	s5 =	sld [smem:$0x3FB0]  }
0x2b: {  	s6 =	sld [smem:$0x3FB1]  }
0x2c: {  	s7 =	sld [smem:$0x3FB2]  }
0x2d: {  	s3 =	simm.s32 $0x108;
	s8 =	sld [smem:$0x3FB3]  }
0x2e: {  	s3 =	simm.s32 @!p0 $0x1082;
	s9 =	sld [smem:$0x3FB4]  }
0x2f: {  	lr =	sadd.s32 s0, s3;
	s0 =	sld [smem:$0x3FAB]  }
0x30: {  	s3 =	sld [smem:$0x3FAE]  }
0x31: {  	[smem:$0x3FB7] =	sst s10  }
0x32: {  	s10 =	sld [smem:$0x3FB5];
	_ =	sdelay $0x3  }
0x33: {  	p0 =	seq.s32 s10, $0x1;
	s10 =	sld [smem:$0x3FB7];
	_ =	sdelay $0x3  }
0x34: {  	[smem:$0x3FB7] =	sst s10  }
0x35: {  	s10 =	sld [smem:$0x3FB6];
	_ =	sdelay $0x3  }
0x36: {  	p1 =	seq.s32 s10, $0x1;
	s10 =	sld [smem:$0x3FB7];
	_ =	sdelay $0x3  }
0x37: {  	[smem:$0x3FB7] =	sst s10  }
0x38: {  	s10 =	sld [smem:$0x3FB8]  }
0x39: {  	_ = 	snop;
	(pc) =	sbr.ind lr, $3  }
0x3a: {  	_ = 	snop  }
0x3b: {  	_ = 	snop  }
0x3c: {  	p2 =	seq.s32 s10, $0x1;
	s10 =	sld [smem:$0x3FB7]  }
0x3d: {  	_ =	shalt  }
0x3e: {  	_ =	shalt  }
0x3f: {  	_ =	shalt  }
0x40: {  	_ =	shalt  }
0x41: {  	_ =	shalt  }
0x42: {  	_ =	shalt  }
0x43: {  	_ =	shalt  }
0x44: {  	_ =	shalt  }
0x45: {  	_ =	shalt  }
0x46: {  	_ =	shalt  }
0x47: {  	_ =	shalt  }
0x48: {  	_ =	shalt  }
0x49: {  	_ =	shalt  }
0x4a: {  	_ =	shalt  }
0x4b: {  	_ =	shalt  }
0x4c: {  	_ =	shalt  }
0x4d: {  	_ =	shalt  }
0x4e: {  	_ =	shalt  }
0x4f: {  	_ =	shalt  }
0x50: {  	_ =	shalt  }
0x51: {  	_ =	shalt  }
0x52: {  	_ =	shalt  }
0x53: {  	_ =	shalt  }
0x54: {  	_ =	shalt  }
0x55: {  	_ =	shalt  }
0x56: {  	_ =	shalt  }
0x57: {  	_ =	shalt  }
0x58: {  	_ =	shalt  }
0x59: {  	_ =	shalt  }
0x5a: {  	_ =	shalt  }
0x5b: {  	_ =	shalt  }
0x5c: {  	_ =	shalt  }
0x5d: {  	_ =	shalt  }
0x5e: {  	_ =	shalt  }
0x5f: {  	_ =	shalt  }
0x60: {  	_ =	shalt  }
0x61: {  	_ =	shalt  }
0x62: {  	_ =	shalt  }
0x63: {  	_ =	shalt  }
0x64: {  	_ =	shalt  }
0x65: {  	_ =	shalt  }
0x66: {  	_ =	shalt  }
0x67: {  	_ =	shalt  }
0x68: {  	_ =	shalt  }
0x69: {  	_ =	shalt  }
0x6a: {  	_ =	shalt  }
0x6b: {  	_ =	shalt  }
0x6c: {  	_ =	shalt  }
0x6d: {  	_ =	shalt  }
0x6e: {  	_ =	shalt  }
0x6f: {  	_ =	shalt  }
0x70: {  	_ =	shalt  }
0x71: {  	_ =	shalt  }
0x72: {  	_ =	shalt  }
0x73: {  	_ =	shalt  }
0x74: {  	_ =	shalt  }
0x75: {  	_ =	shalt  }
0x76: {  	_ =	shalt  }
0x77: {  	_ =	shalt  }
0x78: {  	_ =	shalt  }
0x79: {  	_ =	shalt  }
0x7a: {  	_ =	shalt  }
0x7b: {  	_ =	shalt  }
0x7c: {  	_ =	shalt  }
0x7d: {  	_ =	shalt  }
0x7e: {  	_ =	shalt  }
0x7f: {  	_ =	shalt  }
0x80: {  	_ =	shalt  }
0x81: {  	_ =	shalt  }
0x82: {  	_ =	shalt  }
0x83: {  	_ =	shalt  }
0x84: {  	_ =	shalt  }
0x85: {  	_ =	shalt  }
0x86: {  	_ =	shalt  }
0x87: {  	_ =	shalt  }
.Lfunc_end0:
.L_simem_size_0:
called_computation_lowered:
.L_overlay_start_0:
0x88: {  	s2 =	sld [smem:$0x3FD9]  }
0x89: {  	s3 =	sld [smem:$0x3FFE];
	_ =	sdelay $0x1  }
0x8a: {  	s1 =	srdreg.scid  }
0x8b: {  	s0 =	sand.u32 $0x1, s1  }
0x8c: {  	s17 =	sshll.u32 s0, $0xA;
	s2 =	sadd.s32 s3, s2  }
0x8d: {  	s2 =	sadd.s32 s2, s17  }
0x8e: {  	[smem:$0x3FC3] =	sst s2  }
0x8f: {  	_ = 	snop  }
0x90: {  	s2 =	sld [smem:$0x3FC7];
	(tm) =	ssettm $0x1  }
0x91: {  	s18 =	sld [smem:$0x3FFB];
	_ =	sdelay $0x3  }
0x92: {  	_ =	strace s18  }
0x93: {  	s3 =	sld [smem:$0x3FFC];
	_ =	sdelay $0x3  }
0x94: {  	_ =	strace s3  }
0x95: {  	s3 =	sld [smem:$0x3FFD];
	_ =	sdelay $0x3  }
0x96: {  	_ =	strace s3  }
0x97: {  	_ =	strace $0x8FFFFFFF  }
0x98: {  	s19 =	sld [smem:$0x3FDB];
	_ =	sdelay $0x1  }
0x99: {  	s4 =	simm.s32 $_scs_section_size  }
0x9a: {  	s5 =	simm.s32 $_size__tile_overlayer_lowered;
	s6 =	simm.s32 $_tile_overlayer_lowered  }
0x9b: {  	s22 =	simm.s32 $0x1BFF;
	s21 =	sshll.u32 s6, $0x1;
	s3 =	sadd.s32 s4, s19  }
0x9c: {  	s7 =	simm.s32 $0x0;
	s20 =	sshll.u32 s5, $0x1;
	s5 =	sadd.s32 s21, s3  }
0x9d: {  	[timem:s7], [sflag:s22] =	dma.local [hbm:s5], s20  }
0x9e: {  	_ =	swait.ge [sflag:s22], s20  }
0x9f: {  	s4 =	ssub.s32 $0x0, s20;
	[sflag:s22] =	ssyncset.done $0x0  }
0xa0: {  	[sflag:s22] =	ssyncadd.s32 s4;
	_ =	sdelay $0x1  }
0xa1: {  	s23 =	simm.s32 $0x1B8B  }
0xa2: {  	_ =	swait.ge [sflag:s23], $0x1  }
0xa3: {  	[sflag:s23] =	ssyncset.done $0x0  }
0xa4: {  	s25 =	simm.s32 $0x1B8E;
	s24 =	sld [smem:$0x3FFE];
	[sflag:s23] =	ssyncadd.s32 $0xFFFFFFFF  }
0xa5: {  	s26 =	simm.s32 $execute0_lowered;
	[smem:$0x3FD2] =	sst s25  }
0xa6: {  	s5 =	sshll.u32 s26, $0x1;
	_ =	strace $0x80000046;
	[dreg:$0x1] =	wrdreg $0xFFFFFFFF  }
0xa7: {  	s28 =	simm.s32 $_size_execute0_lowered;
	s3 =	sadd.s32 s3, s5;
	[dreg:$0x0] =	wrdreg $0x0  }
0xa8: {  	s5 =	sshll.u32 s28, $0x1;
	[dreg:$0x2] =	wrdreg s3  }
0xa9: {  	[dreg:$0x3] =	wrdreg s5  }
0xaa: {  	[dreg:$0x4] =	wrdreg $0xC0  }
0xab: {  	_ =	task [dreg:s7], $0x5FFFF  }
0xac: {  	[dreg:$0x1] =	wrdreg $0xFFFFFFFF  }
0xad: {  	[dreg:$0x0] =	wrdreg $0x60  }
0xae: {  	[dreg:$0x2] =	wrdreg s24  }
0xaf: {  	[dreg:$0x3] =	wrdreg s2  }
0xb0: {  	[dreg:$0x4] =	wrdreg $0x97800  }
0xb1: {  	[dreg:$0x5] =	wrdreg $0x9  }
0xb2: {  	_ =	task.clear_ibuf [dreg:s7], $0x6FFFF;
	_ =	strace $0x90000046  }
0xb3: {  	s29 =	simm.s32 $0x9;
	_ =	strace $0x80000048  }
0xb4: {  	_ =	swait.ge [sflag:s29], $0x1  }
0xb5: {  	[sflag:s29] =	ssyncadd.s32 $0xFFFFFFFF  }
0xb6: {  	_ =	strace $0x90000048  }
0xb7: {  	_ =	sfence  }
0xb8: {  	s30 =	sld [smem:$0x0];
	_ =	sdelay $0x2  }
0xb9: {  	s31 =	sshll.u32 s1, $0xD;
	s1 =	sshrl.u32 s1, $0x2  }
0xba: {  	s3 =	sand.u32 $0x4000, s31;
	s1 =	sadd.s32 s1, s30  }
0xbb: {  	s0 =	sor.u32 s3, s0;
	s1 =	sshll.u32 s1, $0x11  }
0xbc: {  	s0 =	sor.u32 s1, s0  }
0xbd: {  	s0 =	sadd.s32 $0x8F2B, s0  }
0xbe: {  	[sflag:s0] =	ssyncadd.remote.s32 $0x1  }
0xbf: {  	_ =	sfence.sel $0xFFFF  }
0xc0: {  	[dreg:$0x0] =	wrdreg $0xFFFFFFFF;
	(pc) =	sbr.abs _section_cstart, $3  }
0xc1: {  	[dreg:$0x1] =	wrdreg $0xFFFFFFFF  }
0xc2: {  	_ =	task.clear_ibuf [dreg:s7], $0x2FFFF;
	_ =	strace $0x9FFFFFFF  }
0xc3: {  	(tm) =	ssettm $0x7FFFFFFF  }
tec
execute0_lowered:
.L_overlay_start_1:
0x0: {  	(tag) =	ssettag $0x1  }
0x1: {  	s0 =	rddreg [dreg:$0x0]  }
0x2: {  	s1 =	srdreg.scid;
	s2 =	rddreg [dreg:$0x1]  }
0x3: {  	s3 =	rddreg [dreg:$0x2];
	s17 =	stileid.u32;
	s4 =	simm.s32 $0x0  }
0x4: {  	s29 =	simm.s32 $0x2000;
	s30 =	simm.s32 $0x3;
	s31 =	simm.s32 $0x1000  }
0x5: {  	s1 =	sand.u32 $0x1, s1;
	[smem:$0x7FF] =	sst s4;
	s7 =	sshll.u32 s17, $0x7  }
0x6: {  	s8 =	smul.u32 $0x50000, s17;
	s12 =	sadd.s32 $0x33E00, s0;
	s18 =	sadd.s32 $0x12C000, s3  }
0x7: {  	s14 =	sadd.s32 $0x12E800, s3;
	s15 =	sadd.s32 $0x131000, s3;
	s16 =	smul.u32 $0x14000, s17  }
0x8: {  	s20 =	sadd.s32 $0x133800, s3;
	s21 =	sadd.s32 $0x136000, s3;
	p0 =	seq.s32 s17, $0xF  }
0x9: {  	s5 =	sshll.u32 s1, $0x4;
	_ =	strace $0x80000047;
	s22 =	sand.u32 $0x380, s7  }
0xa: {  	s23 =	ssub.s32 $0x2, s1;
	s1 =	smul.u32 $0x138800, s1;
	s5 =	sor.u32 s17, s5  }
0xb: {  	s24 =	sshrl.u32 s8, $0x2;
	s9 =	sshrl.u32 s23, $0x1;
	s6 =	smul.u32 $0x5000, s5  }
0xc: {  	s5 =	sshrl.u32 s5, $0x3;
	s13 =	ssub.s32 s23, s9;
	s16 =	sadd.s32 s16, s1  }
0xd: {  	s1 =	sshrl.u32 s1, $0x3;
	s5 =	smul.u32 $0x13C00, s5;
	s16 =	sshrl.u32 s16, $0x3  }
0xe: {  	s1 =	sadd.s32 s12, s1;
	s6 =	sshrl.u32 s6, $0x3;
	s16 =	sadd.s32 s12, s16  }
0xf: {  	s12 =	simm.s32 $0x7000;
	s11 =	sadd.s32 s6, s0;
	s5 =	sor.u32 s22, s5  }
0x10: {  	[dreg:$0x8] =	wrdreg s16;
	s25 =	sshrl.u32 s5, $0x3;
	s5 =	sadd.s32 s24, s3  }
0x11: {  	s19 =	sadd.s32 $0x2000, s11;
	s26 =	sadd.s32 $0x16000, s11;
	s22 =	sadd.s32 $0x2200, s11  }
0x12: {  	s23 =	sadd.s32 $0x16200, s11;
	s24 =	sadd.s32 $0x2400, s11;
	[dreg:$0x4] =	wrdreg s19  }
0x13: {  	s0 =	sadd.s32 s25, s0;
	s6 =	sadd.s32 $0x7800, s5;
	[dreg:$0x5] =	wrdreg s26  }
0x14: {  	s7 =	sadd.s32 $0xA000, s5;
	s8 =	sadd.s32 $0xC800, s5;
	[dreg:$0x6] =	wrdreg s22  }
0x15: {  	s9 =	sadd.s32 $0xF000, s5;
	s10 =	sadd.s32 $0x11800, s5;
	[dreg:$0x7] =	wrdreg s23  }
0x16: {  	[dreg:$0x9] =	wrdreg s24;
	s25 =	sadd.s32 $0x16400, s11;
	s26 =	sadd.s32 $0x2600, s11  }
0x17: {  	s22 =	sadd.s32 $0x16800, s11;
	s23 =	sadd.s32 $0x25800, s1;
	s19 =	smov.u32 s18  }
0x18: {  	s28 =	sadd.s32 $0x5000, s5;
	s1 =	simm.s32 $0x4800;
	[dreg:$0xa] =	wrdreg s25  }
0x19: {  	s7 =	smov.u32 @p0 s14;
	s8 =	smov.u32 @p0 s15;
	[dreg:$0xb] =	wrdreg s26  }
0x1a: {  	s9 =	smov.u32 @p0 s20;
	s20 =	sadd.s32 $0x16600, s11;
	s10 =	smov.u32 @p0 s21  }
0x1b: {  	s21 =	sadd.s32 $0x2800, s11;
	s24 =	sadd.s32 $0x2A000, s0;
	s25 =	smax.u32 s13, $0x1  }
0x1c: {  	s6 =	smov.u32 @p0 s18;
	s26 =	sadd.s32 $0x2800, s5;
	s0 =	simm.s32 $0x50  }
0x1d: {  	v0 =	vimm.f32 $0.0e+00;
	v1 =	vimm.f32 $1.000000000e+00;
	s13 =	simm.s32 $0x1;
	s14 =	simm.s32 $0x2;
	s15 =	simm.s32 $0x1C00  }
.LBB2_1:
0x1e: {  	s16 =	simm.s32 $0x0;
	s11 =	simm.s32 $0x0  }
.LBB2_2:
0x1f: {  	p1 =	sne.s32 s11, $0x9FC0  }
.Ltmp0:
0x20: {  	_ = 	snop;
	(pc) =	sbr.rel @p1 .LBB2_2-.Ltmp0, $4  }
0x21: {  	s17 =	sand.u32 $0xFE00, s11  }
0x22: {  	s18 =	sand.u32 $0x70, s16;
	s17 =	sshrl.u32 s17, $0x2  }
0x23: {  	s17 =	sor.u32 s18, s17  }
0x24: {  	s16 =	sadd.s32 $0x10, s16;
	s11 =	sadd.s32 $0x40, s11;
	[tilespmem:s17+$0x2000] =	vst v0  }
0x25: {  	s16 =	simm.s32 $0x40;
	s11 =	simm.s32 $0x0  }
.LBB2_4:
0x26: {  	p1 =	sne.s32 s16, $0x9C00;
	[tilespmem:s11+$0x7000] =	vst v0;
	s11 =	smov.u32 s16;
	s16 =	sadd.s32 $0x40, s16  }
.Ltmp1:
0x27: {  	(pc) =	sbr.rel @p1 .LBB2_4-.Ltmp1, $2  }
0x28: {  	_ =	sdelay $0x2  }
0x29: {  	s11 =	sshra.s32 s11, $0x2  }
0x2a: {  	[tilespmem:s11+$0x7000] =	vst v0;
	s11 =	simm.s32 @!p0 $0x2000;
	s16 =	simm.s32 @!p0 $0x3  }
0x2b: {  	[spmem:s5] =	stream.linear.scatter @!p0 [tilespmem:s11], [sflag:$0x3], $0x2800, $0x38;
	[tilespmem:$0x1D000] =	vst v63  }
0x2c: {  	_ =	swait.ge @!p0 [sflag:s16], $0x2800  }
0x2d: {  	[sflag:s16] =	ssyncset.done @!p0 $0x0  }
0x2e: {  	[sflag:s16] =	ssyncadd.s32 @!p0 $0xFFFFD800  }
0x2f: {  	[spmem:s26] =	stream.linear.scatter @!p0 [tilespmem:s11], [sflag:$0x3], $0x2800, $0x38;
	[tilespmem:$0x1D000] =	vst v63  }
0x30: {  	_ =	swait.ge @!p0 [sflag:s16], $0x2800  }
0x31: {  	[sflag:s16] =	ssyncset.done @!p0 $0x0  }
0x32: {  	[sflag:s16] =	ssyncadd.s32 @!p0 $0xFFFFD800  }
0x33: {  	[spmem:s28] =	stream.linear.scatter @!p0 [tilespmem:s11], [sflag:$0x3], $0x2800, $0x38;
	[tilespmem:$0x1D000] =	vst v63  }
0x34: {  	_ =	swait.ge @!p0 [sflag:s16], $0x2800  }
0x35: {  	[sflag:s16] =	ssyncset.done @!p0 $0x0  }
0x36: {  	[sflag:s16] =	ssyncadd.s32 @!p0 $0xFFFFD800  }
0x37: {  	[spmem:s6] =	stream.linear.scatter [tilespmem:s29], [sflag:$0x3], $0x2800, $0x38;
	[tilespmem:$0x1D000] =	vst v63  }
0x38: {  	_ =	swait.ge [sflag:s30], $0x2800  }
0x39: {  	[sflag:s30] =	ssyncset.done $0x0  }
0x3a: {  	[sflag:s30] =	ssyncadd.s32 $0xFFFFD800  }
0x3b: {  	[spmem:s7] =	stream.linear.scatter [tilespmem:s29], [sflag:$0x3], $0x2800, $0x38;
	[tilespmem:$0x1D000] =	vst v63  }
0x3c: {  	_ =	swait.ge [sflag:s30], $0x2800  }
0x3d: {  	[sflag:s30] =	ssyncset.done $0x0  }
0x3e: {  	[sflag:s30] =	ssyncadd.s32 $0xFFFFD800  }
0x3f: {  	[spmem:s8] =	stream.linear.scatter [tilespmem:s29], [sflag:$0x3], $0x2800, $0x38;
	[tilespmem:$0x1D000] =	vst v63  }
0x40: {  	_ =	swait.ge [sflag:s30], $0x2800  }
0x41: {  	[sflag:s30] =	ssyncset.done $0x0  }
0x42: {  	[sflag:s30] =	ssyncadd.s32 $0xFFFFD800  }
0x43: {  	[spmem:s9] =	stream.linear.scatter [tilespmem:s29], [sflag:$0x3], $0x2800, $0x38;
	[tilespmem:$0x1D000] =	vst v63  }
0x44: {  	_ =	swait.ge [sflag:s30], $0x2800  }
0x45: {  	[sflag:s30] =	ssyncset.done $0x0  }
0x46: {  	[sflag:s30] =	ssyncadd.s32 $0xFFFFD800  }
0x47: {  	[spmem:s10] =	stream.linear.scatter [tilespmem:s29], [sflag:$0x3], $0x2800, $0x38;
	[tilespmem:$0x1D000] =	vst v63  }
0x48: {  	_ =	swait.ge [sflag:s30], $0x2800  }
0x49: {  	[sflag:s30] =	ssyncset.done $0x0  }
0x4a: {  	[sflag:s30] =	ssyncadd.s32 $0xFFFFD800  }
0x4b: {  	[bflag:$0x0] =	sbarrier.arrive $0xFFFF  }
0x4c: {  	s16 =	simm.s32 $0x0;
	s17 =	rddreg [dreg:$0x4]  }
0x4d: {  	[tilespmem:s16], [sflag:$0x3] =	stream.linear.gather [hbm4b:s17+s16], $0xC80, $0x38;
	[tilespmem:$0x1D000] =	vst v63  }
0x4e: {  	_ =	swait.ge [sflag:s30], $0xC80  }
0x4f: {  	[sflag:s30] =	ssyncset.done $0x0  }
0x50: {  	s18 =	rddreg [dreg:$0x5];
	[sflag:s30] =	ssyncadd.s32 $0xFFFFF380  }
0x51: {  	[tilespmem:s31], [sflag:$0x3] =	stream.linear.gather [hbm4b:s18+s16], $0xC80, $0x38;
	[tilespmem:$0x1D000] =	vst v63  }
0x52: {  	_ =	swait.ge [sflag:s30], $0xC80  }
0x53: {  	[sflag:s30] =	ssyncset.done $0x0  }
0x54: {  	[sflag:s30] =	ssyncadd.s32 $0xFFFFF380  }
0x55: {  	[tilespmem:s29], [sflag:$0x1] =	stream.indirect.gather [hbm4b:s2+s0], $0x80, s16, s0, $0xb8;
	[tilespmem:$0x1D000] =	vst v63  }
.LBB2_6:
0x56: {  	s11 =	sshra.s32 s16, $0x2  }
0x57: {  	s17 =	sadd.s32 $0x80, s11  }
0x58: {  	[tilespmem:s1], [sflag:$0x2] =	stream.indirect.gather [hbm4b:s2+s0], $0x80, s17, s0, $0xb8;
	[tilespmem:$0x1D000] =	vst v63  }
0x59: {  	v2 =	vld [tilespmem:s11+$0x1000];
	_ =	sdelay $0x7  }
0x5a: {  	[tilespmem:v2+s12+$0x0] =	vst.idx.add.f32.msk $0xffff, v1  }
0x5b: {  	v2 =	vld [tilespmem:s11+$0x1010];
	_ =	sdelay $0x7  }
0x5c: {  	[tilespmem:v2+s12+$0x0] =	vst.idx.add.f32.msk $0xffff, v1  }
0x5d: {  	v2 =	vld [tilespmem:s11+$0x1020];
	_ =	sdelay $0x7  }
0x5e: {  	[tilespmem:v2+s12+$0x0] =	vst.idx.add.f32.msk $0xffff, v1  }
0x5f: {  	v2 =	vld [tilespmem:s11+$0x1030];
	_ =	sdelay $0x7  }
0x60: {  	[tilespmem:v2+s12+$0x0] =	vst.idx.add.f32.msk $0xffff, v1  }
0x61: {  	v2 =	vld [tilespmem:s11+$0x1040];
	_ =	sdelay $0x7  }
0x62: {  	[tilespmem:v2+s12+$0x0] =	vst.idx.add.f32.msk $0xffff, v1  }
0x63: {  	_ =	swait.ge [sflag:s13], $0x2800  }
0x64: {  	[sflag:s13] =	ssyncset.done $0x0  }
0x65: {  	s18 =	sadd.s32 $0x1000, s11;
	[sflag:s13] =	ssyncadd.s32 $0xFFFFD800  }
0x66: {  	[spmem:s3] =	stream.indirect.scatter.add.f32 [tilespmem:s29], [sflag:$0x3], $0x80, s18, s0, $0xb8;
	[tilespmem:$0x1D000] =	vst v63  }
0x67: {  	_ =	swait.ge [sflag:s30], $0x2800  }
0x68: {  	[sflag:s30] =	ssyncset.done $0x0  }
0x69: {  	s18 =	sadd.s32 $0x100, s11;
	[sflag:s30] =	ssyncadd.s32 $0xFFFFD800  }
0x6a: {  	[tilespmem:s29], [sflag:$0x1] =	stream.indirect.gather [hbm4b:s2+s0], $0x80, s18, s0, $0xb8;
	[tilespmem:$0x1D000] =	vst v63  }
0x6b: {  	v2 =	vld [tilespmem:s11+$0x1080];
	_ =	sdelay $0x7  }
0x6c: {  	[tilespmem:v2+s12+$0x0] =	vst.idx.add.f32.msk $0xffff, v1  }
0x6d: {  	v2 =	vld [tilespmem:s11+$0x1090];
	_ =	sdelay $0x7  }
0x6e: {  	[tilespmem:v2+s12+$0x0] =	vst.idx.add.f32.msk $0xffff, v1  }
0x6f: {  	v2 =	vld [tilespmem:s11+$0x10A0];
	_ =	sdelay $0x7  }
0x70: {  	[tilespmem:v2+s12+$0x0] =	vst.idx.add.f32.msk $0xffff, v1  }
0x71: {  	v2 =	vld [tilespmem:s11+$0x10B0];
	_ =	sdelay $0x7  }
0x72: {  	[tilespmem:v2+s12+$0x0] =	vst.idx.add.f32.msk $0xffff, v1  }
0x73: {  	v2 =	vld [tilespmem:s11+$0x10C0];
	_ =	sdelay $0x7  }
0x74: {  	[tilespmem:v2+s12+$0x0] =	vst.idx.add.f32.msk $0xffff, v1  }
0x75: {  	_ =	swait.ge [sflag:s14], $0x2800  }
0x76: {  	p1 =	sne.s32 s16, $0x2C00;
	[sflag:s14] =	ssyncset.done $0x0  }
.Ltmp2:
0x77: {  	s11 =	sadd.s32 $0x1080, s11;
	[sflag:s14] =	ssyncadd.s32 $0xFFFFD800;
	(pc) =	sbr.rel @p1 .LBB2_6-.Ltmp2, $4  }
0x78: {  	[spmem:s3] =	stream.indirect.scatter.add.f32 [tilespmem:s1], [sflag:$0x3], $0x80, s11, s0, $0xb8;
	[tilespmem:$0x1D000] =	vst v63  }
0x79: {  	_ =	swait.ge [sflag:s30], $0x2800  }
0x7a: {  	[sflag:s30] =	ssyncset.done $0x0  }
0x7b: {  	s16 =	sadd.s32 $0x400, s16;
	[sflag:s30] =	ssyncadd.s32 $0xFFFFD800  }
0x7c: {  	v2 =	vld [tilespmem:$0x1C00];
	_ =	sdelay $0x7  }
0x7d: {  	[tilespmem:v2+s12+$0x0] =	vst.idx.add.f32.msk $0xffff, v1  }
0x7e: {  	v2 =	vld [tilespmem:$0x1C10];
	_ =	sdelay $0x7  }
0x7f: {  	[tilespmem:v2+s12+$0x0] =	vst.idx.add.f32.msk $0xffff, v1  }
0x80: {  	v2 =	vld [tilespmem:$0x1C20];
	_ =	sdelay $0x7  }
0x81: {  	[tilespmem:v2+s12+$0x0] =	vst.idx.add.f32.msk $0xffff, v1  }
0x82: {  	v2 =	vld [tilespmem:$0x1C30];
	_ =	sdelay $0x7  }
0x83: {  	[tilespmem:v2+s12+$0x0] =	vst.idx.add.f32.msk $0xffff, v1  }
0x84: {  	v2 =	vld [tilespmem:$0x1C40];
	_ =	sdelay $0x7  }
0x85: {  	[tilespmem:v2+s12+$0x0] =	vst.idx.add.f32.msk $0xffff, v1  }
0x86: {  	_ =	swait.ge [sflag:s13], $0x2800  }
0x87: {  	[sflag:s13] =	ssyncset.done $0x0  }
0x88: {  	[sflag:s13] =	ssyncadd.s32 $0xFFFFD800  }
0x89: {  	[spmem:s3] =	stream.indirect.scatter.add.f32 [tilespmem:s29], [sflag:$0x3], $0x80, s15, s0, $0xb8;
	[tilespmem:$0x1D000] =	vst v63  }
0x8a: {  	_ =	swait.ge [sflag:s30], $0x2800  }
0x8b: {  	[sflag:s30] =	ssyncset.done $0x0  }
0x8c: {  	s16 =	simm.s32 $0x0;
	s11 =	rddreg [dreg:$0x6];
	[sflag:s30] =	ssyncadd.s32 $0xFFFFD800  }
0x8d: {  	[tilespmem:s16], [sflag:$0x3] =	stream.linear.gather [hbm4b:s11+s16], $0xC80, $0x38;
	[tilespmem:$0x1D000] =	vst v63  }
0x8e: {  	_ =	swait.ge [sflag:s30], $0xC80  }
0x8f: {  	[sflag:s30] =	ssyncset.done $0x0  }
0x90: {  	s18 =	rddreg [dreg:$0x7];
	[sflag:s30] =	ssyncadd.s32 $0xFFFFF380  }
0x91: {  	[tilespmem:s31], [sflag:$0x3] =	stream.linear.gather [hbm4b:s18+s16], $0xC80, $0x38;
	[tilespmem:$0x1D000] =	vst v63  }
0x92: {  	_ =	swait.ge [sflag:s30], $0xC80  }
0x93: {  	[sflag:s30] =	ssyncset.done $0x0  }
0x94: {  	[sflag:s30] =	ssyncadd.s32 $0xFFFFF380  }
0x95: {  	[tilespmem:s29], [sflag:$0x1] =	stream.indirect.gather [hbm4b:s2+s0], $0x80, s16, s0, $0xb8;
	[tilespmem:$0x1D000] =	vst v63  }
.LBB2_8:
0x96: {  	s11 =	sshra.s32 s16, $0x2  }
0x97: {  	s17 =	sadd.s32 $0x80, s11  }
0x98: {  	[tilespmem:s1], [sflag:$0x2] =	stream.indirect.gather [hbm4b:s2+s0], $0x80, s17, s0, $0xb8;
	[tilespmem:$0x1D000] =	vst v63  }
0x99: {  	v2 =	vld [tilespmem:s11+$0x1000];
	_ =	sdelay $0x7  }
0x9a: {  	[tilespmem:v2+s12+$0x0] =	vst.idx.add.f32.msk $0xffff, v1  }
0x9b: {  	v2 =	vld [tilespmem:s11+$0x1010];
	_ =	sdelay $0x7  }
0x9c: {  	[tilespmem:v2+s12+$0x0] =	vst.idx.add.f32.msk $0xffff, v1  }
0x9d: {  	v2 =	vld [tilespmem:s11+$0x1020];
	_ =	sdelay $0x7  }
0x9e: {  	[tilespmem:v2+s12+$0x0] =	vst.idx.add.f32.msk $0xffff, v1  }
0x9f: {  	v2 =	vld [tilespmem:s11+$0x1030];
	_ =	sdelay $0x7  }
0xa0: {  	[tilespmem:v2+s12+$0x0] =	vst.idx.add.f32.msk $0xffff, v1  }
0xa1: {  	v2 =	vld [tilespmem:s11+$0x1040];
	_ =	sdelay $0x7  }
0xa2: {  	[tilespmem:v2+s12+$0x0] =	vst.idx.add.f32.msk $0xffff, v1  }
0xa3: {  	_ =	swait.ge [sflag:s13], $0x2800  }
0xa4: {  	[sflag:s13] =	ssyncset.done $0x0  }
0xa5: {  	s18 =	sadd.s32 $0x1000, s11;
	[sflag:s13] =	ssyncadd.s32 $0xFFFFD800  }
0xa6: {  	[spmem:s3] =	stream.indirect.scatter.add.f32 [tilespmem:s29], [sflag:$0x3], $0x80, s18, s0, $0xb8;
	[tilespmem:$0x1D000] =	vst v63  }
0xa7: {  	_ =	swait.ge [sflag:s30], $0x2800  }
0xa8: {  	[sflag:s30] =	ssyncset.done $0x0  }
0xa9: {  	s18 =	sadd.s32 $0x100, s11;
	[sflag:s30] =	ssyncadd.s32 $0xFFFFD800  }
0xaa: {  	[tilespmem:s29], [sflag:$0x1] =	stream.indirect.gather [hbm4b:s2+s0], $0x80, s18, s0, $0xb8;
	[tilespmem:$0x1D000] =	vst v63  }
0xab: {  	v2 =	vld [tilespmem:s11+$0x1080];
	_ =	sdelay $0x7  }
0xac: {  	[tilespmem:v2+s12+$0x0] =	vst.idx.add.f32.msk $0xffff, v1  }
0xad: {  	v2 =	vld [tilespmem:s11+$0x1090];
	_ =	sdelay $0x7  }
0xae: {  	[tilespmem:v2+s12+$0x0] =	vst.idx.add.f32.msk $0xffff, v1  }
0xaf: {  	v2 =	vld [tilespmem:s11+$0x10A0];
	_ =	sdelay $0x7  }
0xb0: {  	[tilespmem:v2+s12+$0x0] =	vst.idx.add.f32.msk $0xffff, v1  }
0xb1: {  	v2 =	vld [tilespmem:s11+$0x10B0];
	_ =	sdelay $0x7  }
0xb2: {  	[tilespmem:v2+s12+$0x0] =	vst.idx.add.f32.msk $0xffff, v1  }
0xb3: {  	v2 =	vld [tilespmem:s11+$0x10C0];
	_ =	sdelay $0x7  }
0xb4: {  	[tilespmem:v2+s12+$0x0] =	vst.idx.add.f32.msk $0xffff, v1  }
0xb5: {  	_ =	swait.ge [sflag:s14], $0x2800  }
0xb6: {  	p1 =	sne.s32 s16, $0x2C00;
	[sflag:s14] =	ssyncset.done $0x0  }
.Ltmp3:
0xb7: {  	s11 =	sadd.s32 $0x1080, s11;
	[sflag:s14] =	ssyncadd.s32 $0xFFFFD800;
	(pc) =	sbr.rel @p1 .LBB2_8-.Ltmp3, $4  }
0xb8: {  	[spmem:s3] =	stream.indirect.scatter.add.f32 [tilespmem:s1], [sflag:$0x3], $0x80, s11, s0, $0xb8;
	[tilespmem:$0x1D000] =	vst v63  }
0xb9: {  	_ =	swait.ge [sflag:s30], $0x2800  }
0xba: {  	[sflag:s30] =	ssyncset.done $0x0  }
0xbb: {  	s16 =	sadd.s32 $0x400, s16;
	[sflag:s30] =	ssyncadd.s32 $0xFFFFD800  }
0xbc: {  	v2 =	vld [tilespmem:$0x1C00];
	_ =	sdelay $0x7  }
0xbd: {  	[tilespmem:v2+s12+$0x0] =	vst.idx.add.f32.msk $0xffff, v1  }
0xbe: {  	v2 =	vld [tilespmem:$0x1C10];
	_ =	sdelay $0x7  }
0xbf: {  	[tilespmem:v2+s12+$0x0] =	vst.idx.add.f32.msk $0xffff, v1  }
0xc0: {  	v2 =	vld [tilespmem:$0x1C20];
	_ =	sdelay $0x7  }
0xc1: {  	[tilespmem:v2+s12+$0x0] =	vst.idx.add.f32.msk $0xffff, v1  }
0xc2: {  	v2 =	vld [tilespmem:$0x1C30];
	_ =	sdelay $0x7  }
0xc3: {  	[tilespmem:v2+s12+$0x0] =	vst.idx.add.f32.msk $0xffff, v1  }
0xc4: {  	v2 =	vld [tilespmem:$0x1C40];
	_ =	sdelay $0x7  }
0xc5: {  	[tilespmem:v2+s12+$0x0] =	vst.idx.add.f32.msk $0xffff, v1  }
0xc6: {  	_ =	swait.ge [sflag:s13], $0x2800  }
0xc7: {  	[sflag:s13] =	ssyncset.done $0x0  }
0xc8: {  	[sflag:s13] =	ssyncadd.s32 $0xFFFFD800  }
0xc9: {  	[spmem:s3] =	stream.indirect.scatter.add.f32 [tilespmem:s29], [sflag:$0x3], $0x80, s15, s0, $0xb8;
	[tilespmem:$0x1D000] =	vst v63  }
0xca: {  	_ =	swait.ge [sflag:s30], $0x2800  }
0xcb: {  	[sflag:s30] =	ssyncset.done $0x0  }
0xcc: {  	s16 =	simm.s32 $0x0;
	s11 =	rddreg [dreg:$0x9];
	[sflag:s30] =	ssyncadd.s32 $0xFFFFD800  }
0xcd: {  	[tilespmem:s16], [sflag:$0x3] =	stream.linear.gather [hbm4b:s11+s16], $0xC80, $0x38;
	[tilespmem:$0x1D000] =	vst v63  }
0xce: {  	_ =	swait.ge [sflag:s30], $0xC80  }
0xcf: {  	[sflag:s30] =	ssyncset.done $0x0  }
0xd0: {  	s18 =	rddreg [dreg:$0xa];
	[sflag:s30] =	ssyncadd.s32 $0xFFFFF380  }
0xd1: {  	[tilespmem:s31], [sflag:$0x3] =	stream.linear.gather [hbm4b:s18+s16], $0xC80, $0x38;
	[tilespmem:$0x1D000] =	vst v63  }
0xd2: {  	_ =	swait.ge [sflag:s30], $0xC80  }
0xd3: {  	[sflag:s30] =	ssyncset.done $0x0  }
0xd4: {  	[sflag:s30] =	ssyncadd.s32 $0xFFFFF380  }
0xd5: {  	[tilespmem:s29], [sflag:$0x1] =	stream.indirect.gather [hbm4b:s2+s0], $0x80, s16, s0, $0xb8;
	[tilespmem:$0x1D000] =	vst v63  }
.LBB2_10:
0xd6: {  	s11 =	sshra.s32 s16, $0x2  }
0xd7: {  	s17 =	sadd.s32 $0x80, s11  }
0xd8: {  	[tilespmem:s1], [sflag:$0x2] =	stream.indirect.gather [hbm4b:s2+s0], $0x80, s17, s0, $0xb8;
	[tilespmem:$0x1D000] =	vst v63  }
0xd9: {  	v2 =	vld [tilespmem:s11+$0x1000];
	_ =	sdelay $0x7  }
0xda: {  	[tilespmem:v2+s12+$0x0] =	vst.idx.add.f32.msk $0xffff, v1  }
0xdb: {  	v2 =	vld [tilespmem:s11+$0x1010];
	_ =	sdelay $0x7  }
0xdc: {  	[tilespmem:v2+s12+$0x0] =	vst.idx.add.f32.msk $0xffff, v1  }
0xdd: {  	v2 =	vld [tilespmem:s11+$0x1020];
	_ =	sdelay $0x7  }
0xde: {  	[tilespmem:v2+s12+$0x0] =	vst.idx.add.f32.msk $0xffff, v1  }
0xdf: {  	v2 =	vld [tilespmem:s11+$0x1030];
	_ =	sdelay $0x7  }
0xe0: {  	[tilespmem:v2+s12+$0x0] =	vst.idx.add.f32.msk $0xffff, v1  }
0xe1: {  	v2 =	vld [tilespmem:s11+$0x1040];
	_ =	sdelay $0x7  }
0xe2: {  	[tilespmem:v2+s12+$0x0] =	vst.idx.add.f32.msk $0xffff, v1  }
0xe3: {  	_ =	swait.ge [sflag:s13], $0x2800  }
0xe4: {  	[sflag:s13] =	ssyncset.done $0x0  }
0xe5: {  	s18 =	sadd.s32 $0x1000, s11;
	[sflag:s13] =	ssyncadd.s32 $0xFFFFD800  }
0xe6: {  	[spmem:s3] =	stream.indirect.scatter.add.f32 [tilespmem:s29], [sflag:$0x3], $0x80, s18, s0, $0xb8;
	[tilespmem:$0x1D000] =	vst v63  }
0xe7: {  	_ =	swait.ge [sflag:s30], $0x2800  }
0xe8: {  	[sflag:s30] =	ssyncset.done $0x0  }
0xe9: {  	s18 =	sadd.s32 $0x100, s11;
	[sflag:s30] =	ssyncadd.s32 $0xFFFFD800  }
0xea: {  	[tilespmem:s29], [sflag:$0x1] =	stream.indirect.gather [hbm4b:s2+s0], $0x80, s18, s0, $0xb8;
	[tilespmem:$0x1D000] =	vst v63  }
0xeb: {  	v2 =	vld [tilespmem:s11+$0x1080];
	_ =	sdelay $0x7  }
0xec: {  	[tilespmem:v2+s12+$0x0] =	vst.idx.add.f32.msk $0xffff, v1  }
0xed: {  	v2 =	vld [tilespmem:s11+$0x1090];
	_ =	sdelay $0x7  }
0xee: {  	[tilespmem:v2+s12+$0x0] =	vst.idx.add.f32.msk $0xffff, v1  }
0xef: {  	v2 =	vld [tilespmem:s11+$0x10A0];
	_ =	sdelay $0x7  }
0xf0: {  	[tilespmem:v2+s12+$0x0] =	vst.idx.add.f32.msk $0xffff, v1  }
0xf1: {  	v2 =	vld [tilespmem:s11+$0x10B0];
	_ =	sdelay $0x7  }
0xf2: {  	[tilespmem:v2+s12+$0x0] =	vst.idx.add.f32.msk $0xffff, v1  }
0xf3: {  	v2 =	vld [tilespmem:s11+$0x10C0];
	_ =	sdelay $0x7  }
0xf4: {  	[tilespmem:v2+s12+$0x0] =	vst.idx.add.f32.msk $0xffff, v1  }
0xf5: {  	_ =	swait.ge [sflag:s14], $0x2800  }
0xf6: {  	p1 =	sne.s32 s16, $0x2C00;
	[sflag:s14] =	ssyncset.done $0x0  }
.Ltmp4:
0xf7: {  	s11 =	sadd.s32 $0x1080, s11;
	[sflag:s14] =	ssyncadd.s32 $0xFFFFD800;
	(pc) =	sbr.rel @p1 .LBB2_10-.Ltmp4, $4  }
0xf8: {  	[spmem:s3] =	stream.indirect.scatter.add.f32 [tilespmem:s1], [sflag:$0x3], $0x80, s11, s0, $0xb8;
	[tilespmem:$0x1D000] =	vst v63  }
0xf9: {  	_ =	swait.ge [sflag:s30], $0x2800  }
0xfa: {  	[sflag:s30] =	ssyncset.done $0x0  }
0xfb: {  	s16 =	sadd.s32 $0x400, s16;
	[sflag:s30] =	ssyncadd.s32 $0xFFFFD800  }
0xfc: {  	v2 =	vld [tilespmem:$0x1C00];
	_ =	sdelay $0x7  }
0xfd: {  	[tilespmem:v2+s12+$0x0] =	vst.idx.add.f32.msk $0xffff, v1  }
0xfe: {  	v2 =	vld [tilespmem:$0x1C10];
	_ =	sdelay $0x7  }
0xff: {  	[tilespmem:v2+s12+$0x0] =	vst.idx.add.f32.msk $0xffff, v1  }
0x100: {  	v2 =	vld [tilespmem:$0x1C20];
	_ =	sdelay $0x7  }
0x101: {  	[tilespmem:v2+s12+$0x0] =	vst.idx.add.f32.msk $0xffff, v1  }
0x102: {  	v2 =	vld [tilespmem:$0x1C30];
	_ =	sdelay $0x7  }
0x103: {  	[tilespmem:v2+s12+$0x0] =	vst.idx.add.f32.msk $0xffff, v1  }
0x104: {  	v2 =	vld [tilespmem:$0x1C40];
	_ =	sdelay $0x7  }
0x105: {  	[tilespmem:v2+s12+$0x0] =	vst.idx.add.f32.msk $0xffff, v1  }
0x106: {  	_ =	swait.ge [sflag:s13], $0x2800  }
0x107: {  	[sflag:s13] =	ssyncset.done $0x0  }
0x108: {  	[sflag:s13] =	ssyncadd.s32 $0xFFFFD800  }
0x109: {  	[spmem:s3] =	stream.indirect.scatter.add.f32 [tilespmem:s29], [sflag:$0x3], $0x80, s15, s0, $0xb8;
	[tilespmem:$0x1D000] =	vst v63  }
0x10a: {  	_ =	swait.ge [sflag:s30], $0x2800  }
0x10b: {  	[sflag:s30] =	ssyncset.done $0x0  }
0x10c: {  	s16 =	simm.s32 $0x0;
	s11 =	rddreg [dreg:$0xb];
	[sflag:s30] =	ssyncadd.s32 $0xFFFFD800  }
0x10d: {  	[tilespmem:s16], [sflag:$0x3] =	stream.linear.gather [hbm4b:s11+s16], $0xC80, $0x38;
	[tilespmem:$0x1D000] =	vst v63  }
0x10e: {  	_ =	swait.ge [sflag:s30], $0xC80  }
0x10f: {  	[sflag:s30] =	ssyncset.done $0x0  }
0x110: {  	[sflag:s30] =	ssyncadd.s32 $0xFFFFF380  }
0x111: {  	[tilespmem:s31], [sflag:$0x3] =	stream.linear.gather [hbm4b:s20+s16], $0xC80, $0x38;
	[tilespmem:$0x1D000] =	vst v63  }
0x112: {  	_ =	swait.ge [sflag:s30], $0xC80  }
0x113: {  	[sflag:s30] =	ssyncset.done $0x0  }
0x114: {  	[sflag:s30] =	ssyncadd.s32 $0xFFFFF380  }
0x115: {  	[tilespmem:s29], [sflag:$0x1] =	stream.indirect.gather [hbm4b:s2+s0], $0x80, s16, s0, $0xb8;
	[tilespmem:$0x1D000] =	vst v63  }
.LBB2_12:
0x116: {  	s11 =	sshra.s32 s16, $0x2  }
0x117: {  	s17 =	sadd.s32 $0x80, s11  }
0x118: {  	[tilespmem:s1], [sflag:$0x2] =	stream.indirect.gather [hbm4b:s2+s0], $0x80, s17, s0, $0xb8;
	[tilespmem:$0x1D000] =	vst v63  }
0x119: {  	v2 =	vld [tilespmem:s11+$0x1000];
	_ =	sdelay $0x7  }
0x11a: {  	[tilespmem:v2+s12+$0x0] =	vst.idx.add.f32.msk $0xffff, v1  }
0x11b: {  	v2 =	vld [tilespmem:s11+$0x1010];
	_ =	sdelay $0x7  }
0x11c: {  	[tilespmem:v2+s12+$0x0] =	vst.idx.add.f32.msk $0xffff, v1  }
0x11d: {  	v2 =	vld [tilespmem:s11+$0x1020];
	_ =	sdelay $0x7  }
0x11e: {  	[tilespmem:v2+s12+$0x0] =	vst.idx.add.f32.msk $0xffff, v1  }
0x11f: {  	v2 =	vld [tilespmem:s11+$0x1030];
	_ =	sdelay $0x7  }
0x120: {  	[tilespmem:v2+s12+$0x0] =	vst.idx.add.f32.msk $0xffff, v1  }
0x121: {  	v2 =	vld [tilespmem:s11+$0x1040];
	_ =	sdelay $0x7  }
0x122: {  	[tilespmem:v2+s12+$0x0] =	vst.idx.add.f32.msk $0xffff, v1  }
0x123: {  	_ =	swait.ge [sflag:s13], $0x2800  }
0x124: {  	[sflag:s13] =	ssyncset.done $0x0  }
0x125: {  	s18 =	sadd.s32 $0x1000, s11;
	[sflag:s13] =	ssyncadd.s32 $0xFFFFD800  }
0x126: {  	[spmem:s3] =	stream.indirect.scatter.add.f32 [tilespmem:s29], [sflag:$0x3], $0x80, s18, s0, $0xb8;
	[tilespmem:$0x1D000] =	vst v63  }
0x127: {  	_ =	swait.ge [sflag:s30], $0x2800  }
0x128: {  	[sflag:s30] =	ssyncset.done $0x0  }
0x129: {  	s18 =	sadd.s32 $0x100, s11;
	[sflag:s30] =	ssyncadd.s32 $0xFFFFD800  }
0x12a: {  	[tilespmem:s29], [sflag:$0x1] =	stream.indirect.gather [hbm4b:s2+s0], $0x80, s18, s0, $0xb8;
	[tilespmem:$0x1D000] =	vst v63  }
0x12b: {  	v2 =	vld [tilespmem:s11+$0x1080];
	_ =	sdelay $0x7  }
0x12c: {  	[tilespmem:v2+s12+$0x0] =	vst.idx.add.f32.msk $0xffff, v1  }
0x12d: {  	v2 =	vld [tilespmem:s11+$0x1090];
	_ =	sdelay $0x7  }
0x12e: {  	[tilespmem:v2+s12+$0x0] =	vst.idx.add.f32.msk $0xffff, v1  }
0x12f: {  	v2 =	vld [tilespmem:s11+$0x10A0];
	_ =	sdelay $0x7  }
0x130: {  	[tilespmem:v2+s12+$0x0] =	vst.idx.add.f32.msk $0xffff, v1  }
0x131: {  	v2 =	vld [tilespmem:s11+$0x10B0];
	_ =	sdelay $0x7  }
0x132: {  	[tilespmem:v2+s12+$0x0] =	vst.idx.add.f32.msk $0xffff, v1  }
0x133: {  	v2 =	vld [tilespmem:s11+$0x10C0];
	_ =	sdelay $0x7  }
0x134: {  	[tilespmem:v2+s12+$0x0] =	vst.idx.add.f32.msk $0xffff, v1  }
0x135: {  	_ =	swait.ge [sflag:s14], $0x2800  }
0x136: {  	p1 =	sne.s32 s16, $0x2C00;
	[sflag:s14] =	ssyncset.done $0x0  }
.Ltmp5:
0x137: {  	s11 =	sadd.s32 $0x1080, s11;
	[sflag:s14] =	ssyncadd.s32 $0xFFFFD800;
	(pc) =	sbr.rel @p1 .LBB2_12-.Ltmp5, $4  }
0x138: {  	[spmem:s3] =	stream.indirect.scatter.add.f32 [tilespmem:s1], [sflag:$0x3], $0x80, s11, s0, $0xb8;
	[tilespmem:$0x1D000] =	vst v63  }
0x139: {  	_ =	swait.ge [sflag:s30], $0x2800  }
0x13a: {  	[sflag:s30] =	ssyncset.done $0x0  }
0x13b: {  	s16 =	sadd.s32 $0x400, s16;
	[sflag:s30] =	ssyncadd.s32 $0xFFFFD800  }
0x13c: {  	v2 =	vld [tilespmem:$0x1C00];
	_ =	sdelay $0x7  }
0x13d: {  	[tilespmem:v2+s12+$0x0] =	vst.idx.add.f32.msk $0xffff, v1  }
0x13e: {  	v2 =	vld [tilespmem:$0x1C10];
	_ =	sdelay $0x7  }
0x13f: {  	[tilespmem:v2+s12+$0x0] =	vst.idx.add.f32.msk $0xffff, v1  }
0x140: {  	v2 =	vld [tilespmem:$0x1C20];
	_ =	sdelay $0x7  }
0x141: {  	[tilespmem:v2+s12+$0x0] =	vst.idx.add.f32.msk $0xffff, v1  }
0x142: {  	v2 =	vld [tilespmem:$0x1C30];
	_ =	sdelay $0x7  }
0x143: {  	[tilespmem:v2+s12+$0x0] =	vst.idx.add.f32.msk $0xffff, v1  }
0x144: {  	v2 =	vld [tilespmem:$0x1C40];
	_ =	sdelay $0x7  }
0x145: {  	[tilespmem:v2+s12+$0x0] =	vst.idx.add.f32.msk $0xffff, v1  }
0x146: {  	_ =	swait.ge [sflag:s13], $0x2800  }
0x147: {  	[sflag:s13] =	ssyncset.done $0x0  }
0x148: {  	[sflag:s13] =	ssyncadd.s32 $0xFFFFD800  }
0x149: {  	[spmem:s3] =	stream.indirect.scatter.add.f32 [tilespmem:s29], [sflag:$0x3], $0x80, s15, s0, $0xb8;
	[tilespmem:$0x1D000] =	vst v63  }
0x14a: {  	_ =	swait.ge [sflag:s30], $0x2800  }
0x14b: {  	[sflag:s30] =	ssyncset.done $0x0  }
0x14c: {  	s16 =	simm.s32 $0x0;
	[sflag:s30] =	ssyncadd.s32 $0xFFFFD800  }
0x14d: {  	[tilespmem:s16], [sflag:$0x3] =	stream.linear.gather [hbm4b:s21+s16], $0xC80, $0x38;
	[tilespmem:$0x1D000] =	vst v63  }
0x14e: {  	_ =	swait.ge [sflag:s30], $0xC80  }
0x14f: {  	[sflag:s30] =	ssyncset.done $0x0  }
0x150: {  	[sflag:s30] =	ssyncadd.s32 $0xFFFFF380  }
0x151: {  	[tilespmem:s31], [sflag:$0x3] =	stream.linear.gather [hbm4b:s22+s16], $0xC80, $0x38;
	[tilespmem:$0x1D000] =	vst v63  }
0x152: {  	_ =	swait.ge [sflag:s30], $0xC80  }
0x153: {  	[sflag:s30] =	ssyncset.done $0x0  }
0x154: {  	[sflag:s30] =	ssyncadd.s32 $0xFFFFF380  }
0x155: {  	[tilespmem:s29], [sflag:$0x1] =	stream.indirect.gather [hbm4b:s2+s0], $0x80, s16, s0, $0xb8;
	[tilespmem:$0x1D000] =	vst v63  }
.LBB2_14:
0x156: {  	s11 =	sshra.s32 s16, $0x2  }
0x157: {  	s17 =	sadd.s32 $0x80, s11  }
0x158: {  	[tilespmem:s1], [sflag:$0x2] =	stream.indirect.gather [hbm4b:s2+s0], $0x80, s17, s0, $0xb8;
	[tilespmem:$0x1D000] =	vst v63  }
0x159: {  	v2 =	vld [tilespmem:s11+$0x1000];
	_ =	sdelay $0x7  }
0x15a: {  	[tilespmem:v2+s12+$0x0] =	vst.idx.add.f32.msk $0xffff, v1  }
0x15b: {  	v2 =	vld [tilespmem:s11+$0x1010];
	_ =	sdelay $0x7  }
0x15c: {  	[tilespmem:v2+s12+$0x0] =	vst.idx.add.f32.msk $0xffff, v1  }
0x15d: {  	v2 =	vld [tilespmem:s11+$0x1020];
	_ =	sdelay $0x7  }
0x15e: {  	[tilespmem:v2+s12+$0x0] =	vst.idx.add.f32.msk $0xffff, v1  }
0x15f: {  	v2 =	vld [tilespmem:s11+$0x1030];
	_ =	sdelay $0x7  }
0x160: {  	[tilespmem:v2+s12+$0x0] =	vst.idx.add.f32.msk $0xffff, v1  }
0x161: {  	v2 =	vld [tilespmem:s11+$0x1040];
	_ =	sdelay $0x7  }
0x162: {  	[tilespmem:v2+s12+$0x0] =	vst.idx.add.f32.msk $0xffff, v1  }
0x163: {  	_ =	swait.ge [sflag:s13], $0x2800  }
0x164: {  	[sflag:s13] =	ssyncset.done $0x0  }
0x165: {  	s18 =	sadd.s32 $0x1000, s11;
	[sflag:s13] =	ssyncadd.s32 $0xFFFFD800  }
0x166: {  	[spmem:s3] =	stream.indirect.scatter.add.f32 [tilespmem:s29], [sflag:$0x3], $0x80, s18, s0, $0xb8;
	[tilespmem:$0x1D000] =	vst v63  }
0x167: {  	_ =	swait.ge [sflag:s30], $0x2800  }
0x168: {  	[sflag:s30] =	ssyncset.done $0x0  }
0x169: {  	s18 =	sadd.s32 $0x100, s11;
	[sflag:s30] =	ssyncadd.s32 $0xFFFFD800  }
0x16a: {  	[tilespmem:s29], [sflag:$0x1] =	stream.indirect.gather [hbm4b:s2+s0], $0x80, s18, s0, $0xb8;
	[tilespmem:$0x1D000] =	vst v63  }
0x16b: {  	v2 =	vld [tilespmem:s11+$0x1080];
	_ =	sdelay $0x7  }
0x16c: {  	[tilespmem:v2+s12+$0x0] =	vst.idx.add.f32.msk $0xffff, v1  }
0x16d: {  	v2 =	vld [tilespmem:s11+$0x1090];
	_ =	sdelay $0x7  }
0x16e: {  	[tilespmem:v2+s12+$0x0] =	vst.idx.add.f32.msk $0xffff, v1  }
0x16f: {  	v2 =	vld [tilespmem:s11+$0x10A0];
	_ =	sdelay $0x7  }
0x170: {  	[tilespmem:v2+s12+$0x0] =	vst.idx.add.f32.msk $0xffff, v1  }
0x171: {  	v2 =	vld [tilespmem:s11+$0x10B0];
	_ =	sdelay $0x7  }
0x172: {  	[tilespmem:v2+s12+$0x0] =	vst.idx.add.f32.msk $0xffff, v1  }
0x173: {  	v2 =	vld [tilespmem:s11+$0x10C0];
	_ =	sdelay $0x7  }
0x174: {  	[tilespmem:v2+s12+$0x0] =	vst.idx.add.f32.msk $0xffff, v1  }
0x175: {  	_ =	swait.ge [sflag:s14], $0x2800  }
0x176: {  	p1 =	sne.s32 s16, $0x2C00;
	[sflag:s14] =	ssyncset.done $0x0  }
.Ltmp6:
0x177: {  	s11 =	sadd.s32 $0x1080, s11;
	[sflag:s14] =	ssyncadd.s32 $0xFFFFD800;
	(pc) =	sbr.rel @p1 .LBB2_14-.Ltmp6, $4  }
0x178: {  	[spmem:s3] =	stream.indirect.scatter.add.f32 [tilespmem:s1], [sflag:$0x3], $0x80, s11, s0, $0xb8;
	[tilespmem:$0x1D000] =	vst v63  }
0x179: {  	_ =	swait.ge [sflag:s30], $0x2800  }
0x17a: {  	[sflag:s30] =	ssyncset.done $0x0  }
0x17b: {  	s16 =	sadd.s32 $0x400, s16;
	[sflag:s30] =	ssyncadd.s32 $0xFFFFD800  }
0x17c: {  	v2 =	vld [tilespmem:$0x1C00];
	_ =	sdelay $0x7  }
0x17d: {  	[tilespmem:v2+s12+$0x0] =	vst.idx.add.f32.msk $0xffff, v1  }
0x17e: {  	v2 =	vld [tilespmem:$0x1C10];
	_ =	sdelay $0x7  }
0x17f: {  	[tilespmem:v2+s12+$0x0] =	vst.idx.add.f32.msk $0xffff, v1  }
0x180: {  	v2 =	vld [tilespmem:$0x1C20];
	_ =	sdelay $0x7  }
0x181: {  	[tilespmem:v2+s12+$0x0] =	vst.idx.add.f32.msk $0xffff, v1  }
0x182: {  	v2 =	vld [tilespmem:$0x1C30];
	_ =	sdelay $0x7  }
0x183: {  	[tilespmem:v2+s12+$0x0] =	vst.idx.add.f32.msk $0xffff, v1  }
0x184: {  	v2 =	vld [tilespmem:$0x1C40];
	_ =	sdelay $0x7  }
0x185: {  	[tilespmem:v2+s12+$0x0] =	vst.idx.add.f32.msk $0xffff, v1  }
0x186: {  	_ =	swait.ge [sflag:s13], $0x2800  }
0x187: {  	[sflag:s13] =	ssyncset.done $0x0  }
0x188: {  	[sflag:s13] =	ssyncadd.s32 $0xFFFFD800  }
0x189: {  	[spmem:s3] =	stream.indirect.scatter.add.f32 [tilespmem:s29], [sflag:$0x3], $0x80, s15, s0, $0xb8;
	[tilespmem:$0x1D000] =	vst v63  }
0x18a: {  	_ =	swait.ge [sflag:s30], $0x2800  }
0x18b: {  	[sflag:s30] =	ssyncset.done $0x0  }
0x18c: {  	[sflag:s30] =	ssyncadd.s32 $0xFFFFD800  }
0x18d: {  	s11 =	sshrl.u32 @p0 s19, $0x3;
	s16 =	simm.s32 @p0 $0x1FC3;
	[bflag:$0x0] =	sbarrier.arrive $0xFFFF  }
0x18e: {  	[hbm:s23], [sflag:s16] =	dma.local @p0 [spmem:s11], $0x1900  }
0x18f: {  	s11 =	simm.s32 @p0 $0x3  }
0x190: {  	s16 =	stileid.u32;
	_ =	swait.ge @p0 [sflag:s11], $0x1900  }
0x191: {  	s16 =	sshll.u32 @!p0 s16, $0x6;
	[sflag:s11] =	ssyncset.done @p0 $0x0;
	s17 =	rddreg [dreg:$0x8]  }
0x192: {  	[sflag:s11] =	ssyncadd.s32 @p0 $0xFFFFE700;
	s11 =	sor.u32 @!p0 $0x1C03, s16;
	s16 =	sshrl.u32 @!p0 s5, $0x3  }
0x193: {  	[hbm:s17], [sflag:s11] =	dma.local @!p0 [spmem:s16], $0x2800  }
0x194: {  	s11 =	simm.s32 @!p0 $0x3  }
0x195: {  	s4 =	sadd.s32 $0x1, s4;
	_ =	swait.ge @!p0 [sflag:s11], $0x2800  }
0x196: {  	s18 =	simm.s32 $0x400;
	p1 =	sne.s32 s4, s25;
	[sflag:s11] =	ssyncset.done @!p0 $0x0  }
.Ltmp7:
0x197: {  	s17 =	simm.s32 $0x80;
	[sflag:s11] =	ssyncadd.s32 @!p0 $0xFFFFD800;
	(pc) =	sbr.rel @p1 .LBB2_1-.Ltmp7, $4  }
0x198: {  	[hbm4b:s24+s17] =	stream.strided.scatter [tilespmem:s12], [sflag:$0x3], $0x2780, s18, s17, $0x38;
	[tilespmem:$0x1D000] =	vst v63  }
0x199: {  	_ =	swait.ge [sflag:s30], $0x2780  }
0x19a: {  	[sflag:s30] =	ssyncset.done $0x0  }
0x19b: {  	[sflag:s30] =	ssyncadd.s32 $0xFFFFD880  }
0x19c: {  	_ =	sfence.sel $0x180000  }
0x19d: {  	[bflag:$0x0] =	sbarrier.arrive $0xFFFF  }
0x19e: {  	_ =	strace $0x90000047  }
0x19f: {  	s0 =	stileid.u32;
	[bflag:$0x2] =	sbarrier.arrive $0xFFFF  }
0x1a0: {  	p0 =	sne.s32 s0, $0x0;
	s0 =	rddreg [dreg:$0x3]  }
0x1a1: {  	s0 =	sadd.s32 @!p0 $0x100000, s0  }
0x1a2: {  	[sflag:s0] =	ssyncadd.tile.s32 @!p0 $0x1;
	_ =	shalt  }
.Lfunc_end2:
_tile_overlayer_lowered:
.L_overlay_start_2:
0x1a3: {  	(tag) =	ssettag $0x2  }
0x1a4: {  	s0 =	rddreg [dreg:$0x0];
	s2 =	stileid.u32  }
0x1a5: {  	s1 =	rddreg [dreg:$0x1];
	p0 =	sne.s32 s2, $0x0  }
0x1a6: {  	s3 =	rddreg [dreg:$0x2];
	[bflag:$0x3] =	sbarrier.arrive $0xFFFF;
	s2 =	simm.s32 @!p0 $0x1C03  }
0x1a7: {  	[timem:s3], [sflag:s2] =	dma.local @!p0 [hbm:s0], s1  }
0x1a8: {  	s0 =	simm.s32 @!p0 $0x3  }
0x1a9: {  	_ =	swait.ge @!p0 [sflag:s0], s1  }
0x1aa: {  	s1 =	ssub.s32 @!p0 $0x0, s1;
	[sflag:s0] =	ssyncset.done @!p0 $0x0  }
0x1ab: {  	[sflag:s0] =	ssyncadd.s32 @!p0 s1  }
0x1ac: {  	[bflag:$0x3] =	sbarrier.arrive $0xFFFF  }
0x1ad: {  	_ =	shalt  }

</sc_bundles>
